<compile_context>
chip_gen: v7x
topology: tpu7x:2x2x1
jax: 0.10.2.dev20260603
libtpu: 0.0.44.dev20260713+nightly
codegen_flags: <defaults>
</compile_context>

<pallas_src>
import functools

import jax
import jax.numpy as jnp
from jax import lax
from jax.experimental import pallas as pl
from jax.experimental.pallas import tpu as pltpu
from jax.experimental.pallas import tpu_sc as plsc

N_USER = 50000
N_ITEM = 50000
N_EDGES = 800000
D = 64
B = 16384
L = 16

TRASH = B
CH = 128
R = 16512
RCH = R // CH
NSUB = 16
Q_PER_TILE = B // 32
EPT = N_EDGES // NSUB
BLKE = 400
NBLK = EPT // BLKE
GRP = BLKE // L
STCAP = 640
NSTG = (EPT // CH + 2) * CH

_mesh = plsc.VectorSubcoreMesh(core_axis_name="c", subcore_axis_name="s")
_sc_params = pltpu.CompilerParams(needs_layout_passes=False,
                                  use_tc_tiling_on_sc=False)


def _iota16():
    return lax.iota(jnp.int32, L)


NPAD = 50016
NPACK = NPAD // 2


@functools.partial(
    pl.kernel,
    out_type=(
        jax.ShapeDtypeStruct((NPACK,), jnp.int32),
        jax.ShapeDtypeStruct((NPACK,), jnp.int32),
        jax.ShapeDtypeStruct((B,), jnp.int32),
        jax.ShapeDtypeStruct((B,), jnp.int32),
    ),
    mesh=_mesh,
    compiler_params=_sc_params,
    scratch_types=[
        pltpu.VMEM((2 * B,), jnp.int32),
        pltpu.VMEM((NPAD,), jnp.int32),
        pltpu.VMEM((B,), jnp.int32),
        pltpu.VMEM((B,), jnp.int32),
    ],
)
def _slot_kernel(x_hbm, slotu, sloti, repu, repi, xv, table, ids, rep):
    c = lax.axis_index("c")
    s = lax.axis_index("s")

    @pl.when(s == 0)
    def _():
        pltpu.sync_copy(x_hbm, xv)

        def init_body(i, carry):
            table[pl.ds(i * L, L)] = jnp.full((L,), TRASH, jnp.int32)
            return carry
        lax.fori_loop(0, NPAD // L, init_body, 0)

        def extract_body(q, carry):
            qv = q * L + _iota16()
            v = plsc.load_gather(xv, [qv * 2 + c])
            ids[pl.ds(q * L, L)] = v
            plsc.store_scatter(table, [v], qv)
            return carry
        lax.fori_loop(0, B // L, extract_body, 0)

        def rep_body(q, carry):
            kv = ids[pl.ds(q * L, L)]
            rep[pl.ds(q * L, L)] = plsc.load_gather(table, [kv])
            return carry
        lax.fori_loop(0, B // L, rep_body, 0)

        def pack_body(j, carry):
            jv = j * L + _iota16()
            lo = plsc.load_gather(table, [jv * 2])
            hi = plsc.load_gather(table, [jv * 2 + 1])
            xv[pl.ds(j * L, L)] = lo | (hi << 16)
            return carry
        lax.fori_loop(0, NPACK // L, pack_body, 0)

        @pl.when(c == 0)
        def _():
            pltpu.sync_copy(xv.at[pl.ds(0, NPACK)], slotu)
            pltpu.sync_copy(rep, repu)

        @pl.when(c == 1)
        def _():
            pltpu.sync_copy(xv.at[pl.ds(0, NPACK)], sloti)
            pltpu.sync_copy(rep, repi)


@functools.partial(
    pl.kernel,
    out_type=(
        jax.ShapeDtypeStruct((R, D), jnp.float32),
        jax.ShapeDtypeStruct((R, D), jnp.float32),
        jax.ShapeDtypeStruct((R, L), jnp.float32),
        jax.ShapeDtypeStruct((R, L), jnp.float32),
    ),
    mesh=_mesh,
    compiler_params=_sc_params,
    scratch_types=[
        pltpu.VMEM((NPACK,), jnp.int32),
        pltpu.VMEM((CH,), jnp.int32),
        pltpu.VMEM((CH,), jnp.int32),
        pltpu.VMEM((CH,), jnp.int32),
        pltpu.VMEM((CH, D), jnp.float32),
        pltpu.VMEM((CH, L), jnp.float32),
        pltpu.VMEM_SHARED((R, D), jnp.float32),
        pltpu.VMEM_SHARED((R, L), jnp.float32),
        pltpu.SemaphoreType.DMA,
    ],
)
def _edge_kernel(edge, slotu_h, sloti_h, uemb, iemb,
                 aggi, aggu, degi, degu,
                 table, keyb, payb, slotb, rows, ones, acc, deg, sem):
    c = lax.axis_index("c")
    s = lax.axis_index("s")
    NCH = N_EDGES // CH

    @pl.when(c == 0)
    def _():
        pltpu.sync_copy(slotu_h, table)

    @pl.when(c == 1)
    def _():
        pltpu.sync_copy(sloti_h, table)

    zf = jnp.zeros((L,), jnp.float32)

    def zero_body(i, carry):
        for j in range(D // L):
            rows[i, pl.ds(j * L, L)] = zf
        ones[i, :] = zf
        return carry
    lax.fori_loop(0, CH, zero_body, 0)

    def initacc_body(i, carry):
        cb = s + i * NSUB
        pltpu.sync_copy(rows, acc.at[pl.ds(cb * CH, CH), :])
        pltpu.sync_copy(ones, deg.at[pl.ds(cb * CH, CH), :])
        return carry
    lax.fori_loop(0, (RCH - s + NSUB - 1) // NSUB, initacc_body, 0)

    onev = jnp.ones((L,), jnp.float32)

    def ones_body(i, carry):
        ones[i, :] = onev
        return carry
    lax.fori_loop(0, CH, ones_body, 0)

    plsc.subcore_barrier()

    def edge_body(i, carry):
        ch = s + i * NSUB
        off = ch * CH

        @pl.when(c == 0)
        def _():
            pltpu.sync_copy(edge.at[0, pl.ds(off, CH)], keyb)
            pltpu.sync_copy(edge.at[1, pl.ds(off, CH)], payb)

        @pl.when(c == 1)
        def _():
            pltpu.sync_copy(edge.at[1, pl.ds(off, CH)], keyb)
            pltpu.sync_copy(edge.at[0, pl.ds(off, CH)], payb)

        for k in range(CH // L):
            kv = keyb[pl.ds(k * L, L)]
            wv = plsc.load_gather(table, [lax.shift_right_logical(kv, 1)])
            slot = jnp.where((kv & 1) == 1,
                             lax.shift_right_logical(wv, 16),
                             wv & 0xFFFF)
            slotb[pl.ds(k * L, L)] = slot

        @pl.when(c == 0)
        def _():
            pltpu.async_copy(iemb.at[payb], rows, sem).wait()

        @pl.when(c == 1)
        def _():
            pltpu.async_copy(uemb.at[payb], rows, sem).wait()

        pltpu.sync_copy(rows, acc.at[slotb], add=True)
        pltpu.sync_copy(ones, deg.at[slotb], add=True)
        return carry

    lax.fori_loop(0, (NCH - s + NSUB - 1) // NSUB, edge_body, 0)

    plsc.subcore_barrier()

    def drain_body(i, carry):
        cb = s + i * NSUB
        sl = pl.ds(cb * CH, CH)

        @pl.when(c == 0)
        def _():
            pltpu.sync_copy(acc.at[sl, :], aggi.at[sl, :])
            pltpu.sync_copy(deg.at[sl, :], degi.at[sl, :])

        @pl.when(c == 1)
        def _():
            pltpu.sync_copy(acc.at[sl, :], aggu.at[sl, :])
            pltpu.sync_copy(deg.at[sl, :], degu.at[sl, :])
        return carry
    lax.fori_loop(0, (RCH - s + NSUB - 1) // NSUB, drain_body, 0)


@functools.partial(
    pl.kernel,
    out_type=(
        jax.ShapeDtypeStruct((B, D), jnp.float32),
        jax.ShapeDtypeStruct((B, D), jnp.float32),
        jax.ShapeDtypeStruct((B, D), jnp.float32),
        jax.ShapeDtypeStruct((B, D), jnp.float32),
        jax.ShapeDtypeStruct((B,), jnp.float32),
        jax.ShapeDtypeStruct((B,), jnp.float32),
    ),
    mesh=_mesh,
    compiler_params=_sc_params,
    scratch_types=[
        pltpu.VMEM((2 * Q_PER_TILE,), jnp.int32),
        pltpu.VMEM((Q_PER_TILE,), jnp.int32),
        pltpu.VMEM((Q_PER_TILE,), jnp.int32),
        pltpu.VMEM((Q_PER_TILE, D), jnp.float32),
        pltpu.VMEM((Q_PER_TILE, D), jnp.float32),
        pltpu.VMEM((Q_PER_TILE, L), jnp.float32),
        pltpu.VMEM((N_USER,), jnp.float32),
        pltpu.VMEM((Q_PER_TILE,), jnp.float32),
        pltpu.SemaphoreType.DMA,
    ],
)
def _query_kernel(x_hbm, repu_h, repi_h, uemb, iemb,
                  aggi_h, aggu_h, degi_h, degu_h, ubias_h, ibias_h,
                  ueq, ieq, gcni, gcnu, ubq_o, ibq_o,
                  xv, idsv, repv, erows, arows, drows, btab, bq, sem):
    c = lax.axis_index("c")
    s = lax.axis_index("s")
    w = s * 2 + c
    qb = w * Q_PER_TILE

    pltpu.sync_copy(x_hbm.at[pl.ds(2 * qb, 2 * Q_PER_TILE)], xv)

    def _side(rep_h, emb_h, agg_h, deg_h, bias_h, emb_o, gcn_o, b_o, col):
        pltpu.sync_copy(rep_h.at[pl.ds(qb, Q_PER_TILE)], repv)
        pltpu.sync_copy(bias_h, btab)

        def ext_body(q, carry):
            qv = q * L + _iota16()
            idsv[pl.ds(q * L, L)] = plsc.load_gather(xv, [qv * 2 + col])
            return carry
        lax.fori_loop(0, Q_PER_TILE // L, ext_body, 0)

        pltpu.async_copy(emb_h.at[idsv], erows, sem).wait()
        pltpu.sync_copy(erows, emb_o.at[pl.ds(qb, Q_PER_TILE), :])

        pltpu.async_copy(agg_h.at[repv], arows, sem).wait()
        pltpu.async_copy(deg_h.at[repv], drows, sem).wait()

        def bias_body(q, carry):
            kv = idsv[pl.ds(q * L, L)]
            bq[pl.ds(q * L, L)] = plsc.load_gather(btab, [kv])
            return carry
        lax.fori_loop(0, Q_PER_TILE // L, bias_body, 0)
        pltpu.sync_copy(bq, b_o.at[pl.ds(qb, Q_PER_TILE)])

        def norm_body(r, carry):
            dv = drows[r, :]
            inv = 1.0 / (dv + 1.0)
            for j in range(D // L):
                sl = pl.ds(j * L, L)
                arows[r, sl] = arows[r, sl] * inv
            return carry
        lax.fori_loop(0, Q_PER_TILE, norm_body, 0)
        pltpu.sync_copy(arows, gcn_o.at[pl.ds(qb, Q_PER_TILE), :])

    @pl.when(c == 0)
    def _():
        _side(repu_h, uemb, aggi_h, degi_h, ubias_h, ueq, gcni, ubq_o, 0)

    @pl.when(c == 1)
    def _():
        _side(repi_h, iemb, aggu_h, degu_h, ibias_h, ieq, gcnu, ibq_o, 1)


BM = 2048


def _dense_body(ue_r, ie_r, gi_r, gu_r, bq_r,
                wgu_r, bgu_r, wgi_r, bgi_r,
                w1_r, b1_r, w2_r, b2_r, w3_r, b3_r, out_r):
    f32 = jnp.float32
    dn = (((1,), (1,)), ((), ()))
    ue = ue_r[...]
    ie = ie_r[...]
    gu = lax.dot_general(gu_r[...], wgu_r[...], dn,
                         preferred_element_type=f32) + bgu_r[...]
    gu = jnp.maximum(gu, 0.0)
    gi = lax.dot_general(gi_r[...], wgi_r[...], dn,
                         preferred_element_type=f32) + bgi_r[...]
    gi = jnp.maximum(gi, 0.0)
    xcat = jnp.concatenate([ue * ie, ue * gi, gu * ie, gu * gi], axis=-1)
    x1 = jnp.tanh(lax.dot_general(xcat, w1_r[...], dn,
                                  preferred_element_type=f32) + b1_r[...])
    x2 = jnp.tanh(lax.dot_general(x1, w2_r[...], dn,
                                  preferred_element_type=f32) + b2_r[...])
    x3 = jnp.sum(x2 * w3_r[...], axis=1) + b3_r[0, 0]
    out_r[...] = x3 + bq_r[...]


def _dense(ue, ie, gi, gu, bq, W_gu, b_gu, W_gi, b_gi, W1, b1, W2, b2, W3, b3):
    n_blocks = B // BM
    feat = pl.BlockSpec((BM, D), lambda i: (i, 0))
    vec = pl.BlockSpec((BM,), lambda i: (i,))

    def full(shape):
        return pl.BlockSpec(shape, lambda i: tuple(0 for _ in shape))

    return pl.pallas_call(
        _dense_body,
        grid=(n_blocks,),
        in_specs=[feat, feat, feat, feat, vec,
                  full((D, D)), full((1, D)), full((D, D)), full((1, D)),
                  full((2 * D, 4 * D)), full((1, 2 * D)),
                  full((D, 2 * D)), full((1, D)),
                  full((1, D)), full((1, 1))],
        out_specs=vec,
        out_shape=jax.ShapeDtypeStruct((B,), jnp.float32),
    )(ue, ie, gi, gu, bq, W_gu, b_gu, W_gi, b_gi, W1, b1, W2, b2, W3, b3)


def kernel(x, edge_index, user_embedding, item_embedding,
           W_gu, b_gu, W_gi, b_gi, W1, b1, W2, b2, W3, b3,
           user_bias, item_bias):
    x_flat = x.astype(jnp.int32).reshape(-1)
    edge_index = edge_index.astype(jnp.int32)

    slotu, sloti, repu, repi = _slot_kernel(x_flat)
    aggi, aggu, degi, degu = _edge_kernel(
        edge_index, slotu, sloti, user_embedding, item_embedding)
    ueq, ieq, gcni, gcnu, ubq, ibq = _query_kernel(
        x_flat, repu, repi, user_embedding, item_embedding,
        aggi, aggu, degi, degu,
        user_bias.reshape(-1), item_bias.reshape(-1))

    return _dense(ueq, ieq, gcni, gcnu, ubq + ibq,
                  W_gu, b_gu.reshape(1, D), W_gi, b_gi.reshape(1, D),
                  W1, b1.reshape(1, 2 * D), W2, b2.reshape(1, D),
                  W3, b3.reshape(1, 1))

# --- scband reference (transcript-rebuilt; emitter-appended) ---
"""Pipeline reference for scband-gcmcmodel-50302656971285 (READ-ONLY COPY).

The authoritative reference and input builder live on the scoring server;
editing this copy changes nothing except your own understanding.
"""

import jax, jax.numpy as jnp
import numpy as np

N_USER = 50000
N_ITEM = 50000
N_EDGES = 800000
D = 64
H = 64
B = 16384


def _xavier(k, shape):
    bound = np.sqrt(6.0 / (shape[0] + shape[1]))
    return jax.random.uniform(k, shape, jnp.float32, -bound, bound)


def _linear(k, out_f, in_f):
    k1, k2 = jax.random.split(k)
    bound = 1.0 / np.sqrt(in_f)
    W = jax.random.uniform(k1, (out_f, in_f), jnp.float32, -bound, bound)
    b = jax.random.uniform(k2, (out_f,), jnp.float32, -bound, bound)
    return W, b


def setup_inputs(seed: int = 0):
    key = jax.random.key(seed)
    ks = jax.random.split(key, 10)
    u_ids = jax.random.randint(ks[0], (B,), 0, N_USER)
    i_ids = jax.random.randint(ks[1], (B,), 0, N_ITEM)
    x = jnp.stack([u_ids, i_ids], axis=1)
    e_u = jax.random.randint(ks[2], (N_EDGES,), 0, N_USER)
    e_i = jax.random.randint(ks[3], (N_EDGES,), 0, N_ITEM)
    edge_index = jnp.stack([e_u, e_i], axis=0)
    user_embedding = _xavier(ks[4], (N_USER, D))
    item_embedding = _xavier(ks[5], (N_ITEM, D))
    W_gu, b_gu = _linear(ks[6], D, D)
    W_gi, b_gi = _linear(ks[7], D, D)
    W1, b1 = _linear(ks[8], 2 * H, 4 * D)
    k9a, k9b = jax.random.split(ks[9])
    W2, b2 = _linear(k9a, H, 2 * H)
    W3, b3 = _linear(k9b, 1, H)
    user_bias = jnp.zeros((N_USER, 1), jnp.float32)
    item_bias = jnp.zeros((N_ITEM, 1), jnp.float32)
    return {
        "x": x, "edge_index": edge_index,
        "user_embedding": user_embedding, "item_embedding": item_embedding,
        "W_gu": W_gu, "b_gu": b_gu, "W_gi": W_gi, "b_gi": b_gi,
        "W1": W1, "b1": b1, "W2": W2, "b2": b2, "W3": W3, "b3": b3,
        "user_bias": user_bias, "item_bias": item_bias,
    }


def reference(x, edge_index, user_embedding, item_embedding, W_gu, b_gu, W_gi, b_gi, W1, b1, W2, b2, W3, b3, user_bias, item_bias):
    user_id = x[:, 0]
    item_id = x[:, 1]
    src = edge_index[0]  # user ids
    dst = edge_index[1]  # item ids
    n_edges = edge_index.shape[1]

    user_emb = user_embedding[user_id]
    item_emb = item_embedding[item_id]

    # sparse.mm(edge_ui, item_h) == scatter-add of item features onto users
    agg_item = jax.ops.segment_sum(item_embedding[dst], src, num_segments=N_USER)
    # sparse.mm(edge_iu, user_h) == scatter-add of user features onto items
    agg_user = jax.ops.segment_sum(user_embedding[src], dst, num_segments=N_ITEM)

    ones_e = jnp.ones((n_edges, 1), jnp.float32)
    item_deg = jax.ops.segment_sum(ones_e, src, num_segments=N_USER)
    user_deg = jax.ops.segment_sum(ones_e, dst, num_segments=N_ITEM)

    gcn_item_h_n = agg_item[user_id] / (item_deg[user_id] + 1.0)
    gcn_user_h_n = agg_user[item_id] / (user_deg[item_id] + 1.0)
    # dropout p=0.3 is identity in eval mode

    gcn_user_output = jax.nn.relu(gcn_user_h_n @ W_gu.T + b_gu)
    gcn_item_output = jax.nn.relu(gcn_item_h_n @ W_gi.T + b_gi)

    interaction1 = user_emb * item_emb
    interaction2 = user_emb * gcn_item_output
    interaction3 = gcn_user_output * item_emb
    interaction4 = gcn_user_output * gcn_item_output
    xcat = jnp.concatenate([interaction1, interaction2, interaction3, interaction4], axis=-1)

    x1 = jnp.tanh(xcat @ W1.T + b1)
    x2 = jnp.tanh(x1 @ W2.T + b2)
    x3 = (x2 @ W3.T + b3).reshape(-1)

    user_b = user_bias[user_id].reshape(-1)
    item_b = item_bias[item_id].reshape(-1)
    return x3 + user_b + item_b

if __name__ == "__main__":
    import jax
    _d = setup_inputs()
    print(jax.jit(kernel)(*tuple(_d.values())))

</pallas_src>

<mosaic_0001>
#map = affine_map<(d0, d1) -> (0)>
#map1 = affine_map<(d0, d1) -> (0, 0)>
module attributes {stable_mosaic.version = 14 : i64} {
  func.func @_query_kernel(%arg0: i32, %arg1: i32, %arg2: memref<32768xi32, #tpu.memory_space<hbm>>, %arg3: memref<16384xi32, #tpu.memory_space<hbm>>, %arg4: memref<16384xi32, #tpu.memory_space<hbm>>, %arg5: memref<50000x64xf32, #tpu.memory_space<hbm>>, %arg6: memref<50000x64xf32, #tpu.memory_space<hbm>>, %arg7: memref<16512x64xf32, #tpu.memory_space<hbm>>, %arg8: memref<16512x64xf32, #tpu.memory_space<hbm>>, %arg9: memref<16512x16xf32, #tpu.memory_space<hbm>>, %arg10: memref<16512x16xf32, #tpu.memory_space<hbm>>, %arg11: memref<50000xf32, #tpu.memory_space<hbm>>, %arg12: memref<50000xf32, #tpu.memory_space<hbm>>, %arg13: memref<16384x64xf32, #tpu.memory_space<hbm>>, %arg14: memref<16384x64xf32, #tpu.memory_space<hbm>>, %arg15: memref<16384x64xf32, #tpu.memory_space<hbm>>, %arg16: memref<16384x64xf32, #tpu.memory_space<hbm>>, %arg17: memref<16384xf32, #tpu.memory_space<hbm>>, %arg18: memref<16384xf32, #tpu.memory_space<hbm>>, %arg19: memref<1024xi32, #tpu.memory_space<vmem>>, %arg20: memref<512xi32, #tpu.memory_space<vmem>>, %arg21: memref<512xi32, #tpu.memory_space<vmem>>, %arg22: memref<512x64xf32, #tpu.memory_space<vmem>>, %arg23: memref<512x64xf32, #tpu.memory_space<vmem>>, %arg24: memref<512x16xf32, #tpu.memory_space<vmem>>, %arg25: memref<50000xf32, #tpu.memory_space<vmem>>, %arg26: memref<512xf32, #tpu.memory_space<vmem>>, %arg27: memref<!tpu.dma_semaphore, #tpu.memory_space<semaphore_mem>>) attributes {dimension_semantics = [#tpu.dimension_semantics<core_parallel>, #tpu.dimension_semantics<subcore_parallel>], iteration_bounds = array<i64: 2, 16>, scalar_prefetch = 0 : i64, scratch_operands = 9 : i64, tpu.core_type = #tpu.core_type<sc_vector_subcore>, window_params = [{transform_indices = #map}, {transform_indices = #map}, {transform_indices = #map}, {transform_indices = #map1}, {transform_indices = #map1}, {transform_indices = #map1}, {transform_indices = #map1}, {transform_indices = #map1}, {transform_indices = #map1}, {transform_indices = #map}, {transform_indices = #map}, {transform_indices = #map1}, {transform_indices = #map1}, {transform_indices = #map1}, {transform_indices = #map1}, {transform_indices = #map}, {transform_indices = #map}]} {
    %mul3A = arith.constant 2 : i32
    %mul3A_0 = arith.muli %arg1, %mul3A : i32
    %add3A = arith.addi %mul3A_0, %arg0 : i32
    %mul3A_1 = arith.constant 512 : i32
    %mul3A_2 = arith.muli %add3A, %mul3A_1 : i32
    %mul3A_3 = arith.constant 2 : i32
    %mul3A_4 = arith.muli %mul3A_3, %mul3A_2 : i32
    "tpu.region"() ({
      %run_scoped3A = tpu.sem_alloc : memref<!tpu.dma_semaphore, #tpu.memory_space<semaphore_mem>>
      %dma_start3A = tpu.memref_slice %arg2[%mul3A_4] : memref<32768xi32, #tpu.memory_space<hbm>> -> memref<1024xi32, #tpu.memory_space<hbm>>
      %dma_start3A_12 = tpu.memref_slice %arg2[%mul3A_4] : memref<32768xi32, #tpu.memory_space<hbm>> -> memref<1024xi32, #tpu.memory_space<hbm>>
      tpu.enqueue_dma source(%dma_start3A_12 : memref<1024xi32, #tpu.memory_space<hbm>>) target(%arg19 : memref<1024xi32, #tpu.memory_space<vmem>>) target_semaphore(%run_scoped3A : memref<!tpu.dma_semaphore, #tpu.memory_space<semaphore_mem>>)
      %dma_wait3A = tpu.memref_slice %arg2[%mul3A_4] : memref<32768xi32, #tpu.memory_space<hbm>> -> memref<1024xi32, #tpu.memory_space<hbm>>
      %dma_wait3A_13 = tpu.memref_slice %arg2[%mul3A_4] : memref<32768xi32, #tpu.memory_space<hbm>> -> memref<1024xi32, #tpu.memory_space<hbm>>
      tpu.wait_dma2 semaphore(%run_scoped3A : memref<!tpu.dma_semaphore, #tpu.memory_space<semaphore_mem>>) src(%dma_wait3A_13 : memref<1024xi32, #tpu.memory_space<hbm>>) dst(%arg19 : memref<1024xi32, #tpu.memory_space<vmem>>)
      tpu.yield
    }) : () -> ()
    %eq3A = arith.constant 0 : i32
    %eq3A_5 = arith.cmpi eq, %arg0, %eq3A : i32
    %convert_element_type3A = arith.extui %eq3A_5 : i1 to i32
    %cond3A = arith.constant 0 : i32
    %cond3A_6 = arith.cmpi ne, %convert_element_type3A, %cond3A : i32
    scf.if %cond3A_6 {
      "tpu.region"() ({
        %run_scoped3A = tpu.sem_alloc : memref<!tpu.dma_semaphore, #tpu.memory_space<semaphore_mem>>
        %dma_start3A_45 = tpu.memref_slice %arg3[%mul3A_2] : memref<16384xi32, #tpu.memory_space<hbm>> -> memref<512xi32, #tpu.memory_space<hbm>>
        %dma_start3A_46 = tpu.memref_slice %arg3[%mul3A_2] : memref<16384xi32, #tpu.memory_space<hbm>> -> memref<512xi32, #tpu.memory_space<hbm>>
        tpu.enqueue_dma source(%dma_start3A_46 : memref<512xi32, #tpu.memory_space<hbm>>) target(%arg21 : memref<512xi32, #tpu.memory_space<vmem>>) target_semaphore(%run_scoped3A : memref<!tpu.dma_semaphore, #tpu.memory_space<semaphore_mem>>)
        %dma_wait3A_47 = tpu.memref_slice %arg3[%mul3A_2] : memref<16384xi32, #tpu.memory_space<hbm>> -> memref<512xi32, #tpu.memory_space<hbm>>
        %dma_wait3A_48 = tpu.memref_slice %arg3[%mul3A_2] : memref<16384xi32, #tpu.memory_space<hbm>> -> memref<512xi32, #tpu.memory_space<hbm>>
        tpu.wait_dma2 semaphore(%run_scoped3A : memref<!tpu.dma_semaphore, #tpu.memory_space<semaphore_mem>>) src(%dma_wait3A_48 : memref<512xi32, #tpu.memory_space<hbm>>) dst(%arg21 : memref<512xi32, #tpu.memory_space<vmem>>)
        tpu.yield
      }) : () -> ()
      "tpu.region"() ({
        %run_scoped3A = tpu.sem_alloc : memref<!tpu.dma_semaphore, #tpu.memory_space<semaphore_mem>>
        tpu.enqueue_dma source(%arg11 : memref<50000xf32, #tpu.memory_space<hbm>>) target(%arg25 : memref<50000xf32, #tpu.memory_space<vmem>>) target_semaphore(%run_scoped3A : memref<!tpu.dma_semaphore, #tpu.memory_space<semaphore_mem>>)
        tpu.wait_dma2 semaphore(%run_scoped3A : memref<!tpu.dma_semaphore, #tpu.memory_space<semaphore_mem>>) src(%arg11 : memref<50000xf32, #tpu.memory_space<hbm>>) dst(%arg25 : memref<50000xf32, #tpu.memory_space<vmem>>)
        tpu.yield
      }) : () -> ()
      %scan3A = arith.constant 0 : i32
      %scan3A_12 = arith.constant 0 : i32
      %scan3A_13 = arith.constant 32 : i32
      %scan3A_14 = arith.addi %scan3A_12, %scan3A_13 : i32
      %scan3A_15 = arith.constant 1 : i32
      scf.for %scan3A_45 = %scan3A_12 to %scan3A_14 step %scan3A_15  : i32 {
        %mul3A_46 = arith.constant 16 : i32
        %mul3A_47 = arith.muli %scan3A_45, %mul3A_46 : i32
        %iota3A = tpu.iota {dimensions = array<i32: 0>} : vector<16xi32>
        %add3A_48 = vector.broadcast %mul3A_47 : i32 to vector<16xi32>
        %add3A_49 = arith.addi %add3A_48, %iota3A : vector<16xi32>
        %mul3A_50 = arith.constant 2 : i32
        %mul3A_51 = vector.broadcast %mul3A_50 : i32 to vector<16xi32>
        %mul3A_52 = arith.muli %add3A_49, %mul3A_51 : vector<16xi32>
        %add3A_53 = arith.constant 0 : i32
        %add3A_54 = vector.broadcast %add3A_53 : i32 to vector<16xi32>
        %add3A_55 = arith.addi %mul3A_52, %add3A_54 : vector<16xi32>
        %gather3A = tpu.vector_load_idx %arg19[%add3A_55] : memref<1024xi32, #tpu.memory_space<vmem>>[vector<16xi32>], vector<16xi32>,
        %mul3A_56 = arith.constant 16 : i32
        %mul3A_57 = arith.muli %scan3A_45, %mul3A_56 : i32
        %swap3A = arith.index_cast %mul3A_57 : i32 to index
        %swap3A_58 = tpu.vector_load %arg20[%swap3A] {strides = array<i32>} : memref<512xi32, #tpu.memory_space<vmem>>, vector<16xi32>,
        tpu.vector_store %arg20[%swap3A], %gather3A {strides = array<i32>} : memref<512xi32, #tpu.memory_space<vmem>>, vector<16xi32>,
      }
      %scan3A_16 = arith.constant 32 : i32
      %dma_start3A = arith.constant 0 : i32
      %dma_start3A_17 = arith.constant 0 : i32
      %dma_start3A_18 = tpu.memref_slice %arg5[%dma_start3A, %dma_start3A_17] : memref<50000x64xf32, #tpu.memory_space<hbm>> -> memref<50000x64xf32, #tpu.memory_space<hbm>>
      tpu.enqueue_indirect_dma source(%dma_start3A_18 : memref<50000x64xf32, #tpu.memory_space<hbm>>) target(%arg22 : memref<512x64xf32, #tpu.memory_space<vmem>>) offsets(%arg20 : memref<512xi32, #tpu.memory_space<vmem>>) semaphore(%arg27 : memref<!tpu.dma_semaphore, #tpu.memory_space<semaphore_mem>>)
      %dma_wait3A = arith.constant 0 : i32
      %dma_wait3A_19 = arith.constant 0 : i32
      %dma_wait3A_20 = tpu.memref_slice %arg5[%dma_wait3A, %dma_wait3A_19] : memref<50000x64xf32, #tpu.memory_space<hbm>> -> memref<50000x64xf32, #tpu.memory_space<hbm>>
      tpu.wait_indirect_dma semaphore(%arg27 : memref<!tpu.dma_semaphore, #tpu.memory_space<semaphore_mem>>) src(%dma_wait3A_20 : memref<50000x64xf32, #tpu.memory_space<hbm>>) dst(%arg22 : memref<512x64xf32, #tpu.memory_space<vmem>>)
      "tpu.region"() ({
        %run_scoped3A = tpu.sem_alloc : memref<!tpu.dma_semaphore, #tpu.memory_space<semaphore_mem>>
        %dma_start3A_45 = arith.constant 0 : i32
        %dma_start3A_46 = tpu.memref_slice %arg13[%mul3A_2, %dma_start3A_45] : memref<16384x64xf32, #tpu.memory_space<hbm>> -> memref<512x64xf32, #tpu.memory_space<hbm>>
        %dma_start3A_47 = arith.constant 0 : i32
        %dma_start3A_48 = tpu.memref_slice %arg13[%mul3A_2, %dma_start3A_47] : memref<16384x64xf32, #tpu.memory_space<hbm>> -> memref<512x64xf32, #tpu.memory_space<hbm>>
        tpu.enqueue_dma source(%arg22 : memref<512x64xf32, #tpu.memory_space<vmem>>) target(%dma_start3A_48 : memref<512x64xf32, #tpu.memory_space<hbm>>) target_semaphore(%run_scoped3A : memref<!tpu.dma_semaphore, #tpu.memory_space<semaphore_mem>>)
        %dma_wait3A_49 = arith.constant 0 : i32
        %dma_wait3A_50 = tpu.memref_slice %arg13[%mul3A_2, %dma_wait3A_49] : memref<16384x64xf32, #tpu.memory_space<hbm>> -> memref<512x64xf32, #tpu.memory_space<hbm>>
        %dma_wait3A_51 = arith.constant 0 : i32
        %dma_wait3A_52 = tpu.memref_slice %arg13[%mul3A_2, %dma_wait3A_51] : memref<16384x64xf32, #tpu.memory_space<hbm>> -> memref<512x64xf32, #tpu.memory_space<hbm>>
        tpu.wait_dma2 semaphore(%run_scoped3A : memref<!tpu.dma_semaphore, #tpu.memory_space<semaphore_mem>>) src(%arg22 : memref<512x64xf32, #tpu.memory_space<vmem>>) dst(%dma_wait3A_52 : memref<512x64xf32, #tpu.memory_space<hbm>>)
        tpu.yield
      }) : () -> ()
      %dma_start3A_21 = arith.constant 0 : i32
      %dma_start3A_22 = arith.constant 0 : i32
      %dma_start3A_23 = tpu.memref_slice %arg7[%dma_start3A_21, %dma_start3A_22] : memref<16512x64xf32, #tpu.memory_space<hbm>> -> memref<16512x64xf32, #tpu.memory_space<hbm>>
      tpu.enqueue_indirect_dma source(%dma_start3A_23 : memref<16512x64xf32, #tpu.memory_space<hbm>>) target(%arg23 : memref<512x64xf32, #tpu.memory_space<vmem>>) offsets(%arg21 : memref<512xi32, #tpu.memory_space<vmem>>) semaphore(%arg27 : memref<!tpu.dma_semaphore, #tpu.memory_space<semaphore_mem>>)
      %dma_wait3A_24 = arith.constant 0 : i32
      %dma_wait3A_25 = arith.constant 0 : i32
      %dma_wait3A_26 = tpu.memref_slice %arg7[%dma_wait3A_24, %dma_wait3A_25] : memref<16512x64xf32, #tpu.memory_space<hbm>> -> memref<16512x64xf32, #tpu.memory_space<hbm>>
      tpu.wait_indirect_dma semaphore(%arg27 : memref<!tpu.dma_semaphore, #tpu.memory_space<semaphore_mem>>) src(%dma_wait3A_26 : memref<16512x64xf32, #tpu.memory_space<hbm>>) dst(%arg23 : memref<512x64xf32, #tpu.memory_space<vmem>>)
      %dma_start3A_27 = arith.constant 0 : i32
      %dma_start3A_28 = arith.constant 0 : i32
      %dma_start3A_29 = tpu.memref_slice %arg9[%dma_start3A_27, %dma_start3A_28] : memref<16512x16xf32, #tpu.memory_space<hbm>> -> memref<16512x16xf32, #tpu.memory_space<hbm>>
      tpu.enqueue_indirect_dma source(%dma_start3A_29 : memref<16512x16xf32, #tpu.memory_space<hbm>>) target(%arg24 : memref<512x16xf32, #tpu.memory_space<vmem>>) offsets(%arg21 : memref<512xi32, #tpu.memory_space<vmem>>) semaphore(%arg27 : memref<!tpu.dma_semaphore, #tpu.memory_space<semaphore_mem>>)
      %dma_wait3A_30 = arith.constant 0 : i32
      %dma_wait3A_31 = arith.constant 0 : i32
      %dma_wait3A_32 = tpu.memref_slice %arg9[%dma_wait3A_30, %dma_wait3A_31] : memref<16512x16xf32, #tpu.memory_space<hbm>> -> memref<16512x16xf32, #tpu.memory_space<hbm>>
      tpu.wait_indirect_dma semaphore(%arg27 : memref<!tpu.dma_semaphore, #tpu.memory_space<semaphore_mem>>) src(%dma_wait3A_32 : memref<16512x16xf32, #tpu.memory_space<hbm>>) dst(%arg24 : memref<512x16xf32, #tpu.memory_space<vmem>>)
      %scan3A_33 = arith.constant 0 : i32
      %scan3A_34 = arith.constant 0 : i32
      %scan3A_35 = arith.constant 32 : i32
      %scan3A_36 = arith.addi %scan3A_34, %scan3A_35 : i32
      %scan3A_37 = arith.constant 1 : i32
      scf.for %scan3A_45 = %scan3A_34 to %scan3A_36 step %scan3A_37  : i32 {
        %mul3A_46 = arith.constant 16 : i32
        %mul3A_47 = arith.muli %scan3A_45, %mul3A_46 : i32
        %get3A = arith.index_cast %mul3A_47 : i32 to index
        %get3A_48 = tpu.vector_load %arg20[%get3A] {strides = array<i32>} : memref<512xi32, #tpu.memory_space<vmem>>, vector<16xi32>,
        %gather3A = tpu.vector_load_idx %arg25[%get3A_48] : memref<50000xf32, #tpu.memory_space<vmem>>[vector<16xi32>], vector<16xf32>,
        %mul3A_49 = arith.constant 16 : i32
        %mul3A_50 = arith.muli %scan3A_45, %mul3A_49 : i32
        %swap3A = arith.index_cast %mul3A_50 : i32 to index
        %swap3A_51 = tpu.vector_load %arg26[%swap3A] {strides = array<i32>} : memref<512xf32, #tpu.memory_space<vmem>>, vector<16xf32>,
        tpu.vector_store %arg26[%swap3A], %gather3A {strides = array<i32>} : memref<512xf32, #tpu.memory_space<vmem>>, vector<16xf32>,
      }
      %scan3A_38 = arith.constant 32 : i32
      "tpu.region"() ({
        %run_scoped3A = tpu.sem_alloc : memref<!tpu.dma_semaphore, #tpu.memory_space<semaphore_mem>>
        %dma_start3A_45 = tpu.memref_slice %arg17[%mul3A_2] : memref<16384xf32, #tpu.memory_space<hbm>> -> memref<512xf32, #tpu.memory_space<hbm>>
        %dma_start3A_46 = tpu.memref_slice %arg17[%mul3A_2] : memref<16384xf32, #tpu.memory_space<hbm>> -> memref<512xf32, #tpu.memory_space<hbm>>
        tpu.enqueue_dma source(%arg26 : memref<512xf32, #tpu.memory_space<vmem>>) target(%dma_start3A_46 : memref<512xf32, #tpu.memory_space<hbm>>) target_semaphore(%run_scoped3A : memref<!tpu.dma_semaphore, #tpu.memory_space<semaphore_mem>>)
        %dma_wait3A_47 = tpu.memref_slice %arg17[%mul3A_2] : memref<16384xf32, #tpu.memory_space<hbm>> -> memref<512xf32, #tpu.memory_space<hbm>>
        %dma_wait3A_48 = tpu.memref_slice %arg17[%mul3A_2] : memref<16384xf32, #tpu.memory_space<hbm>> -> memref<512xf32, #tpu.memory_space<hbm>>
        tpu.wait_dma2 semaphore(%run_scoped3A : memref<!tpu.dma_semaphore, #tpu.memory_space<semaphore_mem>>) src(%arg26 : memref<512xf32, #tpu.memory_space<vmem>>) dst(%dma_wait3A_48 : memref<512xf32, #tpu.memory_space<hbm>>)
        tpu.yield
      }) : () -> ()
      %scan3A_39 = arith.constant 0 : i32
      %scan3A_40 = arith.constant 0 : i32
      %scan3A_41 = arith.constant 512 : i32
      %scan3A_42 = arith.addi %scan3A_40, %scan3A_41 : i32
      %scan3A_43 = arith.constant 1 : i32
      scf.for %scan3A_45 = %scan3A_40 to %scan3A_42 step %scan3A_43  : i32 {
        %get3A = arith.index_cast %scan3A_45 : i32 to index
        %get3A_46 = arith.constant 0 : index
        %get3A_47 = tpu.vector_load %arg24[%get3A, %get3A_46] {strides = array<i32>} : memref<512x16xf32, #tpu.memory_space<vmem>>, vector<16xf32>,
        %add3A_48 = arith.constant 1.000000e+00 : f32
        %add3A_49 = vector.broadcast %add3A_48 : f32 to vector<16xf32>
        %add3A_50 = arith.addf %get3A_47, %add3A_49 : vector<16xf32>
        %div3A = arith.constant 1.000000e+00 : f32
        %div3A_51 = vector.broadcast %div3A : f32 to vector<16xf32>
        %div3A_52 = arith.divf %div3A_51, %add3A_50 : vector<16xf32>
        %get3A_53 = arith.index_cast %scan3A_45 : i32 to index
        %get3A_54 = arith.constant 0 : index
        %get3A_55 = tpu.vector_load %arg23[%get3A_53, %get3A_54] {strides = array<i32>} : memref<512x64xf32, #tpu.memory_space<vmem>>, vector<16xf32>,
        %mul3A_56 = arith.mulf %get3A_55, %div3A_52 : vector<16xf32>
        %swap3A = arith.index_cast %scan3A_45 : i32 to index
        %swap3A_57 = arith.constant 0 : index
        %swap3A_58 = tpu.vector_load %arg23[%swap3A, %swap3A_57] {strides = array<i32>} : memref<512x64xf32, #tpu.memory_space<vmem>>, vector<16xf32>,
        tpu.vector_store %arg23[%swap3A, %swap3A_57], %mul3A_56 {strides = array<i32>} : memref<512x64xf32, #tpu.memory_space<vmem>>, vector<16xf32>,
        %get3A_59 = arith.index_cast %scan3A_45 : i32 to index
        %get3A_60 = arith.constant 16 : index
        %get3A_61 = tpu.vector_load %arg23[%get3A_59, %get3A_60] {strides = array<i32>} : memref<512x64xf32, #tpu.memory_space<vmem>>, vector<16xf32>,
        %mul3A_62 = arith.mulf %get3A_61, %div3A_52 : vector<16xf32>
        %swap3A_63 = arith.index_cast %scan3A_45 : i32 to index
        %swap3A_64 = arith.constant 16 : index
        %swap3A_65 = tpu.vector_load %arg23[%swap3A_63, %swap3A_64] {strides = array<i32>} : memref<512x64xf32, #tpu.memory_space<vmem>>, vector<16xf32>,
        tpu.vector_store %arg23[%swap3A_63, %swap3A_64], %mul3A_62 {strides = array<i32>} : memref<512x64xf32, #tpu.memory_space<vmem>>, vector<16xf32>,
        %get3A_66 = arith.index_cast %scan3A_45 : i32 to index
        %get3A_67 = arith.constant 32 : index
        %get3A_68 = tpu.vector_load %arg23[%get3A_66, %get3A_67] {strides = array<i32>} : memref<512x64xf32, #tpu.memory_space<vmem>>, vector<16xf32>,
        %mul3A_69 = arith.mulf %get3A_68, %div3A_52 : vector<16xf32>
        %swap3A_70 = arith.index_cast %scan3A_45 : i32 to index
        %swap3A_71 = arith.constant 32 : index
        %swap3A_72 = tpu.vector_load %arg23[%swap3A_70, %swap3A_71] {strides = array<i32>} : memref<512x64xf32, #tpu.memory_space<vmem>>, vector<16xf32>,
        tpu.vector_store %arg23[%swap3A_70, %swap3A_71], %mul3A_69 {strides = array<i32>} : memref<512x64xf32, #tpu.memory_space<vmem>>, vector<16xf32>,
        %get3A_73 = arith.index_cast %scan3A_45 : i32 to index
        %get3A_74 = arith.constant 48 : index
        %get3A_75 = tpu.vector_load %arg23[%get3A_73, %get3A_74] {strides = array<i32>} : memref<512x64xf32, #tpu.memory_space<vmem>>, vector<16xf32>,
        %mul3A_76 = arith.mulf %get3A_75, %div3A_52 : vector<16xf32>
        %swap3A_77 = arith.index_cast %scan3A_45 : i32 to index
        %swap3A_78 = arith.constant 48 : index
        %swap3A_79 = tpu.vector_load %arg23[%swap3A_77, %swap3A_78] {strides = array<i32>} : memref<512x64xf32, #tpu.memory_space<vmem>>, vector<16xf32>,
        tpu.vector_store %arg23[%swap3A_77, %swap3A_78], %mul3A_76 {strides = array<i32>} : memref<512x64xf32, #tpu.memory_space<vmem>>, vector<16xf32>,
      }
      %scan3A_44 = arith.constant 512 : i32
      "tpu.region"() ({
        %run_scoped3A = tpu.sem_alloc : memref<!tpu.dma_semaphore, #tpu.memory_space<semaphore_mem>>
        %dma_start3A_45 = arith.constant 0 : i32
        %dma_start3A_46 = tpu.memref_slice %arg15[%mul3A_2, %dma_start3A_45] : memref<16384x64xf32, #tpu.memory_space<hbm>> -> memref<512x64xf32, #tpu.memory_space<hbm>>
        %dma_start3A_47 = arith.constant 0 : i32
        %dma_start3A_48 = tpu.memref_slice %arg15[%mul3A_2, %dma_start3A_47] : memref<16384x64xf32, #tpu.memory_space<hbm>> -> memref<512x64xf32, #tpu.memory_space<hbm>>
        tpu.enqueue_dma source(%arg23 : memref<512x64xf32, #tpu.memory_space<vmem>>) target(%dma_start3A_48 : memref<512x64xf32, #tpu.memory_space<hbm>>) target_semaphore(%run_scoped3A : memref<!tpu.dma_semaphore, #tpu.memory_space<semaphore_mem>>)
        %dma_wait3A_49 = arith.constant 0 : i32
        %dma_wait3A_50 = tpu.memref_slice %arg15[%mul3A_2, %dma_wait3A_49] : memref<16384x64xf32, #tpu.memory_space<hbm>> -> memref<512x64xf32, #tpu.memory_space<hbm>>
        %dma_wait3A_51 = arith.constant 0 : i32
        %dma_wait3A_52 = tpu.memref_slice %arg15[%mul3A_2, %dma_wait3A_51] : memref<16384x64xf32, #tpu.memory_space<hbm>> -> memref<512x64xf32, #tpu.memory_space<hbm>>
        tpu.wait_dma2 semaphore(%run_scoped3A : memref<!tpu.dma_semaphore, #tpu.memory_space<semaphore_mem>>) src(%arg23 : memref<512x64xf32, #tpu.memory_space<vmem>>) dst(%dma_wait3A_52 : memref<512x64xf32, #tpu.memory_space<hbm>>)
        tpu.yield
      }) : () -> ()
    } else {
    }
    %eq3A_7 = arith.constant 1 : i32
    %eq3A_8 = arith.cmpi eq, %arg0, %eq3A_7 : i32
    %convert_element_type3A_9 = arith.extui %eq3A_8 : i1 to i32
    %cond3A_10 = arith.constant 0 : i32
    %cond3A_11 = arith.cmpi ne, %convert_element_type3A_9, %cond3A_10 : i32
    scf.if %cond3A_11 {
      "tpu.region"() ({
        %run_scoped3A = tpu.sem_alloc : memref<!tpu.dma_semaphore, #tpu.memory_space<semaphore_mem>>
        %dma_start3A_45 = tpu.memref_slice %arg4[%mul3A_2] : memref<16384xi32, #tpu.memory_space<hbm>> -> memref<512xi32, #tpu.memory_space<hbm>>
        %dma_start3A_46 = tpu.memref_slice %arg4[%mul3A_2] : memref<16384xi32, #tpu.memory_space<hbm>> -> memref<512xi32, #tpu.memory_space<hbm>>
        tpu.enqueue_dma source(%dma_start3A_46 : memref<512xi32, #tpu.memory_space<hbm>>) target(%arg21 : memref<512xi32, #tpu.memory_space<vmem>>) target_semaphore(%run_scoped3A : memref<!tpu.dma_semaphore, #tpu.memory_space<semaphore_mem>>)
        %dma_wait3A_47 = tpu.memref_slice %arg4[%mul3A_2] : memref<16384xi32, #tpu.memory_space<hbm>> -> memref<512xi32, #tpu.memory_space<hbm>>
        %dma_wait3A_48 = tpu.memref_slice %arg4[%mul3A_2] : memref<16384xi32, #tpu.memory_space<hbm>> -> memref<512xi32, #tpu.memory_space<hbm>>
        tpu.wait_dma2 semaphore(%run_scoped3A : memref<!tpu.dma_semaphore, #tpu.memory_space<semaphore_mem>>) src(%dma_wait3A_48 : memref<512xi32, #tpu.memory_space<hbm>>) dst(%arg21 : memref<512xi32, #tpu.memory_space<vmem>>)
        tpu.yield
      }) : () -> ()
      "tpu.region"() ({
        %run_scoped3A = tpu.sem_alloc : memref<!tpu.dma_semaphore, #tpu.memory_space<semaphore_mem>>
        tpu.enqueue_dma source(%arg12 : memref<50000xf32, #tpu.memory_space<hbm>>) target(%arg25 : memref<50000xf32, #tpu.memory_space<vmem>>) target_semaphore(%run_scoped3A : memref<!tpu.dma_semaphore, #tpu.memory_space<semaphore_mem>>)
        tpu.wait_dma2 semaphore(%run_scoped3A : memref<!tpu.dma_semaphore, #tpu.memory_space<semaphore_mem>>) src(%arg12 : memref<50000xf32, #tpu.memory_space<hbm>>) dst(%arg25 : memref<50000xf32, #tpu.memory_space<vmem>>)
        tpu.yield
      }) : () -> ()
      %scan3A = arith.constant 0 : i32
      %scan3A_12 = arith.constant 0 : i32
      %scan3A_13 = arith.constant 32 : i32
      %scan3A_14 = arith.addi %scan3A_12, %scan3A_13 : i32
      %scan3A_15 = arith.constant 1 : i32
      scf.for %scan3A_45 = %scan3A_12 to %scan3A_14 step %scan3A_15  : i32 {
        %mul3A_46 = arith.constant 16 : i32
        %mul3A_47 = arith.muli %scan3A_45, %mul3A_46 : i32
        %iota3A = tpu.iota {dimensions = array<i32: 0>} : vector<16xi32>
        %add3A_48 = vector.broadcast %mul3A_47 : i32 to vector<16xi32>
        %add3A_49 = arith.addi %add3A_48, %iota3A : vector<16xi32>
        %mul3A_50 = arith.constant 2 : i32
        %mul3A_51 = vector.broadcast %mul3A_50 : i32 to vector<16xi32>
        %mul3A_52 = arith.muli %add3A_49, %mul3A_51 : vector<16xi32>
        %add3A_53 = arith.constant 1 : i32
        %add3A_54 = vector.broadcast %add3A_53 : i32 to vector<16xi32>
        %add3A_55 = arith.addi %mul3A_52, %add3A_54 : vector<16xi32>
        %gather3A = tpu.vector_load_idx %arg19[%add3A_55] : memref<1024xi32, #tpu.memory_space<vmem>>[vector<16xi32>], vector<16xi32>,
        %mul3A_56 = arith.constant 16 : i32
        %mul3A_57 = arith.muli %scan3A_45, %mul3A_56 : i32
        %swap3A = arith.index_cast %mul3A_57 : i32 to index
        %swap3A_58 = tpu.vector_load %arg20[%swap3A] {strides = array<i32>} : memref<512xi32, #tpu.memory_space<vmem>>, vector<16xi32>,
        tpu.vector_store %arg20[%swap3A], %gather3A {strides = array<i32>} : memref<512xi32, #tpu.memory_space<vmem>>, vector<16xi32>,
      }
      %scan3A_16 = arith.constant 32 : i32
      %dma_start3A = arith.constant 0 : i32
      %dma_start3A_17 = arith.constant 0 : i32
      %dma_start3A_18 = tpu.memref_slice %arg6[%dma_start3A, %dma_start3A_17] : memref<50000x64xf32, #tpu.memory_space<hbm>> -> memref<50000x64xf32, #tpu.memory_space<hbm>>
      tpu.enqueue_indirect_dma source(%dma_start3A_18 : memref<50000x64xf32, #tpu.memory_space<hbm>>) target(%arg22 : memref<512x64xf32, #tpu.memory_space<vmem>>) offsets(%arg20 : memref<512xi32, #tpu.memory_space<vmem>>) semaphore(%arg27 : memref<!tpu.dma_semaphore, #tpu.memory_space<semaphore_mem>>)
      %dma_wait3A = arith.constant 0 : i32
      %dma_wait3A_19 = arith.constant 0 : i32
      %dma_wait3A_20 = tpu.memref_slice %arg6[%dma_wait3A, %dma_wait3A_19] : memref<50000x64xf32, #tpu.memory_space<hbm>> -> memref<50000x64xf32, #tpu.memory_space<hbm>>
      tpu.wait_indirect_dma semaphore(%arg27 : memref<!tpu.dma_semaphore, #tpu.memory_space<semaphore_mem>>) src(%dma_wait3A_20 : memref<50000x64xf32, #tpu.memory_space<hbm>>) dst(%arg22 : memref<512x64xf32, #tpu.memory_space<vmem>>)
      "tpu.region"() ({
        %run_scoped3A = tpu.sem_alloc : memref<!tpu.dma_semaphore, #tpu.memory_space<semaphore_mem>>
        %dma_start3A_45 = arith.constant 0 : i32
        %dma_start3A_46 = tpu.memref_slice %arg14[%mul3A_2, %dma_start3A_45] : memref<16384x64xf32, #tpu.memory_space<hbm>> -> memref<512x64xf32, #tpu.memory_space<hbm>>
        %dma_start3A_47 = arith.constant 0 : i32
        %dma_start3A_48 = tpu.memref_slice %arg14[%mul3A_2, %dma_start3A_47] : memref<16384x64xf32, #tpu.memory_space<hbm>> -> memref<512x64xf32, #tpu.memory_space<hbm>>
        tpu.enqueue_dma source(%arg22 : memref<512x64xf32, #tpu.memory_space<vmem>>) target(%dma_start3A_48 : memref<512x64xf32, #tpu.memory_space<hbm>>) target_semaphore(%run_scoped3A : memref<!tpu.dma_semaphore, #tpu.memory_space<semaphore_mem>>)
        %dma_wait3A_49 = arith.constant 0 : i32
        %dma_wait3A_50 = tpu.memref_slice %arg14[%mul3A_2, %dma_wait3A_49] : memref<16384x64xf32, #tpu.memory_space<hbm>> -> memref<512x64xf32, #tpu.memory_space<hbm>>
        %dma_wait3A_51 = arith.constant 0 : i32
        %dma_wait3A_52 = tpu.memref_slice %arg14[%mul3A_2, %dma_wait3A_51] : memref<16384x64xf32, #tpu.memory_space<hbm>> -> memref<512x64xf32, #tpu.memory_space<hbm>>
        tpu.wait_dma2 semaphore(%run_scoped3A : memref<!tpu.dma_semaphore, #tpu.memory_space<semaphore_mem>>) src(%arg22 : memref<512x64xf32, #tpu.memory_space<vmem>>) dst(%dma_wait3A_52 : memref<512x64xf32, #tpu.memory_space<hbm>>)
        tpu.yield
      }) : () -> ()
      %dma_start3A_21 = arith.constant 0 : i32
      %dma_start3A_22 = arith.constant 0 : i32
      %dma_start3A_23 = tpu.memref_slice %arg8[%dma_start3A_21, %dma_start3A_22] : memref<16512x64xf32, #tpu.memory_space<hbm>> -> memref<16512x64xf32, #tpu.memory_space<hbm>>
      tpu.enqueue_indirect_dma source(%dma_start3A_23 : memref<16512x64xf32, #tpu.memory_space<hbm>>) target(%arg23 : memref<512x64xf32, #tpu.memory_space<vmem>>) offsets(%arg21 : memref<512xi32, #tpu.memory_space<vmem>>) semaphore(%arg27 : memref<!tpu.dma_semaphore, #tpu.memory_space<semaphore_mem>>)
      %dma_wait3A_24 = arith.constant 0 : i32
      %dma_wait3A_25 = arith.constant 0 : i32
      %dma_wait3A_26 = tpu.memref_slice %arg8[%dma_wait3A_24, %dma_wait3A_25] : memref<16512x64xf32, #tpu.memory_space<hbm>> -> memref<16512x64xf32, #tpu.memory_space<hbm>>
      tpu.wait_indirect_dma semaphore(%arg27 : memref<!tpu.dma_semaphore, #tpu.memory_space<semaphore_mem>>) src(%dma_wait3A_26 : memref<16512x64xf32, #tpu.memory_space<hbm>>) dst(%arg23 : memref<512x64xf32, #tpu.memory_space<vmem>>)
      %dma_start3A_27 = arith.constant 0 : i32
      %dma_start3A_28 = arith.constant 0 : i32
      %dma_start3A_29 = tpu.memref_slice %arg10[%dma_start3A_27, %dma_start3A_28] : memref<16512x16xf32, #tpu.memory_space<hbm>> -> memref<16512x16xf32, #tpu.memory_space<hbm>>
      tpu.enqueue_indirect_dma source(%dma_start3A_29 : memref<16512x16xf32, #tpu.memory_space<hbm>>) target(%arg24 : memref<512x16xf32, #tpu.memory_space<vmem>>) offsets(%arg21 : memref<512xi32, #tpu.memory_space<vmem>>) semaphore(%arg27 : memref<!tpu.dma_semaphore, #tpu.memory_space<semaphore_mem>>)
      %dma_wait3A_30 = arith.constant 0 : i32
      %dma_wait3A_31 = arith.constant 0 : i32
      %dma_wait3A_32 = tpu.memref_slice %arg10[%dma_wait3A_30, %dma_wait3A_31] : memref<16512x16xf32, #tpu.memory_space<hbm>> -> memref<16512x16xf32, #tpu.memory_space<hbm>>
      tpu.wait_indirect_dma semaphore(%arg27 : memref<!tpu.dma_semaphore, #tpu.memory_space<semaphore_mem>>) src(%dma_wait3A_32 : memref<16512x16xf32, #tpu.memory_space<hbm>>) dst(%arg24 : memref<512x16xf32, #tpu.memory_space<vmem>>)
      %scan3A_33 = arith.constant 0 : i32
      %scan3A_34 = arith.constant 0 : i32
      %scan3A_35 = arith.constant 32 : i32
      %scan3A_36 = arith.addi %scan3A_34, %scan3A_35 : i32
      %scan3A_37 = arith.constant 1 : i32
      scf.for %scan3A_45 = %scan3A_34 to %scan3A_36 step %scan3A_37  : i32 {
        %mul3A_46 = arith.constant 16 : i32
        %mul3A_47 = arith.muli %scan3A_45, %mul3A_46 : i32
        %get3A = arith.index_cast %mul3A_47 : i32 to index
        %get3A_48 = tpu.vector_load %arg20[%get3A] {strides = array<i32>} : memref<512xi32, #tpu.memory_space<vmem>>, vector<16xi32>,
        %gather3A = tpu.vector_load_idx %arg25[%get3A_48] : memref<50000xf32, #tpu.memory_space<vmem>>[vector<16xi32>], vector<16xf32>,
        %mul3A_49 = arith.constant 16 : i32
        %mul3A_50 = arith.muli %scan3A_45, %mul3A_49 : i32
        %swap3A = arith.index_cast %mul3A_50 : i32 to index
        %swap3A_51 = tpu.vector_load %arg26[%swap3A] {strides = array<i32>} : memref<512xf32, #tpu.memory_space<vmem>>, vector<16xf32>,
        tpu.vector_store %arg26[%swap3A], %gather3A {strides = array<i32>} : memref<512xf32, #tpu.memory_space<vmem>>, vector<16xf32>,
      }
      %scan3A_38 = arith.constant 32 : i32
      "tpu.region"() ({
        %run_scoped3A = tpu.sem_alloc : memref<!tpu.dma_semaphore, #tpu.memory_space<semaphore_mem>>
        %dma_start3A_45 = tpu.memref_slice %arg18[%mul3A_2] : memref<16384xf32, #tpu.memory_space<hbm>> -> memref<512xf32, #tpu.memory_space<hbm>>
        %dma_start3A_46 = tpu.memref_slice %arg18[%mul3A_2] : memref<16384xf32, #tpu.memory_space<hbm>> -> memref<512xf32, #tpu.memory_space<hbm>>
        tpu.enqueue_dma source(%arg26 : memref<512xf32, #tpu.memory_space<vmem>>) target(%dma_start3A_46 : memref<512xf32, #tpu.memory_space<hbm>>) target_semaphore(%run_scoped3A : memref<!tpu.dma_semaphore, #tpu.memory_space<semaphore_mem>>)
        %dma_wait3A_47 = tpu.memref_slice %arg18[%mul3A_2] : memref<16384xf32, #tpu.memory_space<hbm>> -> memref<512xf32, #tpu.memory_space<hbm>>
        %dma_wait3A_48 = tpu.memref_slice %arg18[%mul3A_2] : memref<16384xf32, #tpu.memory_space<hbm>> -> memref<512xf32, #tpu.memory_space<hbm>>
        tpu.wait_dma2 semaphore(%run_scoped3A : memref<!tpu.dma_semaphore, #tpu.memory_space<semaphore_mem>>) src(%arg26 : memref<512xf32, #tpu.memory_space<vmem>>) dst(%dma_wait3A_48 : memref<512xf32, #tpu.memory_space<hbm>>)
        tpu.yield
      }) : () -> ()
      %scan3A_39 = arith.constant 0 : i32
      %scan3A_40 = arith.constant 0 : i32
      %scan3A_41 = arith.constant 512 : i32
      %scan3A_42 = arith.addi %scan3A_40, %scan3A_41 : i32
      %scan3A_43 = arith.constant 1 : i32
      scf.for %scan3A_45 = %scan3A_40 to %scan3A_42 step %scan3A_43  : i32 {
        %get3A = arith.index_cast %scan3A_45 : i32 to index
        %get3A_46 = arith.constant 0 : index
        %get3A_47 = tpu.vector_load %arg24[%get3A, %get3A_46] {strides = array<i32>} : memref<512x16xf32, #tpu.memory_space<vmem>>, vector<16xf32>,
        %add3A_48 = arith.constant 1.000000e+00 : f32
        %add3A_49 = vector.broadcast %add3A_48 : f32 to vector<16xf32>
        %add3A_50 = arith.addf %get3A_47, %add3A_49 : vector<16xf32>
        %div3A = arith.constant 1.000000e+00 : f32
        %div3A_51 = vector.broadcast %div3A : f32 to vector<16xf32>
        %div3A_52 = arith.divf %div3A_51, %add3A_50 : vector<16xf32>
        %get3A_53 = arith.index_cast %scan3A_45 : i32 to index
        %get3A_54 = arith.constant 0 : index
        %get3A_55 = tpu.vector_load %arg23[%get3A_53, %get3A_54] {strides = array<i32>} : memref<512x64xf32, #tpu.memory_space<vmem>>, vector<16xf32>,
        %mul3A_56 = arith.mulf %get3A_55, %div3A_52 : vector<16xf32>
        %swap3A = arith.index_cast %scan3A_45 : i32 to index
        %swap3A_57 = arith.constant 0 : index
        %swap3A_58 = tpu.vector_load %arg23[%swap3A, %swap3A_57] {strides = array<i32>} : memref<512x64xf32, #tpu.memory_space<vmem>>, vector<16xf32>,
        tpu.vector_store %arg23[%swap3A, %swap3A_57], %mul3A_56 {strides = array<i32>} : memref<512x64xf32, #tpu.memory_space<vmem>>, vector<16xf32>,
        %get3A_59 = arith.index_cast %scan3A_45 : i32 to index
        %get3A_60 = arith.constant 16 : index
        %get3A_61 = tpu.vector_load %arg23[%get3A_59, %get3A_60] {strides = array<i32>} : memref<512x64xf32, #tpu.memory_space<vmem>>, vector<16xf32>,
        %mul3A_62 = arith.mulf %get3A_61, %div3A_52 : vector<16xf32>
        %swap3A_63 = arith.index_cast %scan3A_45 : i32 to index
        %swap3A_64 = arith.constant 16 : index
        %swap3A_65 = tpu.vector_load %arg23[%swap3A_63, %swap3A_64] {strides = array<i32>} : memref<512x64xf32, #tpu.memory_space<vmem>>, vector<16xf32>,
        tpu.vector_store %arg23[%swap3A_63, %swap3A_64], %mul3A_62 {strides = array<i32>} : memref<512x64xf32, #tpu.memory_space<vmem>>, vector<16xf32>,
        %get3A_66 = arith.index_cast %scan3A_45 : i32 to index
        %get3A_67 = arith.constant 32 : index
        %get3A_68 = tpu.vector_load %arg23[%get3A_66, %get3A_67] {strides = array<i32>} : memref<512x64xf32, #tpu.memory_space<vmem>>, vector<16xf32>,
        %mul3A_69 = arith.mulf %get3A_68, %div3A_52 : vector<16xf32>
        %swap3A_70 = arith.index_cast %scan3A_45 : i32 to index
        %swap3A_71 = arith.constant 32 : index
        %swap3A_72 = tpu.vector_load %arg23[%swap3A_70, %swap3A_71] {strides = array<i32>} : memref<512x64xf32, #tpu.memory_space<vmem>>, vector<16xf32>,
        tpu.vector_store %arg23[%swap3A_70, %swap3A_71], %mul3A_69 {strides = array<i32>} : memref<512x64xf32, #tpu.memory_space<vmem>>, vector<16xf32>,
        %get3A_73 = arith.index_cast %scan3A_45 : i32 to index
        %get3A_74 = arith.constant 48 : index
        %get3A_75 = tpu.vector_load %arg23[%get3A_73, %get3A_74] {strides = array<i32>} : memref<512x64xf32, #tpu.memory_space<vmem>>, vector<16xf32>,
        %mul3A_76 = arith.mulf %get3A_75, %div3A_52 : vector<16xf32>
        %swap3A_77 = arith.index_cast %scan3A_45 : i32 to index
        %swap3A_78 = arith.constant 48 : index
        %swap3A_79 = tpu.vector_load %arg23[%swap3A_77, %swap3A_78] {strides = array<i32>} : memref<512x64xf32, #tpu.memory_space<vmem>>, vector<16xf32>,
        tpu.vector_store %arg23[%swap3A_77, %swap3A_78], %mul3A_76 {strides = array<i32>} : memref<512x64xf32, #tpu.memory_space<vmem>>, vector<16xf32>,
      }
      %scan3A_44 = arith.constant 512 : i32
      "tpu.region"() ({
        %run_scoped3A = tpu.sem_alloc : memref<!tpu.dma_semaphore, #tpu.memory_space<semaphore_mem>>
        %dma_start3A_45 = arith.constant 0 : i32
        %dma_start3A_46 = tpu.memref_slice %arg16[%mul3A_2, %dma_start3A_45] : memref<16384x64xf32, #tpu.memory_space<hbm>> -> memref<512x64xf32, #tpu.memory_space<hbm>>
        %dma_start3A_47 = arith.constant 0 : i32
        %dma_start3A_48 = tpu.memref_slice %arg16[%mul3A_2, %dma_start3A_47] : memref<16384x64xf32, #tpu.memory_space<hbm>> -> memref<512x64xf32, #tpu.memory_space<hbm>>
        tpu.enqueue_dma source(%arg23 : memref<512x64xf32, #tpu.memory_space<vmem>>) target(%dma_start3A_48 : memref<512x64xf32, #tpu.memory_space<hbm>>) target_semaphore(%run_scoped3A : memref<!tpu.dma_semaphore, #tpu.memory_space<semaphore_mem>>)
        %dma_wait3A_49 = arith.constant 0 : i32
        %dma_wait3A_50 = tpu.memref_slice %arg16[%mul3A_2, %dma_wait3A_49] : memref<16384x64xf32, #tpu.memory_space<hbm>> -> memref<512x64xf32, #tpu.memory_space<hbm>>
        %dma_wait3A_51 = arith.constant 0 : i32
        %dma_wait3A_52 = tpu.memref_slice %arg16[%mul3A_2, %dma_wait3A_51] : memref<16384x64xf32, #tpu.memory_space<hbm>> -> memref<512x64xf32, #tpu.memory_space<hbm>>
        tpu.wait_dma2 semaphore(%run_scoped3A : memref<!tpu.dma_semaphore, #tpu.memory_space<semaphore_mem>>) src(%arg23 : memref<512x64xf32, #tpu.memory_space<vmem>>) dst(%dma_wait3A_52 : memref<512x64xf32, #tpu.memory_space<hbm>>)
        tpu.yield
      }) : () -> ()
    } else {
    }
    return
  }
}

#map = affine_map<(d0, d1) -> (0, 0)>
#map1 = affine_map<(d0, d1) -> (0)>
module attributes {stable_mosaic.version = 14 : i64} {
  func.func @_edge_kernel(%arg0: i32, %arg1: i32, %arg2: memref<2x800000xi32, #tpu.memory_space<hbm>>, %arg3: memref<25008xi32, #tpu.memory_space<hbm>>, %arg4: memref<25008xi32, #tpu.memory_space<hbm>>, %arg5: memref<50000x64xf32, #tpu.memory_space<hbm>>, %arg6: memref<50000x64xf32, #tpu.memory_space<hbm>>, %arg7: memref<16512x64xf32, #tpu.memory_space<hbm>>, %arg8: memref<16512x64xf32, #tpu.memory_space<hbm>>, %arg9: memref<16512x16xf32, #tpu.memory_space<hbm>>, %arg10: memref<16512x16xf32, #tpu.memory_space<hbm>>, %arg11: memref<25008xi32, #tpu.memory_space<vmem>>, %arg12: memref<128xi32, #tpu.memory_space<vmem>>, %arg13: memref<128xi32, #tpu.memory_space<vmem>>, %arg14: memref<128xi32, #tpu.memory_space<vmem>>, %arg15: memref<128x64xf32, #tpu.memory_space<vmem>>, %arg16: memref<128x16xf32, #tpu.memory_space<vmem>>, %arg17: memref<16512x64xf32, #tpu.memory_space<vmem_shared>>, %arg18: memref<16512x16xf32, #tpu.memory_space<vmem_shared>>, %arg19: memref<!tpu.dma_semaphore, #tpu.memory_space<semaphore_mem>>) attributes {dimension_semantics = [#tpu.dimension_semantics<core_parallel>, #tpu.dimension_semantics<subcore_parallel>], iteration_bounds = array<i64: 2, 16>, scalar_prefetch = 0 : i64, scratch_operands = 9 : i64, tpu.core_type = #tpu.core_type<sc_vector_subcore>, window_params = [{transform_indices = #map}, {transform_indices = #map1}, {transform_indices = #map1}, {transform_indices = #map}, {transform_indices = #map}, {transform_indices = #map}, {transform_indices = #map}, {transform_indices = #map}, {transform_indices = #map}]} {
    %eq3A = arith.constant 0 : i32
    %eq3A_0 = arith.cmpi eq, %arg0, %eq3A : i32
    %convert_element_type3A = arith.extui %eq3A_0 : i1 to i32
    %cond3A = arith.constant 0 : i32
    %cond3A_1 = arith.cmpi ne, %convert_element_type3A, %cond3A : i32
    scf.if %cond3A_1 {
      "tpu.region"() ({
        %run_scoped3A = tpu.sem_alloc : memref<!tpu.dma_semaphore, #tpu.memory_space<semaphore_mem>>
        tpu.enqueue_dma source(%arg3 : memref<25008xi32, #tpu.memory_space<hbm>>) target(%arg11 : memref<25008xi32, #tpu.memory_space<vmem>>) target_semaphore(%run_scoped3A : memref<!tpu.dma_semaphore, #tpu.memory_space<semaphore_mem>>)
        tpu.wait_dma2 semaphore(%run_scoped3A : memref<!tpu.dma_semaphore, #tpu.memory_space<semaphore_mem>>) src(%arg3 : memref<25008xi32, #tpu.memory_space<hbm>>) dst(%arg11 : memref<25008xi32, #tpu.memory_space<vmem>>)
        tpu.yield
      }) : () -> ()
    } else {
    }
    %eq3A_2 = arith.constant 1 : i32
    %eq3A_3 = arith.cmpi eq, %arg0, %eq3A_2 : i32
    %convert_element_type3A_4 = arith.extui %eq3A_3 : i1 to i32
    %cond3A_5 = arith.constant 0 : i32
    %cond3A_6 = arith.cmpi ne, %convert_element_type3A_4, %cond3A_5 : i32
    scf.if %cond3A_6 {
      "tpu.region"() ({
        %run_scoped3A = tpu.sem_alloc : memref<!tpu.dma_semaphore, #tpu.memory_space<semaphore_mem>>
        tpu.enqueue_dma source(%arg4 : memref<25008xi32, #tpu.memory_space<hbm>>) target(%arg11 : memref<25008xi32, #tpu.memory_space<vmem>>) target_semaphore(%run_scoped3A : memref<!tpu.dma_semaphore, #tpu.memory_space<semaphore_mem>>)
        tpu.wait_dma2 semaphore(%run_scoped3A : memref<!tpu.dma_semaphore, #tpu.memory_space<semaphore_mem>>) src(%arg4 : memref<25008xi32, #tpu.memory_space<hbm>>) dst(%arg11 : memref<25008xi32, #tpu.memory_space<vmem>>)
        tpu.yield
      }) : () -> ()
    } else {
    }
    %broadcast_in_dim3A = arith.constant 0.000000e+00 : f32
    %broadcast_in_dim3A_7 = vector.broadcast %broadcast_in_dim3A : f32 to vector<16xf32>
    %scan3A = arith.constant 0 : i32
    %scan3A_8 = arith.constant 0 : i32
    %scan3A_9 = arith.constant 128 : i32
    %scan3A_10 = arith.addi %scan3A_8, %scan3A_9 : i32
    %scan3A_11 = arith.constant 1 : i32
    scf.for %scan3A_132 = %scan3A_8 to %scan3A_10 step %scan3A_11  : i32 {
      %swap3A = arith.index_cast %scan3A_132 : i32 to index
      %swap3A_133 = arith.constant 0 : index
      %swap3A_134 = tpu.vector_load %arg15[%swap3A, %swap3A_133] {strides = array<i32>} : memref<128x64xf32, #tpu.memory_space<vmem>>, vector<16xf32>,
      tpu.vector_store %arg15[%swap3A, %swap3A_133], %broadcast_in_dim3A_7 {strides = array<i32>} : memref<128x64xf32, #tpu.memory_space<vmem>>, vector<16xf32>,
      %swap3A_135 = arith.index_cast %scan3A_132 : i32 to index
      %swap3A_136 = arith.constant 16 : index
      %swap3A_137 = tpu.vector_load %arg15[%swap3A_135, %swap3A_136] {strides = array<i32>} : memref<128x64xf32, #tpu.memory_space<vmem>>, vector<16xf32>,
      tpu.vector_store %arg15[%swap3A_135, %swap3A_136], %broadcast_in_dim3A_7 {strides = array<i32>} : memref<128x64xf32, #tpu.memory_space<vmem>>, vector<16xf32>,
      %swap3A_138 = arith.index_cast %scan3A_132 : i32 to index
      %swap3A_139 = arith.constant 32 : index
      %swap3A_140 = tpu.vector_load %arg15[%swap3A_138, %swap3A_139] {strides = array<i32>} : memref<128x64xf32, #tpu.memory_space<vmem>>, vector<16xf32>,
      tpu.vector_store %arg15[%swap3A_138, %swap3A_139], %broadcast_in_dim3A_7 {strides = array<i32>} : memref<128x64xf32, #tpu.memory_space<vmem>>, vector<16xf32>,
      %swap3A_141 = arith.index_cast %scan3A_132 : i32 to index
      %swap3A_142 = arith.constant 48 : index
      %swap3A_143 = tpu.vector_load %arg15[%swap3A_141, %swap3A_142] {strides = array<i32>} : memref<128x64xf32, #tpu.memory_space<vmem>>, vector<16xf32>,
      tpu.vector_store %arg15[%swap3A_141, %swap3A_142], %broadcast_in_dim3A_7 {strides = array<i32>} : memref<128x64xf32, #tpu.memory_space<vmem>>, vector<16xf32>,
      %swap3A_144 = arith.index_cast %scan3A_132 : i32 to index
      %swap3A_145 = arith.constant 0 : index
      %swap3A_146 = tpu.vector_load %arg16[%swap3A_144, %swap3A_145] {strides = array<i32>} : memref<128x16xf32, #tpu.memory_space<vmem>>, vector<16xf32>,
      tpu.vector_store %arg16[%swap3A_144, %swap3A_145], %broadcast_in_dim3A_7 {strides = array<i32>} : memref<128x16xf32, #tpu.memory_space<vmem>>, vector<16xf32>,
    }
    %scan3A_12 = arith.constant 128 : i32
    %sub3A = arith.constant 129 : i32
    %sub3A_13 = arith.subi %sub3A, %arg1 : i32
    %add3A = arith.constant 16 : i32
    %add3A_14 = arith.addi %sub3A_13, %add3A : i32
    %sub3A_15 = arith.constant 1 : i32
    %sub3A_16 = arith.subi %add3A_14, %sub3A_15 : i32
    %jit3A = arith.constant 16 : i32
    %div3A = arith.divsi %sub3A_16, %jit3A : i32
    %sign3A = arith.constant 0 : i32
    %sign3A_17 = arith.cmpi sgt, %sub3A_16, %sign3A : i32
    %sign3A_18 = arith.extui %sign3A_17 : i1 to i32
    %sign3A_19 = arith.constant 0 : i32
    %sign3A_20 = arith.cmpi slt, %sub3A_16, %sign3A_19 : i32
    %sign3A_21 = arith.extui %sign3A_20 : i1 to i32
    %sign3A_22 = arith.subi %sign3A_18, %sign3A_21 : i32
    %sign3A_23 = arith.constant 0 : i32
    %sign3A_24 = arith.cmpi sgt, %jit3A, %sign3A_23 : i32
    %sign3A_25 = arith.extui %sign3A_24 : i1 to i32
    %sign3A_26 = arith.constant 0 : i32
    %sign3A_27 = arith.cmpi slt, %jit3A, %sign3A_26 : i32
    %sign3A_28 = arith.extui %sign3A_27 : i1 to i32
    %sign3A_29 = arith.subi %sign3A_25, %sign3A_28 : i32
    %ne3A = arith.cmpi ne, %sign3A_22, %sign3A_29 : i32
    %rem3A = arith.remsi %sub3A_16, %jit3A : i32
    %ne3A_30 = arith.constant 0 : i32
    %ne3A_31 = arith.cmpi ne, %rem3A, %ne3A_30 : i32
    %and3A = arith.andi %ne3A, %ne3A_31 : i1
    %sub3A_32 = arith.constant 1 : i32
    %sub3A_33 = arith.subi %div3A, %sub3A_32 : i32
    %select_n3A = arith.select %and3A, %sub3A_33, %div3A : i32
    %while3A = arith.constant 0 : i32
    %while3A_34 = arith.constant 0 : i32
    %while3A_35 = arith.subi %select_n3A, %while3A_34 : i32
    %while3A_36 = arith.addi %while3A_34, %while3A_35 : i32
    %while3A_37 = arith.constant 1 : i32
    %while3A_38 = arith.divsi %while3A_35, %while3A_37 : i32
    %while3A_39 = arith.muli %while3A_38, %while3A_37 : i32
    %while3A_40 = arith.addi %while3A_34, %while3A_39 : i32
    %while3A_41 = arith.constant 1 : i32
    scf.for %while3A_132 = %while3A_34 to %while3A_40 step %while3A_41  : i32 {
      %mul3A = arith.constant 16 : i32
      %mul3A_133 = arith.muli %while3A_132, %mul3A : i32
      %add3A_134 = arith.addi %arg1, %mul3A_133 : i32
      %mul3A_135 = arith.constant 128 : i32
      %mul3A_136 = arith.muli %add3A_134, %mul3A_135 : i32
      "tpu.region"() ({
        %run_scoped3A = tpu.sem_alloc : memref<!tpu.dma_semaphore, #tpu.memory_space<semaphore_mem>>
        %dma_start3A = arith.constant 0 : i32
        %dma_start3A_139 = tpu.memref_slice %arg17[%mul3A_136, %dma_start3A] : memref<16512x64xf32, #tpu.memory_space<vmem_shared>> -> memref<128x64xf32, #tpu.memory_space<vmem_shared>>
        %dma_start3A_140 = arith.constant 0 : i32
        %dma_start3A_141 = tpu.memref_slice %arg17[%mul3A_136, %dma_start3A_140] : memref<16512x64xf32, #tpu.memory_space<vmem_shared>> -> memref<128x64xf32, #tpu.memory_space<vmem_shared>>
        tpu.enqueue_dma source(%arg15 : memref<128x64xf32, #tpu.memory_space<vmem>>) target(%dma_start3A_141 : memref<128x64xf32, #tpu.memory_space<vmem_shared>>) target_semaphore(%run_scoped3A : memref<!tpu.dma_semaphore, #tpu.memory_space<semaphore_mem>>)
        %dma_wait3A = arith.constant 0 : i32
        %dma_wait3A_142 = tpu.memref_slice %arg17[%mul3A_136, %dma_wait3A] : memref<16512x64xf32, #tpu.memory_space<vmem_shared>> -> memref<128x64xf32, #tpu.memory_space<vmem_shared>>
        %dma_wait3A_143 = arith.constant 0 : i32
        %dma_wait3A_144 = tpu.memref_slice %arg17[%mul3A_136, %dma_wait3A_143] : memref<16512x64xf32, #tpu.memory_space<vmem_shared>> -> memref<128x64xf32, #tpu.memory_space<vmem_shared>>
        tpu.wait_dma2 semaphore(%run_scoped3A : memref<!tpu.dma_semaphore, #tpu.memory_space<semaphore_mem>>) src(%arg15 : memref<128x64xf32, #tpu.memory_space<vmem>>) dst(%dma_wait3A_144 : memref<128x64xf32, #tpu.memory_space<vmem_shared>>)
        tpu.yield
      }) : () -> ()
      %mul3A_137 = arith.constant 128 : i32
      %mul3A_138 = arith.muli %add3A_134, %mul3A_137 : i32
      "tpu.region"() ({
        %run_scoped3A = tpu.sem_alloc : memref<!tpu.dma_semaphore, #tpu.memory_space<semaphore_mem>>
        %dma_start3A = arith.constant 0 : i32
        %dma_start3A_139 = tpu.memref_slice %arg18[%mul3A_138, %dma_start3A] : memref<16512x16xf32, #tpu.memory_space<vmem_shared>> -> memref<128x16xf32, #tpu.memory_space<vmem_shared>>
        %dma_start3A_140 = arith.constant 0 : i32
        %dma_start3A_141 = tpu.memref_slice %arg18[%mul3A_138, %dma_start3A_140] : memref<16512x16xf32, #tpu.memory_space<vmem_shared>> -> memref<128x16xf32, #tpu.memory_space<vmem_shared>>
        tpu.enqueue_dma source(%arg16 : memref<128x16xf32, #tpu.memory_space<vmem>>) target(%dma_start3A_141 : memref<128x16xf32, #tpu.memory_space<vmem_shared>>) target_semaphore(%run_scoped3A : memref<!tpu.dma_semaphore, #tpu.memory_space<semaphore_mem>>)
        %dma_wait3A = arith.constant 0 : i32
        %dma_wait3A_142 = tpu.memref_slice %arg18[%mul3A_138, %dma_wait3A] : memref<16512x16xf32, #tpu.memory_space<vmem_shared>> -> memref<128x16xf32, #tpu.memory_space<vmem_shared>>
        %dma_wait3A_143 = arith.constant 0 : i32
        %dma_wait3A_144 = tpu.memref_slice %arg18[%mul3A_138, %dma_wait3A_143] : memref<16512x16xf32, #tpu.memory_space<vmem_shared>> -> memref<128x16xf32, #tpu.memory_space<vmem_shared>>
        tpu.wait_dma2 semaphore(%run_scoped3A : memref<!tpu.dma_semaphore, #tpu.memory_space<semaphore_mem>>) src(%arg16 : memref<128x16xf32, #tpu.memory_space<vmem>>) dst(%dma_wait3A_144 : memref<128x16xf32, #tpu.memory_space<vmem_shared>>)
        tpu.yield
      }) : () -> ()
    }
    %while3A_42 = arith.constant 1 : i32
    scf.for %while3A_132 = %while3A_40 to %while3A_36 step %while3A_42  : i32 {
      %mul3A = arith.constant 16 : i32
      %mul3A_133 = arith.muli %while3A_132, %mul3A : i32
      %add3A_134 = arith.addi %arg1, %mul3A_133 : i32
      %mul3A_135 = arith.constant 128 : i32
      %mul3A_136 = arith.muli %add3A_134, %mul3A_135 : i32
      "tpu.region"() ({
        %run_scoped3A = tpu.sem_alloc : memref<!tpu.dma_semaphore, #tpu.memory_space<semaphore_mem>>
        %dma_start3A = arith.constant 0 : i32
        %dma_start3A_139 = tpu.memref_slice %arg17[%mul3A_136, %dma_start3A] : memref<16512x64xf32, #tpu.memory_space<vmem_shared>> -> memref<128x64xf32, #tpu.memory_space<vmem_shared>>
        %dma_start3A_140 = arith.constant 0 : i32
        %dma_start3A_141 = tpu.memref_slice %arg17[%mul3A_136, %dma_start3A_140] : memref<16512x64xf32, #tpu.memory_space<vmem_shared>> -> memref<128x64xf32, #tpu.memory_space<vmem_shared>>
        tpu.enqueue_dma source(%arg15 : memref<128x64xf32, #tpu.memory_space<vmem>>) target(%dma_start3A_141 : memref<128x64xf32, #tpu.memory_space<vmem_shared>>) target_semaphore(%run_scoped3A : memref<!tpu.dma_semaphore, #tpu.memory_space<semaphore_mem>>)
        %dma_wait3A = arith.constant 0 : i32
        %dma_wait3A_142 = tpu.memref_slice %arg17[%mul3A_136, %dma_wait3A] : memref<16512x64xf32, #tpu.memory_space<vmem_shared>> -> memref<128x64xf32, #tpu.memory_space<vmem_shared>>
        %dma_wait3A_143 = arith.constant 0 : i32
        %dma_wait3A_144 = tpu.memref_slice %arg17[%mul3A_136, %dma_wait3A_143] : memref<16512x64xf32, #tpu.memory_space<vmem_shared>> -> memref<128x64xf32, #tpu.memory_space<vmem_shared>>
        tpu.wait_dma2 semaphore(%run_scoped3A : memref<!tpu.dma_semaphore, #tpu.memory_space<semaphore_mem>>) src(%arg15 : memref<128x64xf32, #tpu.memory_space<vmem>>) dst(%dma_wait3A_144 : memref<128x64xf32, #tpu.memory_space<vmem_shared>>)
        tpu.yield
      }) : () -> ()
      %mul3A_137 = arith.constant 128 : i32
      %mul3A_138 = arith.muli %add3A_134, %mul3A_137 : i32
      "tpu.region"() ({
        %run_scoped3A = tpu.sem_alloc : memref<!tpu.dma_semaphore, #tpu.memory_space<semaphore_mem>>
        %dma_start3A = arith.constant 0 : i32
        %dma_start3A_139 = tpu.memref_slice %arg18[%mul3A_138, %dma_start3A] : memref<16512x16xf32, #tpu.memory_space<vmem_shared>> -> memref<128x16xf32, #tpu.memory_space<vmem_shared>>
        %dma_start3A_140 = arith.constant 0 : i32
        %dma_start3A_141 = tpu.memref_slice %arg18[%mul3A_138, %dma_start3A_140] : memref<16512x16xf32, #tpu.memory_space<vmem_shared>> -> memref<128x16xf32, #tpu.memory_space<vmem_shared>>
        tpu.enqueue_dma source(%arg16 : memref<128x16xf32, #tpu.memory_space<vmem>>) target(%dma_start3A_141 : memref<128x16xf32, #tpu.memory_space<vmem_shared>>) target_semaphore(%run_scoped3A : memref<!tpu.dma_semaphore, #tpu.memory_space<semaphore_mem>>)
        %dma_wait3A = arith.constant 0 : i32
        %dma_wait3A_142 = tpu.memref_slice %arg18[%mul3A_138, %dma_wait3A] : memref<16512x16xf32, #tpu.memory_space<vmem_shared>> -> memref<128x16xf32, #tpu.memory_space<vmem_shared>>
        %dma_wait3A_143 = arith.constant 0 : i32
        %dma_wait3A_144 = tpu.memref_slice %arg18[%mul3A_138, %dma_wait3A_143] : memref<16512x16xf32, #tpu.memory_space<vmem_shared>> -> memref<128x16xf32, #tpu.memory_space<vmem_shared>>
        tpu.wait_dma2 semaphore(%run_scoped3A : memref<!tpu.dma_semaphore, #tpu.memory_space<semaphore_mem>>) src(%arg16 : memref<128x16xf32, #tpu.memory_space<vmem>>) dst(%dma_wait3A_144 : memref<128x16xf32, #tpu.memory_space<vmem_shared>>)
        tpu.yield
      }) : () -> ()
    }
    %broadcast_in_dim3A_43 = arith.constant 1.000000e+00 : f32
    %broadcast_in_dim3A_44 = vector.broadcast %broadcast_in_dim3A_43 : f32 to vector<16xf32>
    %scan3A_45 = arith.constant 0 : i32
    %scan3A_46 = arith.constant 0 : i32
    %scan3A_47 = arith.constant 128 : i32
    %scan3A_48 = arith.addi %scan3A_46, %scan3A_47 : i32
    %scan3A_49 = arith.constant 1 : i32
    scf.for %scan3A_132 = %scan3A_46 to %scan3A_48 step %scan3A_49  : i32 {
      %swap3A = arith.index_cast %scan3A_132 : i32 to index
      %swap3A_133 = arith.constant 0 : index
      %swap3A_134 = tpu.vector_load %arg16[%swap3A, %swap3A_133] {strides = array<i32>} : memref<128x16xf32, #tpu.memory_space<vmem>>, vector<16xf32>,
      tpu.vector_store %arg16[%swap3A, %swap3A_133], %broadcast_in_dim3A_44 {strides = array<i32>} : memref<128x16xf32, #tpu.memory_space<vmem>>, vector<16xf32>,
    }
    %scan3A_50 = arith.constant 128 : i32
    %barrier3A = arith.constant 0 : index
    tpu.barrier barrier_id(%barrier3A)
    %sub3A_51 = arith.constant 6250 : i32
    %sub3A_52 = arith.subi %sub3A_51, %arg1 : i32
    %add3A_53 = arith.constant 16 : i32
    %add3A_54 = arith.addi %sub3A_52, %add3A_53 : i32
    %sub3A_55 = arith.constant 1 : i32
    %sub3A_56 = arith.subi %add3A_54, %sub3A_55 : i32
    %jit3A_57 = arith.constant 16 : i32
    %div3A_58 = arith.divsi %sub3A_56, %jit3A_57 : i32
    %sign3A_59 = arith.constant 0 : i32
    %sign3A_60 = arith.cmpi sgt, %sub3A_56, %sign3A_59 : i32
    %sign3A_61 = arith.extui %sign3A_60 : i1 to i32
    %sign3A_62 = arith.constant 0 : i32
    %sign3A_63 = arith.cmpi slt, %sub3A_56, %sign3A_62 : i32
    %sign3A_64 = arith.extui %sign3A_63 : i1 to i32
    %sign3A_65 = arith.subi %sign3A_61, %sign3A_64 : i32
    %sign3A_66 = arith.constant 0 : i32
    %sign3A_67 = arith.cmpi sgt, %jit3A_57, %sign3A_66 : i32
    %sign3A_68 = arith.extui %sign3A_67 : i1 to i32
    %sign3A_69 = arith.constant 0 : i32
    %sign3A_70 = arith.cmpi slt, %jit3A_57, %sign3A_69 : i32
    %sign3A_71 = arith.extui %sign3A_70 : i1 to i32
    %sign3A_72 = arith.subi %sign3A_68, %sign3A_71 : i32
    %ne3A_73 = arith.cmpi ne, %sign3A_65, %sign3A_72 : i32
    %rem3A_74 = arith.remsi %sub3A_56, %jit3A_57 : i32
    %ne3A_75 = arith.constant 0 : i32
    %ne3A_76 = arith.cmpi ne, %rem3A_74, %ne3A_75 : i32
    %and3A_77 = arith.andi %ne3A_73, %ne3A_76 : i1
    %sub3A_78 = arith.constant 1 : i32
    %sub3A_79 = arith.subi %div3A_58, %sub3A_78 : i32
    %select_n3A_80 = arith.select %and3A_77, %sub3A_79, %div3A_58 : i32
    %while3A_81 = arith.constant 0 : i32
    %while3A_82 = arith.constant 0 : i32
    %while3A_83 = arith.subi %select_n3A_80, %while3A_82 : i32
    %while3A_84 = arith.addi %while3A_82, %while3A_83 : i32
    %while3A_85 = arith.constant 1 : i32
    %while3A_86 = arith.divsi %while3A_83, %while3A_85 : i32
    %while3A_87 = arith.muli %while3A_86, %while3A_85 : i32
    %while3A_88 = arith.addi %while3A_82, %while3A_87 : i32
    %while3A_89 = arith.constant 1 : i32
    scf.for %while3A_132 = %while3A_82 to %while3A_88 step %while3A_89  : i32 {
      %mul3A = arith.constant 16 : i32
      %mul3A_133 = arith.muli %while3A_132, %mul3A : i32
      %add3A_134 = arith.addi %arg1, %mul3A_133 : i32
      %mul3A_135 = arith.constant 128 : i32
      %mul3A_136 = arith.muli %add3A_134, %mul3A_135 : i32
      %eq3A_137 = arith.constant 0 : i32
      %eq3A_138 = arith.cmpi eq, %arg0, %eq3A_137 : i32
      %convert_element_type3A_139 = arith.extui %eq3A_138 : i1 to i32
      %cond3A_140 = arith.constant 0 : i32
      %cond3A_141 = arith.cmpi ne, %convert_element_type3A_139, %cond3A_140 : i32
      scf.if %cond3A_141 {
        %run_scoped3A = arith.constant 0 : i32
        "tpu.region"() ({
          %run_scoped3A_322 = tpu.sem_alloc : memref<!tpu.dma_semaphore, #tpu.memory_space<semaphore_mem>>
          %dma_start3A = tpu.memref_slice %arg2[%run_scoped3A, %mul3A_136] : memref<2x800000xi32, #tpu.memory_space<hbm>> -> memref<1x128xi32, #tpu.memory_space<hbm>>
          %dma_start3A_323 = tpu.memref_squeeze %dma_start3A : memref<1x128xi32, #tpu.memory_space<hbm>> -> memref<128xi32, #tpu.memory_space<hbm>>
          %dma_start3A_324 = tpu.memref_slice %arg2[%run_scoped3A, %mul3A_136] : memref<2x800000xi32, #tpu.memory_space<hbm>> -> memref<1x128xi32, #tpu.memory_space<hbm>>
          %dma_start3A_325 = tpu.memref_squeeze %dma_start3A_324 : memref<1x128xi32, #tpu.memory_space<hbm>> -> memref<128xi32, #tpu.memory_space<hbm>>
          tpu.enqueue_dma source(%dma_start3A_325 : memref<128xi32, #tpu.memory_space<hbm>>) target(%arg12 : memref<128xi32, #tpu.memory_space<vmem>>) target_semaphore(%run_scoped3A_322 : memref<!tpu.dma_semaphore, #tpu.memory_space<semaphore_mem>>)
          %dma_wait3A = tpu.memref_slice %arg2[%run_scoped3A, %mul3A_136] : memref<2x800000xi32, #tpu.memory_space<hbm>> -> memref<1x128xi32, #tpu.memory_space<hbm>>
          %dma_wait3A_326 = tpu.memref_squeeze %dma_wait3A : memref<1x128xi32, #tpu.memory_space<hbm>> -> memref<128xi32, #tpu.memory_space<hbm>>
          %dma_wait3A_327 = tpu.memref_slice %arg2[%run_scoped3A, %mul3A_136] : memref<2x800000xi32, #tpu.memory_space<hbm>> -> memref<1x128xi32, #tpu.memory_space<hbm>>
          %dma_wait3A_328 = tpu.memref_squeeze %dma_wait3A_327 : memref<1x128xi32, #tpu.memory_space<hbm>> -> memref<128xi32, #tpu.memory_space<hbm>>
          tpu.wait_dma2 semaphore(%run_scoped3A_322 : memref<!tpu.dma_semaphore, #tpu.memory_space<semaphore_mem>>) src(%dma_wait3A_328 : memref<128xi32, #tpu.memory_space<hbm>>) dst(%arg12 : memref<128xi32, #tpu.memory_space<vmem>>)
          tpu.yield
        }) : () -> ()
        %run_scoped3A_321 = arith.constant 1 : i32
        "tpu.region"() ({
          %run_scoped3A_322 = tpu.sem_alloc : memref<!tpu.dma_semaphore, #tpu.memory_space<semaphore_mem>>
          %dma_start3A = tpu.memref_slice %arg2[%run_scoped3A_321, %mul3A_136] : memref<2x800000xi32, #tpu.memory_space<hbm>> -> memref<1x128xi32, #tpu.memory_space<hbm>>
          %dma_start3A_323 = tpu.memref_squeeze %dma_start3A : memref<1x128xi32, #tpu.memory_space<hbm>> -> memref<128xi32, #tpu.memory_space<hbm>>
          %dma_start3A_324 = tpu.memref_slice %arg2[%run_scoped3A_321, %mul3A_136] : memref<2x800000xi32, #tpu.memory_space<hbm>> -> memref<1x128xi32, #tpu.memory_space<hbm>>
          %dma_start3A_325 = tpu.memref_squeeze %dma_start3A_324 : memref<1x128xi32, #tpu.memory_space<hbm>> -> memref<128xi32, #tpu.memory_space<hbm>>
          tpu.enqueue_dma source(%dma_start3A_325 : memref<128xi32, #tpu.memory_space<hbm>>) target(%arg13 : memref<128xi32, #tpu.memory_space<vmem>>) target_semaphore(%run_scoped3A_322 : memref<!tpu.dma_semaphore, #tpu.memory_space<semaphore_mem>>)
          %dma_wait3A = tpu.memref_slice %arg2[%run_scoped3A_321, %mul3A_136] : memref<2x800000xi32, #tpu.memory_space<hbm>> -> memref<1x128xi32, #tpu.memory_space<hbm>>
          %dma_wait3A_326 = tpu.memref_squeeze %dma_wait3A : memref<1x128xi32, #tpu.memory_space<hbm>> -> memref<128xi32, #tpu.memory_space<hbm>>
          %dma_wait3A_327 = tpu.memref_slice %arg2[%run_scoped3A_321, %mul3A_136] : memref<2x800000xi32, #tpu.memory_space<hbm>> -> memref<1x128xi32, #tpu.memory_space<hbm>>
          %dma_wait3A_328 = tpu.memref_squeeze %dma_wait3A_327 : memref<1x128xi32, #tpu.memory_space<hbm>> -> memref<128xi32, #tpu.memory_space<hbm>>
          tpu.wait_dma2 semaphore(%run_scoped3A_322 : memref<!tpu.dma_semaphore, #tpu.memory_space<semaphore_mem>>) src(%dma_wait3A_328 : memref<128xi32, #tpu.memory_space<hbm>>) dst(%arg13 : memref<128xi32, #tpu.memory_space<vmem>>)
          tpu.yield
        }) : () -> ()
      } else {
      }
      %eq3A_142 = arith.constant 1 : i32
      %eq3A_143 = arith.cmpi eq, %arg0, %eq3A_142 : i32
      %convert_element_type3A_144 = arith.extui %eq3A_143 : i1 to i32
      %cond3A_145 = arith.constant 0 : i32
      %cond3A_146 = arith.cmpi ne, %convert_element_type3A_144, %cond3A_145 : i32
      scf.if %cond3A_146 {
        %run_scoped3A = arith.constant 1 : i32
        "tpu.region"() ({
          %run_scoped3A_322 = tpu.sem_alloc : memref<!tpu.dma_semaphore, #tpu.memory_space<semaphore_mem>>
          %dma_start3A = tpu.memref_slice %arg2[%run_scoped3A, %mul3A_136] : memref<2x800000xi32, #tpu.memory_space<hbm>> -> memref<1x128xi32, #tpu.memory_space<hbm>>
          %dma_start3A_323 = tpu.memref_squeeze %dma_start3A : memref<1x128xi32, #tpu.memory_space<hbm>> -> memref<128xi32, #tpu.memory_space<hbm>>
          %dma_start3A_324 = tpu.memref_slice %arg2[%run_scoped3A, %mul3A_136] : memref<2x800000xi32, #tpu.memory_space<hbm>> -> memref<1x128xi32, #tpu.memory_space<hbm>>
          %dma_start3A_325 = tpu.memref_squeeze %dma_start3A_324 : memref<1x128xi32, #tpu.memory_space<hbm>> -> memref<128xi32, #tpu.memory_space<hbm>>
          tpu.enqueue_dma source(%dma_start3A_325 : memref<128xi32, #tpu.memory_space<hbm>>) target(%arg12 : memref<128xi32, #tpu.memory_space<vmem>>) target_semaphore(%run_scoped3A_322 : memref<!tpu.dma_semaphore, #tpu.memory_space<semaphore_mem>>)
          %dma_wait3A = tpu.memref_slice %arg2[%run_scoped3A, %mul3A_136] : memref<2x800000xi32, #tpu.memory_space<hbm>> -> memref<1x128xi32, #tpu.memory_space<hbm>>
          %dma_wait3A_326 = tpu.memref_squeeze %dma_wait3A : memref<1x128xi32, #tpu.memory_space<hbm>> -> memref<128xi32, #tpu.memory_space<hbm>>
          %dma_wait3A_327 = tpu.memref_slice %arg2[%run_scoped3A, %mul3A_136] : memref<2x800000xi32, #tpu.memory_space<hbm>> -> memref<1x128xi32, #tpu.memory_space<hbm>>
          %dma_wait3A_328 = tpu.memref_squeeze %dma_wait3A_327 : memref<1x128xi32, #tpu.memory_space<hbm>> -> memref<128xi32, #tpu.memory_space<hbm>>
          tpu.wait_dma2 semaphore(%run_scoped3A_322 : memref<!tpu.dma_semaphore, #tpu.memory_space<semaphore_mem>>) src(%dma_wait3A_328 : memref<128xi32, #tpu.memory_space<hbm>>) dst(%arg12 : memref<128xi32, #tpu.memory_space<vmem>>)
          tpu.yield
        }) : () -> ()
        %run_scoped3A_321 = arith.constant 0 : i32
        "tpu.region"() ({
          %run_scoped3A_322 = tpu.sem_alloc : memref<!tpu.dma_semaphore, #tpu.memory_space<semaphore_mem>>
          %dma_start3A = tpu.memref_slice %arg2[%run_scoped3A_321, %mul3A_136] : memref<2x800000xi32, #tpu.memory_space<hbm>> -> memref<1x128xi32, #tpu.memory_space<hbm>>
          %dma_start3A_323 = tpu.memref_squeeze %dma_start3A : memref<1x128xi32, #tpu.memory_space<hbm>> -> memref<128xi32, #tpu.memory_space<hbm>>
          %dma_start3A_324 = tpu.memref_slice %arg2[%run_scoped3A_321, %mul3A_136] : memref<2x800000xi32, #tpu.memory_space<hbm>> -> memref<1x128xi32, #tpu.memory_space<hbm>>
          %dma_start3A_325 = tpu.memref_squeeze %dma_start3A_324 : memref<1x128xi32, #tpu.memory_space<hbm>> -> memref<128xi32, #tpu.memory_space<hbm>>
          tpu.enqueue_dma source(%dma_start3A_325 : memref<128xi32, #tpu.memory_space<hbm>>) target(%arg13 : memref<128xi32, #tpu.memory_space<vmem>>) target_semaphore(%run_scoped3A_322 : memref<!tpu.dma_semaphore, #tpu.memory_space<semaphore_mem>>)
          %dma_wait3A = tpu.memref_slice %arg2[%run_scoped3A_321, %mul3A_136] : memref<2x800000xi32, #tpu.memory_space<hbm>> -> memref<1x128xi32, #tpu.memory_space<hbm>>
          %dma_wait3A_326 = tpu.memref_squeeze %dma_wait3A : memref<1x128xi32, #tpu.memory_space<hbm>> -> memref<128xi32, #tpu.memory_space<hbm>>
          %dma_wait3A_327 = tpu.memref_slice %arg2[%run_scoped3A_321, %mul3A_136] : memref<2x800000xi32, #tpu.memory_space<hbm>> -> memref<1x128xi32, #tpu.memory_space<hbm>>
          %dma_wait3A_328 = tpu.memref_squeeze %dma_wait3A_327 : memref<1x128xi32, #tpu.memory_space<hbm>> -> memref<128xi32, #tpu.memory_space<hbm>>
          tpu.wait_dma2 semaphore(%run_scoped3A_322 : memref<!tpu.dma_semaphore, #tpu.memory_space<semaphore_mem>>) src(%dma_wait3A_328 : memref<128xi32, #tpu.memory_space<hbm>>) dst(%arg13 : memref<128xi32, #tpu.memory_space<vmem>>)
          tpu.yield
        }) : () -> ()
      } else {
      }
      %get3A = arith.constant 0 : index
      %get3A_147 = tpu.vector_load %arg12[%get3A] {strides = array<i32>} : memref<128xi32, #tpu.memory_space<vmem>>, vector<16xi32>,
      %shift_right_logical3A = arith.constant 1 : i32
      %shift_right_logical3A_148 = vector.broadcast %shift_right_logical3A : i32 to vector<16xi32>
      %shift_right_logical3A_149 = arith.shrui %get3A_147, %shift_right_logical3A_148 : vector<16xi32>
      %gather3A = tpu.vector_load_idx %arg11[%shift_right_logical3A_149] : memref<25008xi32, #tpu.memory_space<vmem>>[vector<16xi32>], vector<16xi32>,
      %and3A_150 = arith.constant 1 : i32
      %and3A_151 = vector.broadcast %and3A_150 : i32 to vector<16xi32>
      %and3A_152 = arith.andi %get3A_147, %and3A_151 : vector<16xi32>
      %eq3A_153 = arith.constant 1 : i32
      %eq3A_154 = vector.broadcast %eq3A_153 : i32 to vector<16xi32>
      %eq3A_155 = arith.cmpi eq, %and3A_152, %eq3A_154 : vector<16xi32>
      %shift_right_logical3A_156 = arith.constant 16 : i32
      %shift_right_logical3A_157 = vector.broadcast %shift_right_logical3A_156 : i32 to vector<16xi32>
      %shift_right_logical3A_158 = arith.shrui %gather3A, %shift_right_logical3A_157 : vector<16xi32>
      %and3A_159 = arith.constant 65535 : i32
      %and3A_160 = vector.broadcast %and3A_159 : i32 to vector<16xi32>
      %and3A_161 = arith.andi %gather3A, %and3A_160 : vector<16xi32>
      %select_n3A_162 = arith.select %eq3A_155, %shift_right_logical3A_158, %and3A_161 : vector<16xi1>, vector<16xi32>
      %swap3A = arith.constant 0 : index
      %swap3A_163 = tpu.vector_load %arg14[%swap3A] {strides = array<i32>} : memref<128xi32, #tpu.memory_space<vmem>>, vector<16xi32>,
      tpu.vector_store %arg14[%swap3A], %select_n3A_162 {strides = array<i32>} : memref<128xi32, #tpu.memory_space<vmem>>, vector<16xi32>,
      %get3A_164 = arith.constant 16 : index
      %get3A_165 = tpu.vector_load %arg12[%get3A_164] {strides = array<i32>} : memref<128xi32, #tpu.memory_space<vmem>>, vector<16xi32>,
      %shift_right_logical3A_166 = arith.constant 1 : i32
      %shift_right_logical3A_167 = vector.broadcast %shift_right_logical3A_166 : i32 to vector<16xi32>
      %shift_right_logical3A_168 = arith.shrui %get3A_165, %shift_right_logical3A_167 : vector<16xi32>
      %gather3A_169 = tpu.vector_load_idx %arg11[%shift_right_logical3A_168] : memref<25008xi32, #tpu.memory_space<vmem>>[vector<16xi32>], vector<16xi32>,
      %and3A_170 = arith.constant 1 : i32
      %and3A_171 = vector.broadcast %and3A_170 : i32 to vector<16xi32>
      %and3A_172 = arith.andi %get3A_165, %and3A_171 : vector<16xi32>
      %eq3A_173 = arith.constant 1 : i32
      %eq3A_174 = vector.broadcast %eq3A_173 : i32 to vector<16xi32>
      %eq3A_175 = arith.cmpi eq, %and3A_172, %eq3A_174 : vector<16xi32>
      %shift_right_logical3A_176 = arith.constant 16 : i32
      %shift_right_logical3A_177 = vector.broadcast %shift_right_logical3A_176 : i32 to vector<16xi32>
      %shift_right_logical3A_178 = arith.shrui %gather3A_169, %shift_right_logical3A_177 : vector<16xi32>
      %and3A_179 = arith.constant 65535 : i32
      %and3A_180 = vector.broadcast %and3A_179 : i32 to vector<16xi32>
      %and3A_181 = arith.andi %gather3A_169, %and3A_180 : vector<16xi32>
      %select_n3A_182 = arith.select %eq3A_175, %shift_right_logical3A_178, %and3A_181 : vector<16xi1>, vector<16xi32>
      %swap3A_183 = arith.constant 16 : index
      %swap3A_184 = tpu.vector_load %arg14[%swap3A_183] {strides = array<i32>} : memref<128xi32, #tpu.memory_space<vmem>>, vector<16xi32>,
      tpu.vector_store %arg14[%swap3A_183], %select_n3A_182 {strides = array<i32>} : memref<128xi32, #tpu.memory_space<vmem>>, vector<16xi32>,
      %get3A_185 = arith.constant 32 : index
      %get3A_186 = tpu.vector_load %arg12[%get3A_185] {strides = array<i32>} : memref<128xi32, #tpu.memory_space<vmem>>, vector<16xi32>,
      %shift_right_logical3A_187 = arith.constant 1 : i32
      %shift_right_logical3A_188 = vector.broadcast %shift_right_logical3A_187 : i32 to vector<16xi32>
      %shift_right_logical3A_189 = arith.shrui %get3A_186, %shift_right_logical3A_188 : vector<16xi32>
      %gather3A_190 = tpu.vector_load_idx %arg11[%shift_right_logical3A_189] : memref<25008xi32, #tpu.memory_space<vmem>>[vector<16xi32>], vector<16xi32>,
      %and3A_191 = arith.constant 1 : i32
      %and3A_192 = vector.broadcast %and3A_191 : i32 to vector<16xi32>
      %and3A_193 = arith.andi %get3A_186, %and3A_192 : vector<16xi32>
      %eq3A_194 = arith.constant 1 : i32
      %eq3A_195 = vector.broadcast %eq3A_194 : i32 to vector<16xi32>
      %eq3A_196 = arith.cmpi eq, %and3A_193, %eq3A_195 : vector<16xi32>
      %shift_right_logical3A_197 = arith.constant 16 : i32
      %shift_right_logical3A_198 = vector.broadcast %shift_right_logical3A_197 : i32 to vector<16xi32>
      %shift_right_logical3A_199 = arith.shrui %gather3A_190, %shift_right_logical3A_198 : vector<16xi32>
      %and3A_200 = arith.constant 65535 : i32
      %and3A_201 = vector.broadcast %and3A_200 : i32 to vector<16xi32>
      %and3A_202 = arith.andi %gather3A_190, %and3A_201 : vector<16xi32>
      %select_n3A_203 = arith.select %eq3A_196, %shift_right_logical3A_199, %and3A_202 : vector<16xi1>, vector<16xi32>
      %swap3A_204 = arith.constant 32 : index
      %swap3A_205 = tpu.vector_load %arg14[%swap3A_204] {strides = array<i32>} : memref<128xi32, #tpu.memory_space<vmem>>, vector<16xi32>,
      tpu.vector_store %arg14[%swap3A_204], %select_n3A_203 {strides = array<i32>} : memref<128xi32, #tpu.memory_space<vmem>>, vector<16xi32>,
      %get3A_206 = arith.constant 48 : index
      %get3A_207 = tpu.vector_load %arg12[%get3A_206] {strides = array<i32>} : memref<128xi32, #tpu.memory_space<vmem>>, vector<16xi32>,
      %shift_right_logical3A_208 = arith.constant 1 : i32
      %shift_right_logical3A_209 = vector.broadcast %shift_right_logical3A_208 : i32 to vector<16xi32>
      %shift_right_logical3A_210 = arith.shrui %get3A_207, %shift_right_logical3A_209 : vector<16xi32>
      %gather3A_211 = tpu.vector_load_idx %arg11[%shift_right_logical3A_210] : memref<25008xi32, #tpu.memory_space<vmem>>[vector<16xi32>], vector<16xi32>,
      %and3A_212 = arith.constant 1 : i32
      %and3A_213 = vector.broadcast %and3A_212 : i32 to vector<16xi32>
      %and3A_214 = arith.andi %get3A_207, %and3A_213 : vector<16xi32>
      %eq3A_215 = arith.constant 1 : i32
      %eq3A_216 = vector.broadcast %eq3A_215 : i32 to vector<16xi32>
      %eq3A_217 = arith.cmpi eq, %and3A_214, %eq3A_216 : vector<16xi32>
      %shift_right_logical3A_218 = arith.constant 16 : i32
      %shift_right_logical3A_219 = vector.broadcast %shift_right_logical3A_218 : i32 to vector<16xi32>
      %shift_right_logical3A_220 = arith.shrui %gather3A_211, %shift_right_logical3A_219 : vector<16xi32>
      %and3A_221 = arith.constant 65535 : i32
      %and3A_222 = vector.broadcast %and3A_221 : i32 to vector<16xi32>
      %and3A_223 = arith.andi %gather3A_211, %and3A_222 : vector<16xi32>
      %select_n3A_224 = arith.select %eq3A_217, %shift_right_logical3A_220, %and3A_223 : vector<16xi1>, vector<16xi32>
      %swap3A_225 = arith.constant 48 : index
      %swap3A_226 = tpu.vector_load %arg14[%swap3A_225] {strides = array<i32>} : memref<128xi32, #tpu.memory_space<vmem>>, vector<16xi32>,
      tpu.vector_store %arg14[%swap3A_225], %select_n3A_224 {strides = array<i32>} : memref<128xi32, #tpu.memory_space<vmem>>, vector<16xi32>,
      %get3A_227 = arith.constant 64 : index
      %get3A_228 = tpu.vector_load %arg12[%get3A_227] {strides = array<i32>} : memref<128xi32, #tpu.memory_space<vmem>>, vector<16xi32>,
      %shift_right_logical3A_229 = arith.constant 1 : i32
      %shift_right_logical3A_230 = vector.broadcast %shift_right_logical3A_229 : i32 to vector<16xi32>
      %shift_right_logical3A_231 = arith.shrui %get3A_228, %shift_right_logical3A_230 : vector<16xi32>
      %gather3A_232 = tpu.vector_load_idx %arg11[%shift_right_logical3A_231] : memref<25008xi32, #tpu.memory_space<vmem>>[vector<16xi32>], vector<16xi32>,
      %and3A_233 = arith.constant 1 : i32
      %and3A_234 = vector.broadcast %and3A_233 : i32 to vector<16xi32>
      %and3A_235 = arith.andi %get3A_228, %and3A_234 : vector<16xi32>
      %eq3A_236 = arith.constant 1 : i32
      %eq3A_237 = vector.broadcast %eq3A_236 : i32 to vector<16xi32>
      %eq3A_238 = arith.cmpi eq, %and3A_235, %eq3A_237 : vector<16xi32>
      %shift_right_logical3A_239 = arith.constant 16 : i32
      %shift_right_logical3A_240 = vector.broadcast %shift_right_logical3A_239 : i32 to vector<16xi32>
      %shift_right_logical3A_241 = arith.shrui %gather3A_232, %shift_right_logical3A_240 : vector<16xi32>
      %and3A_242 = arith.constant 65535 : i32
      %and3A_243 = vector.broadcast %and3A_242 : i32 to vector<16xi32>
      %and3A_244 = arith.andi %gather3A_232, %and3A_243 : vector<16xi32>
      %select_n3A_245 = arith.select %eq3A_238, %shift_right_logical3A_241, %and3A_244 : vector<16xi1>, vector<16xi32>
      %swap3A_246 = arith.constant 64 : index
      %swap3A_247 = tpu.vector_load %arg14[%swap3A_246] {strides = array<i32>} : memref<128xi32, #tpu.memory_space<vmem>>, vector<16xi32>,
      tpu.vector_store %arg14[%swap3A_246], %select_n3A_245 {strides = array<i32>} : memref<128xi32, #tpu.memory_space<vmem>>, vector<16xi32>,
      %get3A_248 = arith.constant 80 : index
      %get3A_249 = tpu.vector_load %arg12[%get3A_248] {strides = array<i32>} : memref<128xi32, #tpu.memory_space<vmem>>, vector<16xi32>,
      %shift_right_logical3A_250 = arith.constant 1 : i32
      %shift_right_logical3A_251 = vector.broadcast %shift_right_logical3A_250 : i32 to vector<16xi32>
      %shift_right_logical3A_252 = arith.shrui %get3A_249, %shift_right_logical3A_251 : vector<16xi32>
      %gather3A_253 = tpu.vector_load_idx %arg11[%shift_right_logical3A_252] : memref<25008xi32, #tpu.memory_space<vmem>>[vector<16xi32>], vector<16xi32>,
      %and3A_254 = arith.constant 1 : i32
      %and3A_255 = vector.broadcast %and3A_254 : i32 to vector<16xi32>
      %and3A_256 = arith.andi %get3A_249, %and3A_255 : vector<16xi32>
      %eq3A_257 = arith.constant 1 : i32
      %eq3A_258 = vector.broadcast %eq3A_257 : i32 to vector<16xi32>
      %eq3A_259 = arith.cmpi eq, %and3A_256, %eq3A_258 : vector<16xi32>
      %shift_right_logical3A_260 = arith.constant 16 : i32
      %shift_right_logical3A_261 = vector.broadcast %shift_right_logical3A_260 : i32 to vector<16xi32>
      %shift_right_logical3A_262 = arith.shrui %gather3A_253, %shift_right_logical3A_261 : vector<16xi32>
      %and3A_263 = arith.constant 65535 : i32
      %and3A_264 = vector.broadcast %and3A_263 : i32 to vector<16xi32>
      %and3A_265 = arith.andi %gather3A_253, %and3A_264 : vector<16xi32>
      %select_n3A_266 = arith.select %eq3A_259, %shift_right_logical3A_262, %and3A_265 : vector<16xi1>, vector<16xi32>
      %swap3A_267 = arith.constant 80 : index
      %swap3A_268 = tpu.vector_load %arg14[%swap3A_267] {strides = array<i32>} : memref<128xi32, #tpu.memory_space<vmem>>, vector<16xi32>,
      tpu.vector_store %arg14[%swap3A_267], %select_n3A_266 {strides = array<i32>} : memref<128xi32, #tpu.memory_space<vmem>>, vector<16xi32>,
      %get3A_269 = arith.constant 96 : index
      %get3A_270 = tpu.vector_load %arg12[%get3A_269] {strides = array<i32>} : memref<128xi32, #tpu.memory_space<vmem>>, vector<16xi32>,
      %shift_right_logical3A_271 = arith.constant 1 : i32
      %shift_right_logical3A_272 = vector.broadcast %shift_right_logical3A_271 : i32 to vector<16xi32>
      %shift_right_logical3A_273 = arith.shrui %get3A_270, %shift_right_logical3A_272 : vector<16xi32>
      %gather3A_274 = tpu.vector_load_idx %arg11[%shift_right_logical3A_273] : memref<25008xi32, #tpu.memory_space<vmem>>[vector<16xi32>], vector<16xi32>,
      %and3A_275 = arith.constant 1 : i32
      %and3A_276 = vector.broadcast %and3A_275 : i32 to vector<16xi32>
      %and3A_277 = arith.andi %get3A_270, %and3A_276 : vector<16xi32>
      %eq3A_278 = arith.constant 1 : i32
      %eq3A_279 = vector.broadcast %eq3A_278 : i32 to vector<16xi32>
      %eq3A_280 = arith.cmpi eq, %and3A_277, %eq3A_279 : vector<16xi32>
      %shift_right_logical3A_281 = arith.constant 16 : i32
      %shift_right_logical3A_282 = vector.broadcast %shift_right_logical3A_281 : i32 to vector<16xi32>
      %shift_right_logical3A_283 = arith.shrui %gather3A_274, %shift_right_logical3A_282 : vector<16xi32>
      %and3A_284 = arith.constant 65535 : i32
      %and3A_285 = vector.broadcast %and3A_284 : i32 to vector<16xi32>
      %and3A_286 = arith.andi %gather3A_274, %and3A_285 : vector<16xi32>
      %select_n3A_287 = arith.select %eq3A_280, %shift_right_logical3A_283, %and3A_286 : vector<16xi1>, vector<16xi32>
      %swap3A_288 = arith.constant 96 : index
      %swap3A_289 = tpu.vector_load %arg14[%swap3A_288] {strides = array<i32>} : memref<128xi32, #tpu.memory_space<vmem>>, vector<16xi32>,
      tpu.vector_store %arg14[%swap3A_288], %select_n3A_287 {strides = array<i32>} : memref<128xi32, #tpu.memory_space<vmem>>, vector<16xi32>,
      %get3A_290 = arith.constant 112 : index
      %get3A_291 = tpu.vector_load %arg12[%get3A_290] {strides = array<i32>} : memref<128xi32, #tpu.memory_space<vmem>>, vector<16xi32>,
      %shift_right_logical3A_292 = arith.constant 1 : i32
      %shift_right_logical3A_293 = vector.broadcast %shift_right_logical3A_292 : i32 to vector<16xi32>
      %shift_right_logical3A_294 = arith.shrui %get3A_291, %shift_right_logical3A_293 : vector<16xi32>
      %gather3A_295 = tpu.vector_load_idx %arg11[%shift_right_logical3A_294] : memref<25008xi32, #tpu.memory_space<vmem>>[vector<16xi32>], vector<16xi32>,
      %and3A_296 = arith.constant 1 : i32
      %and3A_297 = vector.broadcast %and3A_296 : i32 to vector<16xi32>
      %and3A_298 = arith.andi %get3A_291, %and3A_297 : vector<16xi32>
      %eq3A_299 = arith.constant 1 : i32
      %eq3A_300 = vector.broadcast %eq3A_299 : i32 to vector<16xi32>
      %eq3A_301 = arith.cmpi eq, %and3A_298, %eq3A_300 : vector<16xi32>
      %shift_right_logical3A_302 = arith.constant 16 : i32
      %shift_right_logical3A_303 = vector.broadcast %shift_right_logical3A_302 : i32 to vector<16xi32>
      %shift_right_logical3A_304 = arith.shrui %gather3A_295, %shift_right_logical3A_303 : vector<16xi32>
      %and3A_305 = arith.constant 65535 : i32
      %and3A_306 = vector.broadcast %and3A_305 : i32 to vector<16xi32>
      %and3A_307 = arith.andi %gather3A_295, %and3A_306 : vector<16xi32>
      %select_n3A_308 = arith.select %eq3A_301, %shift_right_logical3A_304, %and3A_307 : vector<16xi1>, vector<16xi32>
      %swap3A_309 = arith.constant 112 : index
      %swap3A_310 = tpu.vector_load %arg14[%swap3A_309] {strides = array<i32>} : memref<128xi32, #tpu.memory_space<vmem>>, vector<16xi32>,
      tpu.vector_store %arg14[%swap3A_309], %select_n3A_308 {strides = array<i32>} : memref<128xi32, #tpu.memory_space<vmem>>, vector<16xi32>,
      %eq3A_311 = arith.constant 0 : i32
      %eq3A_312 = arith.cmpi eq, %arg0, %eq3A_311 : i32
      %convert_element_type3A_313 = arith.extui %eq3A_312 : i1 to i32
      %cond3A_314 = arith.constant 0 : i32
      %cond3A_315 = arith.cmpi ne, %convert_element_type3A_313, %cond3A_314 : i32
      scf.if %cond3A_315 {
        %dma_start3A = arith.constant 0 : i32
        %dma_start3A_321 = arith.constant 0 : i32
        %dma_start3A_322 = tpu.memref_slice %arg6[%dma_start3A, %dma_start3A_321] : memref<50000x64xf32, #tpu.memory_space<hbm>> -> memref<50000x64xf32, #tpu.memory_space<hbm>>
        tpu.enqueue_indirect_dma source(%dma_start3A_322 : memref<50000x64xf32, #tpu.memory_space<hbm>>) target(%arg15 : memref<128x64xf32, #tpu.memory_space<vmem>>) offsets(%arg13 : memref<128xi32, #tpu.memory_space<vmem>>) semaphore(%arg19 : memref<!tpu.dma_semaphore, #tpu.memory_space<semaphore_mem>>)
        %dma_wait3A = arith.constant 0 : i32
        %dma_wait3A_323 = arith.constant 0 : i32
        %dma_wait3A_324 = tpu.memref_slice %arg6[%dma_wait3A, %dma_wait3A_323] : memref<50000x64xf32, #tpu.memory_space<hbm>> -> memref<50000x64xf32, #tpu.memory_space<hbm>>
        tpu.wait_indirect_dma semaphore(%arg19 : memref<!tpu.dma_semaphore, #tpu.memory_space<semaphore_mem>>) src(%dma_wait3A_324 : memref<50000x64xf32, #tpu.memory_space<hbm>>) dst(%arg15 : memref<128x64xf32, #tpu.memory_space<vmem>>)
      } else {
      }
      %eq3A_316 = arith.constant 1 : i32
      %eq3A_317 = arith.cmpi eq, %arg0, %eq3A_316 : i32
      %convert_element_type3A_318 = arith.extui %eq3A_317 : i1 to i32
      %cond3A_319 = arith.constant 0 : i32
      %cond3A_320 = arith.cmpi ne, %convert_element_type3A_318, %cond3A_319 : i32
      scf.if %cond3A_320 {
        %dma_start3A = arith.constant 0 : i32
        %dma_start3A_321 = arith.constant 0 : i32
        %dma_start3A_322 = tpu.memref_slice %arg5[%dma_start3A, %dma_start3A_321] : memref<50000x64xf32, #tpu.memory_space<hbm>> -> memref<50000x64xf32, #tpu.memory_space<hbm>>
        tpu.enqueue_indirect_dma source(%dma_start3A_322 : memref<50000x64xf32, #tpu.memory_space<hbm>>) target(%arg15 : memref<128x64xf32, #tpu.memory_space<vmem>>) offsets(%arg13 : memref<128xi32, #tpu.memory_space<vmem>>) semaphore(%arg19 : memref<!tpu.dma_semaphore, #tpu.memory_space<semaphore_mem>>)
        %dma_wait3A = arith.constant 0 : i32
        %dma_wait3A_323 = arith.constant 0 : i32
        %dma_wait3A_324 = tpu.memref_slice %arg5[%dma_wait3A, %dma_wait3A_323] : memref<50000x64xf32, #tpu.memory_space<hbm>> -> memref<50000x64xf32, #tpu.memory_space<hbm>>
        tpu.wait_indirect_dma semaphore(%arg19 : memref<!tpu.dma_semaphore, #tpu.memory_space<semaphore_mem>>) src(%dma_wait3A_324 : memref<50000x64xf32, #tpu.memory_space<hbm>>) dst(%arg15 : memref<128x64xf32, #tpu.memory_space<vmem>>)
      } else {
      }
      "tpu.region"() ({
        %run_scoped3A = tpu.sem_alloc : memref<!tpu.dma_semaphore, #tpu.memory_space<semaphore_mem>>
        %dma_start3A = arith.constant 0 : i32
        %dma_start3A_321 = arith.constant 0 : i32
        %dma_start3A_322 = tpu.memref_slice %arg17[%dma_start3A, %dma_start3A_321] : memref<16512x64xf32, #tpu.memory_space<vmem_shared>> -> memref<16512x64xf32, #tpu.memory_space<vmem_shared>>
        tpu.enqueue_indirect_dma source(%arg15 : memref<128x64xf32, #tpu.memory_space<vmem>>) target(%dma_start3A_322 : memref<16512x64xf32, #tpu.memory_space<vmem_shared>>) offsets(%arg14 : memref<128xi32, #tpu.memory_space<vmem>>) semaphore(%run_scoped3A : memref<!tpu.dma_semaphore, #tpu.memory_space<semaphore_mem>>) {add = true}
        %dma_wait3A = arith.constant 0 : i32
        %dma_wait3A_323 = arith.constant 0 : i32
        %dma_wait3A_324 = tpu.memref_slice %arg17[%dma_wait3A, %dma_wait3A_323] : memref<16512x64xf32, #tpu.memory_space<vmem_shared>> -> memref<16512x64xf32, #tpu.memory_space<vmem_shared>>
        tpu.wait_indirect_dma semaphore(%run_scoped3A : memref<!tpu.dma_semaphore, #tpu.memory_space<semaphore_mem>>) src(%arg15 : memref<128x64xf32, #tpu.memory_space<vmem>>) dst(%dma_wait3A_324 : memref<16512x64xf32, #tpu.memory_space<vmem_shared>>)
        tpu.yield
      }) : () -> ()
      "tpu.region"() ({
        %run_scoped3A = tpu.sem_alloc : memref<!tpu.dma_semaphore, #tpu.memory_space<semaphore_mem>>
        %dma_start3A = arith.constant 0 : i32
        %dma_start3A_321 = arith.constant 0 : i32
        %dma_start3A_322 = tpu.memref_slice %arg18[%dma_start3A, %dma_start3A_321] : memref<16512x16xf32, #tpu.memory_space<vmem_shared>> -> memref<16512x16xf32, #tpu.memory_space<vmem_shared>>
        tpu.enqueue_indirect_dma source(%arg16 : memref<128x16xf32, #tpu.memory_space<vmem>>) target(%dma_start3A_322 : memref<16512x16xf32, #tpu.memory_space<vmem_shared>>) offsets(%arg14 : memref<128xi32, #tpu.memory_space<vmem>>) semaphore(%run_scoped3A : memref<!tpu.dma_semaphore, #tpu.memory_space<semaphore_mem>>) {add = true}
        %dma_wait3A = arith.constant 0 : i32
        %dma_wait3A_323 = arith.constant 0 : i32
        %dma_wait3A_324 = tpu.memref_slice %arg18[%dma_wait3A, %dma_wait3A_323] : memref<16512x16xf32, #tpu.memory_space<vmem_shared>> -> memref<16512x16xf32, #tpu.memory_space<vmem_shared>>
        tpu.wait_indirect_dma semaphore(%run_scoped3A : memref<!tpu.dma_semaphore, #tpu.memory_space<semaphore_mem>>) src(%arg16 : memref<128x16xf32, #tpu.memory_space<vmem>>) dst(%dma_wait3A_324 : memref<16512x16xf32, #tpu.memory_space<vmem_shared>>)
        tpu.yield
      }) : () -> ()
    }
    %while3A_90 = arith.constant 1 : i32
    scf.for %while3A_132 = %while3A_88 to %while3A_84 step %while3A_90  : i32 {
      %mul3A = arith.constant 16 : i32
      %mul3A_133 = arith.muli %while3A_132, %mul3A : i32
      %add3A_134 = arith.addi %arg1, %mul3A_133 : i32
      %mul3A_135 = arith.constant 128 : i32
      %mul3A_136 = arith.muli %add3A_134, %mul3A_135 : i32
      %eq3A_137 = arith.constant 0 : i32
      %eq3A_138 = arith.cmpi eq, %arg0, %eq3A_137 : i32
      %convert_element_type3A_139 = arith.extui %eq3A_138 : i1 to i32
      %cond3A_140 = arith.constant 0 : i32
      %cond3A_141 = arith.cmpi ne, %convert_element_type3A_139, %cond3A_140 : i32
      scf.if %cond3A_141 {
        %run_scoped3A = arith.constant 0 : i32
        "tpu.region"() ({
          %run_scoped3A_322 = tpu.sem_alloc : memref<!tpu.dma_semaphore, #tpu.memory_space<semaphore_mem>>
          %dma_start3A = tpu.memref_slice %arg2[%run_scoped3A, %mul3A_136] : memref<2x800000xi32, #tpu.memory_space<hbm>> -> memref<1x128xi32, #tpu.memory_space<hbm>>
          %dma_start3A_323 = tpu.memref_squeeze %dma_start3A : memref<1x128xi32, #tpu.memory_space<hbm>> -> memref<128xi32, #tpu.memory_space<hbm>>
          %dma_start3A_324 = tpu.memref_slice %arg2[%run_scoped3A, %mul3A_136] : memref<2x800000xi32, #tpu.memory_space<hbm>> -> memref<1x128xi32, #tpu.memory_space<hbm>>
          %dma_start3A_325 = tpu.memref_squeeze %dma_start3A_324 : memref<1x128xi32, #tpu.memory_space<hbm>> -> memref<128xi32, #tpu.memory_space<hbm>>
          tpu.enqueue_dma source(%dma_start3A_325 : memref<128xi32, #tpu.memory_space<hbm>>) target(%arg12 : memref<128xi32, #tpu.memory_space<vmem>>) target_semaphore(%run_scoped3A_322 : memref<!tpu.dma_semaphore, #tpu.memory_space<semaphore_mem>>)
          %dma_wait3A = tpu.memref_slice %arg2[%run_scoped3A, %mul3A_136] : memref<2x800000xi32, #tpu.memory_space<hbm>> -> memref<1x128xi32, #tpu.memory_space<hbm>>
          %dma_wait3A_326 = tpu.memref_squeeze %dma_wait3A : memref<1x128xi32, #tpu.memory_space<hbm>> -> memref<128xi32, #tpu.memory_space<hbm>>
          %dma_wait3A_327 = tpu.memref_slice %arg2[%run_scoped3A, %mul3A_136] : memref<2x800000xi32, #tpu.memory_space<hbm>> -> memref<1x128xi32, #tpu.memory_space<hbm>>
          %dma_wait3A_328 = tpu.memref_squeeze %dma_wait3A_327 : memref<1x128xi32, #tpu.memory_space<hbm>> -> memref<128xi32, #tpu.memory_space<hbm>>
          tpu.wait_dma2 semaphore(%run_scoped3A_322 : memref<!tpu.dma_semaphore, #tpu.memory_space<semaphore_mem>>) src(%dma_wait3A_328 : memref<128xi32, #tpu.memory_space<hbm>>) dst(%arg12 : memref<128xi32, #tpu.memory_space<vmem>>)
          tpu.yield
        }) : () -> ()
        %run_scoped3A_321 = arith.constant 1 : i32
        "tpu.region"() ({
          %run_scoped3A_322 = tpu.sem_alloc : memref<!tpu.dma_semaphore, #tpu.memory_space<semaphore_mem>>
          %dma_start3A = tpu.memref_slice %arg2[%run_scoped3A_321, %mul3A_136] : memref<2x800000xi32, #tpu.memory_space<hbm>> -> memref<1x128xi32, #tpu.memory_space<hbm>>
          %dma_start3A_323 = tpu.memref_squeeze %dma_start3A : memref<1x128xi32, #tpu.memory_space<hbm>> -> memref<128xi32, #tpu.memory_space<hbm>>
          %dma_start3A_324 = tpu.memref_slice %arg2[%run_scoped3A_321, %mul3A_136] : memref<2x800000xi32, #tpu.memory_space<hbm>> -> memref<1x128xi32, #tpu.memory_space<hbm>>
          %dma_start3A_325 = tpu.memref_squeeze %dma_start3A_324 : memref<1x128xi32, #tpu.memory_space<hbm>> -> memref<128xi32, #tpu.memory_space<hbm>>
          tpu.enqueue_dma source(%dma_start3A_325 : memref<128xi32, #tpu.memory_space<hbm>>) target(%arg13 : memref<128xi32, #tpu.memory_space<vmem>>) target_semaphore(%run_scoped3A_322 : memref<!tpu.dma_semaphore, #tpu.memory_space<semaphore_mem>>)
          %dma_wait3A = tpu.memref_slice %arg2[%run_scoped3A_321, %mul3A_136] : memref<2x800000xi32, #tpu.memory_space<hbm>> -> memref<1x128xi32, #tpu.memory_space<hbm>>
          %dma_wait3A_326 = tpu.memref_squeeze %dma_wait3A : memref<1x128xi32, #tpu.memory_space<hbm>> -> memref<128xi32, #tpu.memory_space<hbm>>
          %dma_wait3A_327 = tpu.memref_slice %arg2[%run_scoped3A_321, %mul3A_136] : memref<2x800000xi32, #tpu.memory_space<hbm>> -> memref<1x128xi32, #tpu.memory_space<hbm>>
          %dma_wait3A_328 = tpu.memref_squeeze %dma_wait3A_327 : memref<1x128xi32, #tpu.memory_space<hbm>> -> memref<128xi32, #tpu.memory_space<hbm>>
          tpu.wait_dma2 semaphore(%run_scoped3A_322 : memref<!tpu.dma_semaphore, #tpu.memory_space<semaphore_mem>>) src(%dma_wait3A_328 : memref<128xi32, #tpu.memory_space<hbm>>) dst(%arg13 : memref<128xi32, #tpu.memory_space<vmem>>)
          tpu.yield
        }) : () -> ()
      } else {
      }
      %eq3A_142 = arith.constant 1 : i32
      %eq3A_143 = arith.cmpi eq, %arg0, %eq3A_142 : i32
      %convert_element_type3A_144 = arith.extui %eq3A_143 : i1 to i32
      %cond3A_145 = arith.constant 0 : i32
      %cond3A_146 = arith.cmpi ne, %convert_element_type3A_144, %cond3A_145 : i32
      scf.if %cond3A_146 {
        %run_scoped3A = arith.constant 1 : i32
        "tpu.region"() ({
          %run_scoped3A_322 = tpu.sem_alloc : memref<!tpu.dma_semaphore, #tpu.memory_space<semaphore_mem>>
          %dma_start3A = tpu.memref_slice %arg2[%run_scoped3A, %mul3A_136] : memref<2x800000xi32, #tpu.memory_space<hbm>> -> memref<1x128xi32, #tpu.memory_space<hbm>>
          %dma_start3A_323 = tpu.memref_squeeze %dma_start3A : memref<1x128xi32, #tpu.memory_space<hbm>> -> memref<128xi32, #tpu.memory_space<hbm>>
          %dma_start3A_324 = tpu.memref_slice %arg2[%run_scoped3A, %mul3A_136] : memref<2x800000xi32, #tpu.memory_space<hbm>> -> memref<1x128xi32, #tpu.memory_space<hbm>>
          %dma_start3A_325 = tpu.memref_squeeze %dma_start3A_324 : memref<1x128xi32, #tpu.memory_space<hbm>> -> memref<128xi32, #tpu.memory_space<hbm>>
          tpu.enqueue_dma source(%dma_start3A_325 : memref<128xi32, #tpu.memory_space<hbm>>) target(%arg12 : memref<128xi32, #tpu.memory_space<vmem>>) target_semaphore(%run_scoped3A_322 : memref<!tpu.dma_semaphore, #tpu.memory_space<semaphore_mem>>)
          %dma_wait3A = tpu.memref_slice %arg2[%run_scoped3A, %mul3A_136] : memref<2x800000xi32, #tpu.memory_space<hbm>> -> memref<1x128xi32, #tpu.memory_space<hbm>>
          %dma_wait3A_326 = tpu.memref_squeeze %dma_wait3A : memref<1x128xi32, #tpu.memory_space<hbm>> -> memref<128xi32, #tpu.memory_space<hbm>>
          %dma_wait3A_327 = tpu.memref_slice %arg2[%run_scoped3A, %mul3A_136] : memref<2x800000xi32, #tpu.memory_space<hbm>> -> memref<1x128xi32, #tpu.memory_space<hbm>>
          %dma_wait3A_328 = tpu.memref_squeeze %dma_wait3A_327 : memref<1x128xi32, #tpu.memory_space<hbm>> -> memref<128xi32, #tpu.memory_space<hbm>>
          tpu.wait_dma2 semaphore(%run_scoped3A_322 : memref<!tpu.dma_semaphore, #tpu.memory_space<semaphore_mem>>) src(%dma_wait3A_328 : memref<128xi32, #tpu.memory_space<hbm>>) dst(%arg12 : memref<128xi32, #tpu.memory_space<vmem>>)
          tpu.yield
        }) : () -> ()
        %run_scoped3A_321 = arith.constant 0 : i32
        "tpu.region"() ({
          %run_scoped3A_322 = tpu.sem_alloc : memref<!tpu.dma_semaphore, #tpu.memory_space<semaphore_mem>>
          %dma_start3A = tpu.memref_slice %arg2[%run_scoped3A_321, %mul3A_136] : memref<2x800000xi32, #tpu.memory_space<hbm>> -> memref<1x128xi32, #tpu.memory_space<hbm>>
          %dma_start3A_323 = tpu.memref_squeeze %dma_start3A : memref<1x128xi32, #tpu.memory_space<hbm>> -> memref<128xi32, #tpu.memory_space<hbm>>
          %dma_start3A_324 = tpu.memref_slice %arg2[%run_scoped3A_321, %mul3A_136] : memref<2x800000xi32, #tpu.memory_space<hbm>> -> memref<1x128xi32, #tpu.memory_space<hbm>>
          %dma_start3A_325 = tpu.memref_squeeze %dma_start3A_324 : memref<1x128xi32, #tpu.memory_space<hbm>> -> memref<128xi32, #tpu.memory_space<hbm>>
          tpu.enqueue_dma source(%dma_start3A_325 : memref<128xi32, #tpu.memory_space<hbm>>) target(%arg13 : memref<128xi32, #tpu.memory_space<vmem>>) target_semaphore(%run_scoped3A_322 : memref<!tpu.dma_semaphore, #tpu.memory_space<semaphore_mem>>)
          %dma_wait3A = tpu.memref_slice %arg2[%run_scoped3A_321, %mul3A_136] : memref<2x800000xi32, #tpu.memory_space<hbm>> -> memref<1x128xi32, #tpu.memory_space<hbm>>
          %dma_wait3A_326 = tpu.memref_squeeze %dma_wait3A : memref<1x128xi32, #tpu.memory_space<hbm>> -> memref<128xi32, #tpu.memory_space<hbm>>
          %dma_wait3A_327 = tpu.memref_slice %arg2[%run_scoped3A_321, %mul3A_136] : memref<2x800000xi32, #tpu.memory_space<hbm>> -> memref<1x128xi32, #tpu.memory_space<hbm>>
          %dma_wait3A_328 = tpu.memref_squeeze %dma_wait3A_327 : memref<1x128xi32, #tpu.memory_space<hbm>> -> memref<128xi32, #tpu.memory_space<hbm>>
          tpu.wait_dma2 semaphore(%run_scoped3A_322 : memref<!tpu.dma_semaphore, #tpu.memory_space<semaphore_mem>>) src(%dma_wait3A_328 : memref<128xi32, #tpu.memory_space<hbm>>) dst(%arg13 : memref<128xi32, #tpu.memory_space<vmem>>)
          tpu.yield
        }) : () -> ()
      } else {
      }
      %get3A = arith.constant 0 : index
      %get3A_147 = tpu.vector_load %arg12[%get3A] {strides = array<i32>} : memref<128xi32, #tpu.memory_space<vmem>>, vector<16xi32>,
      %shift_right_logical3A = arith.constant 1 : i32
      %shift_right_logical3A_148 = vector.broadcast %shift_right_logical3A : i32 to vector<16xi32>
      %shift_right_logical3A_149 = arith.shrui %get3A_147, %shift_right_logical3A_148 : vector<16xi32>
      %gather3A = tpu.vector_load_idx %arg11[%shift_right_logical3A_149] : memref<25008xi32, #tpu.memory_space<vmem>>[vector<16xi32>], vector<16xi32>,
      %and3A_150 = arith.constant 1 : i32
      %and3A_151 = vector.broadcast %and3A_150 : i32 to vector<16xi32>
      %and3A_152 = arith.andi %get3A_147, %and3A_151 : vector<16xi32>
      %eq3A_153 = arith.constant 1 : i32
      %eq3A_154 = vector.broadcast %eq3A_153 : i32 to vector<16xi32>
      %eq3A_155 = arith.cmpi eq, %and3A_152, %eq3A_154 : vector<16xi32>
      %shift_right_logical3A_156 = arith.constant 16 : i32
      %shift_right_logical3A_157 = vector.broadcast %shift_right_logical3A_156 : i32 to vector<16xi32>
      %shift_right_logical3A_158 = arith.shrui %gather3A, %shift_right_logical3A_157 : vector<16xi32>
      %and3A_159 = arith.constant 65535 : i32
      %and3A_160 = vector.broadcast %and3A_159 : i32 to vector<16xi32>
      %and3A_161 = arith.andi %gather3A, %and3A_160 : vector<16xi32>
      %select_n3A_162 = arith.select %eq3A_155, %shift_right_logical3A_158, %and3A_161 : vector<16xi1>, vector<16xi32>
      %swap3A = arith.constant 0 : index
      %swap3A_163 = tpu.vector_load %arg14[%swap3A] {strides = array<i32>} : memref<128xi32, #tpu.memory_space<vmem>>, vector<16xi32>,
      tpu.vector_store %arg14[%swap3A], %select_n3A_162 {strides = array<i32>} : memref<128xi32, #tpu.memory_space<vmem>>, vector<16xi32>,
      %get3A_164 = arith.constant 16 : index
      %get3A_165 = tpu.vector_load %arg12[%get3A_164] {strides = array<i32>} : memref<128xi32, #tpu.memory_space<vmem>>, vector<16xi32>,
      %shift_right_logical3A_166 = arith.constant 1 : i32
      %shift_right_logical3A_167 = vector.broadcast %shift_right_logical3A_166 : i32 to vector<16xi32>
      %shift_right_logical3A_168 = arith.shrui %get3A_165, %shift_right_logical3A_167 : vector<16xi32>
      %gather3A_169 = tpu.vector_load_idx %arg11[%shift_right_logical3A_168] : memref<25008xi32, #tpu.memory_space<vmem>>[vector<16xi32>], vector<16xi32>,
      %and3A_170 = arith.constant 1 : i32
      %and3A_171 = vector.broadcast %and3A_170 : i32 to vector<16xi32>
      %and3A_172 = arith.andi %get3A_165, %and3A_171 : vector<16xi32>
      %eq3A_173 = arith.constant 1 : i32
      %eq3A_174 = vector.broadcast %eq3A_173 : i32 to vector<16xi32>
      %eq3A_175 = arith.cmpi eq, %and3A_172, %eq3A_174 : vector<16xi32>
      %shift_right_logical3A_176 = arith.constant 16 : i32
      %shift_right_logical3A_177 = vector.broadcast %shift_right_logical3A_176 : i32 to vector<16xi32>
      %shift_right_logical3A_178 = arith.shrui %gather3A_169, %shift_right_logical3A_177 : vector<16xi32>
      %and3A_179 = arith.constant 65535 : i32
      %and3A_180 = vector.broadcast %and3A_179 : i32 to vector<16xi32>
      %and3A_181 = arith.andi %gather3A_169, %and3A_180 : vector<16xi32>
      %select_n3A_182 = arith.select %eq3A_175, %shift_right_logical3A_178, %and3A_181 : vector<16xi1>, vector<16xi32>
      %swap3A_183 = arith.constant 16 : index
      %swap3A_184 = tpu.vector_load %arg14[%swap3A_183] {strides = array<i32>} : memref<128xi32, #tpu.memory_space<vmem>>, vector<16xi32>,
      tpu.vector_store %arg14[%swap3A_183], %select_n3A_182 {strides = array<i32>} : memref<128xi32, #tpu.memory_space<vmem>>, vector<16xi32>,
      %get3A_185 = arith.constant 32 : index
      %get3A_186 = tpu.vector_load %arg12[%get3A_185] {strides = array<i32>} : memref<128xi32, #tpu.memory_space<vmem>>, vector<16xi32>,
      %shift_right_logical3A_187 = arith.constant 1 : i32
      %shift_right_logical3A_188 = vector.broadcast %shift_right_logical3A_187 : i32 to vector<16xi32>
      %shift_right_logical3A_189 = arith.shrui %get3A_186, %shift_right_logical3A_188 : vector<16xi32>
      %gather3A_190 = tpu.vector_load_idx %arg11[%shift_right_logical3A_189] : memref<25008xi32, #tpu.memory_space<vmem>>[vector<16xi32>], vector<16xi32>,
      %and3A_191 = arith.constant 1 : i32
      %and3A_192 = vector.broadcast %and3A_191 : i32 to vector<16xi32>
      %and3A_193 = arith.andi %get3A_186, %and3A_192 : vector<16xi32>
      %eq3A_194 = arith.constant 1 : i32
      %eq3A_195 = vector.broadcast %eq3A_194 : i32 to vector<16xi32>
      %eq3A_196 = arith.cmpi eq, %and3A_193, %eq3A_195 : vector<16xi32>
      %shift_right_logical3A_197 = arith.constant 16 : i32
      %shift_right_logical3A_198 = vector.broadcast %shift_right_logical3A_197 : i32 to vector<16xi32>
      %shift_right_logical3A_199 = arith.shrui %gather3A_190, %shift_right_logical3A_198 : vector<16xi32>
      %and3A_200 = arith.constant 65535 : i32
      %and3A_201 = vector.broadcast %and3A_200 : i32 to vector<16xi32>
      %and3A_202 = arith.andi %gather3A_190, %and3A_201 : vector<16xi32>
      %select_n3A_203 = arith.select %eq3A_196, %shift_right_logical3A_199, %and3A_202 : vector<16xi1>, vector<16xi32>
      %swap3A_204 = arith.constant 32 : index
      %swap3A_205 = tpu.vector_load %arg14[%swap3A_204] {strides = array<i32>} : memref<128xi32, #tpu.memory_space<vmem>>, vector<16xi32>,
      tpu.vector_store %arg14[%swap3A_204], %select_n3A_203 {strides = array<i32>} : memref<128xi32, #tpu.memory_space<vmem>>, vector<16xi32>,
      %get3A_206 = arith.constant 48 : index
      %get3A_207 = tpu.vector_load %arg12[%get3A_206] {strides = array<i32>} : memref<128xi32, #tpu.memory_space<vmem>>, vector<16xi32>,
      %shift_right_logical3A_208 = arith.constant 1 : i32
      %shift_right_logical3A_209 = vector.broadcast %shift_right_logical3A_208 : i32 to vector<16xi32>
      %shift_right_logical3A_210 = arith.shrui %get3A_207, %shift_right_logical3A_209 : vector<16xi32>
      %gather3A_211 = tpu.vector_load_idx %arg11[%shift_right_logical3A_210] : memref<25008xi32, #tpu.memory_space<vmem>>[vector<16xi32>], vector<16xi32>,
      %and3A_212 = arith.constant 1 : i32
      %and3A_213 = vector.broadcast %and3A_212 : i32 to vector<16xi32>
      %and3A_214 = arith.andi %get3A_207, %and3A_213 : vector<16xi32>
      %eq3A_215 = arith.constant 1 : i32
      %eq3A_216 = vector.broadcast %eq3A_215 : i32 to vector<16xi32>
      %eq3A_217 = arith.cmpi eq, %and3A_214, %eq3A_216 : vector<16xi32>
      %shift_right_logical3A_218 = arith.constant 16 : i32
      %shift_right_logical3A_219 = vector.broadcast %shift_right_logical3A_218 : i32 to vector<16xi32>
      %shift_right_logical3A_220 = arith.shrui %gather3A_211, %shift_right_logical3A_219 : vector<16xi32>
      %and3A_221 = arith.constant 65535 : i32
      %and3A_222 = vector.broadcast %and3A_221 : i32 to vector<16xi32>
      %and3A_223 = arith.andi %gather3A_211, %and3A_222 : vector<16xi32>
      %select_n3A_224 = arith.select %eq3A_217, %shift_right_logical3A_220, %and3A_223 : vector<16xi1>, vector<16xi32>
      %swap3A_225 = arith.constant 48 : index
      %swap3A_226 = tpu.vector_load %arg14[%swap3A_225] {strides = array<i32>} : memref<128xi32, #tpu.memory_space<vmem>>, vector<16xi32>,
      tpu.vector_store %arg14[%swap3A_225], %select_n3A_224 {strides = array<i32>} : memref<128xi32, #tpu.memory_space<vmem>>, vector<16xi32>,
      %get3A_227 = arith.constant 64 : index
      %get3A_228 = tpu.vector_load %arg12[%get3A_227] {strides = array<i32>} : memref<128xi32, #tpu.memory_space<vmem>>, vector<16xi32>,
      %shift_right_logical3A_229 = arith.constant 1 : i32
      %shift_right_logical3A_230 = vector.broadcast %shift_right_logical3A_229 : i32 to vector<16xi32>
      %shift_right_logical3A_231 = arith.shrui %get3A_228, %shift_right_logical3A_230 : vector<16xi32>
      %gather3A_232 = tpu.vector_load_idx %arg11[%shift_right_logical3A_231] : memref<25008xi32, #tpu.memory_space<vmem>>[vector<16xi32>], vector<16xi32>,
      %and3A_233 = arith.constant 1 : i32
      %and3A_234 = vector.broadcast %and3A_233 : i32 to vector<16xi32>
      %and3A_235 = arith.andi %get3A_228, %and3A_234 : vector<16xi32>
      %eq3A_236 = arith.constant 1 : i32
      %eq3A_237 = vector.broadcast %eq3A_236 : i32 to vector<16xi32>
      %eq3A_238 = arith.cmpi eq, %and3A_235, %eq3A_237 : vector<16xi32>
      %shift_right_logical3A_239 = arith.constant 16 : i32
      %shift_right_logical3A_240 = vector.broadcast %shift_right_logical3A_239 : i32 to vector<16xi32>
      %shift_right_logical3A_241 = arith.shrui %gather3A_232, %shift_right_logical3A_240 : vector<16xi32>
      %and3A_242 = arith.constant 65535 : i32
      %and3A_243 = vector.broadcast %and3A_242 : i32 to vector<16xi32>
      %and3A_244 = arith.andi %gather3A_232, %and3A_243 : vector<16xi32>
      %select_n3A_245 = arith.select %eq3A_238, %shift_right_logical3A_241, %and3A_244 : vector<16xi1>, vector<16xi32>
      %swap3A_246 = arith.constant 64 : index
      %swap3A_247 = tpu.vector_load %arg14[%swap3A_246] {strides = array<i32>} : memref<128xi32, #tpu.memory_space<vmem>>, vector<16xi32>,
      tpu.vector_store %arg14[%swap3A_246], %select_n3A_245 {strides = array<i32>} : memref<128xi32, #tpu.memory_space<vmem>>, vector<16xi32>,
      %get3A_248 = arith.constant 80 : index
      %get3A_249 = tpu.vector_load %arg12[%get3A_248] {strides = array<i32>} : memref<128xi32, #tpu.memory_space<vmem>>, vector<16xi32>,
      %shift_right_logical3A_250 = arith.constant 1 : i32
      %shift_right_logical3A_251 = vector.broadcast %shift_right_logical3A_250 : i32 to vector<16xi32>
      %shift_right_logical3A_252 = arith.shrui %get3A_249, %shift_right_logical3A_251 : vector<16xi32>
      %gather3A_253 = tpu.vector_load_idx %arg11[%shift_right_logical3A_252] : memref<25008xi32, #tpu.memory_space<vmem>>[vector<16xi32>], vector<16xi32>,
      %and3A_254 = arith.constant 1 : i32
      %and3A_255 = vector.broadcast %and3A_254 : i32 to vector<16xi32>
      %and3A_256 = arith.andi %get3A_249, %and3A_255 : vector<16xi32>
      %eq3A_257 = arith.constant 1 : i32
      %eq3A_258 = vector.broadcast %eq3A_257 : i32 to vector<16xi32>
      %eq3A_259 = arith.cmpi eq, %and3A_256, %eq3A_258 : vector<16xi32>
      %shift_right_logical3A_260 = arith.constant 16 : i32
      %shift_right_logical3A_261 = vector.broadcast %shift_right_logical3A_260 : i32 to vector<16xi32>
      %shift_right_logical3A_262 = arith.shrui %gather3A_253, %shift_right_logical3A_261 : vector<16xi32>
      %and3A_263 = arith.constant 65535 : i32
      %and3A_264 = vector.broadcast %and3A_263 : i32 to vector<16xi32>
      %and3A_265 = arith.andi %gather3A_253, %and3A_264 : vector<16xi32>
      %select_n3A_266 = arith.select %eq3A_259, %shift_right_logical3A_262, %and3A_265 : vector<16xi1>, vector<16xi32>
      %swap3A_267 = arith.constant 80 : index
      %swap3A_268 = tpu.vector_load %arg14[%swap3A_267] {strides = array<i32>} : memref<128xi32, #tpu.memory_space<vmem>>, vector<16xi32>,
      tpu.vector_store %arg14[%swap3A_267], %select_n3A_266 {strides = array<i32>} : memref<128xi32, #tpu.memory_space<vmem>>, vector<16xi32>,
      %get3A_269 = arith.constant 96 : index
      %get3A_270 = tpu.vector_load %arg12[%get3A_269] {strides = array<i32>} : memref<128xi32, #tpu.memory_space<vmem>>, vector<16xi32>,
      %shift_right_logical3A_271 = arith.constant 1 : i32
      %shift_right_logical3A_272 = vector.broadcast %shift_right_logical3A_271 : i32 to vector<16xi32>
      %shift_right_logical3A_273 = arith.shrui %get3A_270, %shift_right_logical3A_272 : vector<16xi32>
      %gather3A_274 = tpu.vector_load_idx %arg11[%shift_right_logical3A_273] : memref<25008xi32, #tpu.memory_space<vmem>>[vector<16xi32>], vector<16xi32>,
      %and3A_275 = arith.constant 1 : i32
      %and3A_276 = vector.broadcast %and3A_275 : i32 to vector<16xi32>
      %and3A_277 = arith.andi %get3A_270, %and3A_276 : vector<16xi32>
      %eq3A_278 = arith.constant 1 : i32
      %eq3A_279 = vector.broadcast %eq3A_278 : i32 to vector<16xi32>
      %eq3A_280 = arith.cmpi eq, %and3A_277, %eq3A_279 : vector<16xi32>
      %shift_right_logical3A_281 = arith.constant 16 : i32
      %shift_right_logical3A_282 = vector.broadcast %shift_right_logical3A_281 : i32 to vector<16xi32>
      %shift_right_logical3A_283 = arith.shrui %gather3A_274, %shift_right_logical3A_282 : vector<16xi32>
      %and3A_284 = arith.constant 65535 : i32
      %and3A_285 = vector.broadcast %and3A_284 : i32 to vector<16xi32>
      %and3A_286 = arith.andi %gather3A_274, %and3A_285 : vector<16xi32>
      %select_n3A_287 = arith.select %eq3A_280, %shift_right_logical3A_283, %and3A_286 : vector<16xi1>, vector<16xi32>
      %swap3A_288 = arith.constant 96 : index
      %swap3A_289 = tpu.vector_load %arg14[%swap3A_288] {strides = array<i32>} : memref<128xi32, #tpu.memory_space<vmem>>, vector<16xi32>,
      tpu.vector_store %arg14[%swap3A_288], %select_n3A_287 {strides = array<i32>} : memref<128xi32, #tpu.memory_space<vmem>>, vector<16xi32>,
      %get3A_290 = arith.constant 112 : index
      %get3A_291 = tpu.vector_load %arg12[%get3A_290] {strides = array<i32>} : memref<128xi32, #tpu.memory_space<vmem>>, vector<16xi32>,
      %shift_right_logical3A_292 = arith.constant 1 : i32
      %shift_right_logical3A_293 = vector.broadcast %shift_right_logical3A_292 : i32 to vector<16xi32>
      %shift_right_logical3A_294 = arith.shrui %get3A_291, %shift_right_logical3A_293 : vector<16xi32>
      %gather3A_295 = tpu.vector_load_idx %arg11[%shift_right_logical3A_294] : memref<25008xi32, #tpu.memory_space<vmem>>[vector<16xi32>], vector<16xi32>,
      %and3A_296 = arith.constant 1 : i32
      %and3A_297 = vector.broadcast %and3A_296 : i32 to vector<16xi32>
      %and3A_298 = arith.andi %get3A_291, %and3A_297 : vector<16xi32>
      %eq3A_299 = arith.constant 1 : i32
      %eq3A_300 = vector.broadcast %eq3A_299 : i32 to vector<16xi32>
      %eq3A_301 = arith.cmpi eq, %and3A_298, %eq3A_300 : vector<16xi32>
      %shift_right_logical3A_302 = arith.constant 16 : i32
      %shift_right_logical3A_303 = vector.broadcast %shift_right_logical3A_302 : i32 to vector<16xi32>
      %shift_right_logical3A_304 = arith.shrui %gather3A_295, %shift_right_logical3A_303 : vector<16xi32>
      %and3A_305 = arith.constant 65535 : i32
      %and3A_306 = vector.broadcast %and3A_305 : i32 to vector<16xi32>
      %and3A_307 = arith.andi %gather3A_295, %and3A_306 : vector<16xi32>
      %select_n3A_308 = arith.select %eq3A_301, %shift_right_logical3A_304, %and3A_307 : vector<16xi1>, vector<16xi32>
      %swap3A_309 = arith.constant 112 : index
      %swap3A_310 = tpu.vector_load %arg14[%swap3A_309] {strides = array<i32>} : memref<128xi32, #tpu.memory_space<vmem>>, vector<16xi32>,
      tpu.vector_store %arg14[%swap3A_309], %select_n3A_308 {strides = array<i32>} : memref<128xi32, #tpu.memory_space<vmem>>, vector<16xi32>,
      %eq3A_311 = arith.constant 0 : i32
      %eq3A_312 = arith.cmpi eq, %arg0, %eq3A_311 : i32
      %convert_element_type3A_313 = arith.extui %eq3A_312 : i1 to i32
      %cond3A_314 = arith.constant 0 : i32
      %cond3A_315 = arith.cmpi ne, %convert_element_type3A_313, %cond3A_314 : i32
      scf.if %cond3A_315 {
        %dma_start3A = arith.constant 0 : i32
        %dma_start3A_321 = arith.constant 0 : i32
        %dma_start3A_322 = tpu.memref_slice %arg6[%dma_start3A, %dma_start3A_321] : memref<50000x64xf32, #tpu.memory_space<hbm>> -> memref<50000x64xf32, #tpu.memory_space<hbm>>
        tpu.enqueue_indirect_dma source(%dma_start3A_322 : memref<50000x64xf32, #tpu.memory_space<hbm>>) target(%arg15 : memref<128x64xf32, #tpu.memory_space<vmem>>) offsets(%arg13 : memref<128xi32, #tpu.memory_space<vmem>>) semaphore(%arg19 : memref<!tpu.dma_semaphore, #tpu.memory_space<semaphore_mem>>)
        %dma_wait3A = arith.constant 0 : i32
        %dma_wait3A_323 = arith.constant 0 : i32
        %dma_wait3A_324 = tpu.memref_slice %arg6[%dma_wait3A, %dma_wait3A_323] : memref<50000x64xf32, #tpu.memory_space<hbm>> -> memref<50000x64xf32, #tpu.memory_space<hbm>>
        tpu.wait_indirect_dma semaphore(%arg19 : memref<!tpu.dma_semaphore, #tpu.memory_space<semaphore_mem>>) src(%dma_wait3A_324 : memref<50000x64xf32, #tpu.memory_space<hbm>>) dst(%arg15 : memref<128x64xf32, #tpu.memory_space<vmem>>)
      } else {
      }
      %eq3A_316 = arith.constant 1 : i32
      %eq3A_317 = arith.cmpi eq, %arg0, %eq3A_316 : i32
      %convert_element_type3A_318 = arith.extui %eq3A_317 : i1 to i32
      %cond3A_319 = arith.constant 0 : i32
      %cond3A_320 = arith.cmpi ne, %convert_element_type3A_318, %cond3A_319 : i32
      scf.if %cond3A_320 {
        %dma_start3A = arith.constant 0 : i32
        %dma_start3A_321 = arith.constant 0 : i32
        %dma_start3A_322 = tpu.memref_slice %arg5[%dma_start3A, %dma_start3A_321] : memref<50000x64xf32, #tpu.memory_space<hbm>> -> memref<50000x64xf32, #tpu.memory_space<hbm>>
        tpu.enqueue_indirect_dma source(%dma_start3A_322 : memref<50000x64xf32, #tpu.memory_space<hbm>>) target(%arg15 : memref<128x64xf32, #tpu.memory_space<vmem>>) offsets(%arg13 : memref<128xi32, #tpu.memory_space<vmem>>) semaphore(%arg19 : memref<!tpu.dma_semaphore, #tpu.memory_space<semaphore_mem>>)
        %dma_wait3A = arith.constant 0 : i32
        %dma_wait3A_323 = arith.constant 0 : i32
        %dma_wait3A_324 = tpu.memref_slice %arg5[%dma_wait3A, %dma_wait3A_323] : memref<50000x64xf32, #tpu.memory_space<hbm>> -> memref<50000x64xf32, #tpu.memory_space<hbm>>
        tpu.wait_indirect_dma semaphore(%arg19 : memref<!tpu.dma_semaphore, #tpu.memory_space<semaphore_mem>>) src(%dma_wait3A_324 : memref<50000x64xf32, #tpu.memory_space<hbm>>) dst(%arg15 : memref<128x64xf32, #tpu.memory_space<vmem>>)
      } else {
      }
      "tpu.region"() ({
        %run_scoped3A = tpu.sem_alloc : memref<!tpu.dma_semaphore, #tpu.memory_space<semaphore_mem>>
        %dma_start3A = arith.constant 0 : i32
        %dma_start3A_321 = arith.constant 0 : i32
        %dma_start3A_322 = tpu.memref_slice %arg17[%dma_start3A, %dma_start3A_321] : memref<16512x64xf32, #tpu.memory_space<vmem_shared>> -> memref<16512x64xf32, #tpu.memory_space<vmem_shared>>
        tpu.enqueue_indirect_dma source(%arg15 : memref<128x64xf32, #tpu.memory_space<vmem>>) target(%dma_start3A_322 : memref<16512x64xf32, #tpu.memory_space<vmem_shared>>) offsets(%arg14 : memref<128xi32, #tpu.memory_space<vmem>>) semaphore(%run_scoped3A : memref<!tpu.dma_semaphore, #tpu.memory_space<semaphore_mem>>) {add = true}
        %dma_wait3A = arith.constant 0 : i32
        %dma_wait3A_323 = arith.constant 0 : i32
        %dma_wait3A_324 = tpu.memref_slice %arg17[%dma_wait3A, %dma_wait3A_323] : memref<16512x64xf32, #tpu.memory_space<vmem_shared>> -> memref<16512x64xf32, #tpu.memory_space<vmem_shared>>
        tpu.wait_indirect_dma semaphore(%run_scoped3A : memref<!tpu.dma_semaphore, #tpu.memory_space<semaphore_mem>>) src(%arg15 : memref<128x64xf32, #tpu.memory_space<vmem>>) dst(%dma_wait3A_324 : memref<16512x64xf32, #tpu.memory_space<vmem_shared>>)
        tpu.yield
      }) : () -> ()
      "tpu.region"() ({
        %run_scoped3A = tpu.sem_alloc : memref<!tpu.dma_semaphore, #tpu.memory_space<semaphore_mem>>
        %dma_start3A = arith.constant 0 : i32
        %dma_start3A_321 = arith.constant 0 : i32
        %dma_start3A_322 = tpu.memref_slice %arg18[%dma_start3A, %dma_start3A_321] : memref<16512x16xf32, #tpu.memory_space<vmem_shared>> -> memref<16512x16xf32, #tpu.memory_space<vmem_shared>>
        tpu.enqueue_indirect_dma source(%arg16 : memref<128x16xf32, #tpu.memory_space<vmem>>) target(%dma_start3A_322 : memref<16512x16xf32, #tpu.memory_space<vmem_shared>>) offsets(%arg14 : memref<128xi32, #tpu.memory_space<vmem>>) semaphore(%run_scoped3A : memref<!tpu.dma_semaphore, #tpu.memory_space<semaphore_mem>>) {add = true}
        %dma_wait3A = arith.constant 0 : i32
        %dma_wait3A_323 = arith.constant 0 : i32
        %dma_wait3A_324 = tpu.memref_slice %arg18[%dma_wait3A, %dma_wait3A_323] : memref<16512x16xf32, #tpu.memory_space<vmem_shared>> -> memref<16512x16xf32, #tpu.memory_space<vmem_shared>>
        tpu.wait_indirect_dma semaphore(%run_scoped3A : memref<!tpu.dma_semaphore, #tpu.memory_space<semaphore_mem>>) src(%arg16 : memref<128x16xf32, #tpu.memory_space<vmem>>) dst(%dma_wait3A_324 : memref<16512x16xf32, #tpu.memory_space<vmem_shared>>)
        tpu.yield
      }) : () -> ()
    }
    %barrier3A_91 = arith.constant 0 : index
    tpu.barrier barrier_id(%barrier3A_91)
    %sub3A_92 = arith.constant 129 : i32
    %sub3A_93 = arith.subi %sub3A_92, %arg1 : i32
    %add3A_94 = arith.constant 16 : i32
    %add3A_95 = arith.addi %sub3A_93, %add3A_94 : i32
    %sub3A_96 = arith.constant 1 : i32
    %sub3A_97 = arith.subi %add3A_95, %sub3A_96 : i32
    %jit3A_98 = arith.constant 16 : i32
    %div3A_99 = arith.divsi %sub3A_97, %jit3A_98 : i32
    %sign3A_100 = arith.constant 0 : i32
    %sign3A_101 = arith.cmpi sgt, %sub3A_97, %sign3A_100 : i32
    %sign3A_102 = arith.extui %sign3A_101 : i1 to i32
    %sign3A_103 = arith.constant 0 : i32
    %sign3A_104 = arith.cmpi slt, %sub3A_97, %sign3A_103 : i32
    %sign3A_105 = arith.extui %sign3A_104 : i1 to i32
    %sign3A_106 = arith.subi %sign3A_102, %sign3A_105 : i32
    %sign3A_107 = arith.constant 0 : i32
    %sign3A_108 = arith.cmpi sgt, %jit3A_98, %sign3A_107 : i32
    %sign3A_109 = arith.extui %sign3A_108 : i1 to i32
    %sign3A_110 = arith.constant 0 : i32
    %sign3A_111 = arith.cmpi slt, %jit3A_98, %sign3A_110 : i32
    %sign3A_112 = arith.extui %sign3A_111 : i1 to i32
    %sign3A_113 = arith.subi %sign3A_109, %sign3A_112 : i32
    %ne3A_114 = arith.cmpi ne, %sign3A_106, %sign3A_113 : i32
    %rem3A_115 = arith.remsi %sub3A_97, %jit3A_98 : i32
    %ne3A_116 = arith.constant 0 : i32
    %ne3A_117 = arith.cmpi ne, %rem3A_115, %ne3A_116 : i32
    %and3A_118 = arith.andi %ne3A_114, %ne3A_117 : i1
    %sub3A_119 = arith.constant 1 : i32
    %sub3A_120 = arith.subi %div3A_99, %sub3A_119 : i32
    %select_n3A_121 = arith.select %and3A_118, %sub3A_120, %div3A_99 : i32
    %while3A_122 = arith.constant 0 : i32
    %while3A_123 = arith.constant 0 : i32
    %while3A_124 = arith.subi %select_n3A_121, %while3A_123 : i32
    %while3A_125 = arith.addi %while3A_123, %while3A_124 : i32
    %while3A_126 = arith.constant 1 : i32
    %while3A_127 = arith.divsi %while3A_124, %while3A_126 : i32
    %while3A_128 = arith.muli %while3A_127, %while3A_126 : i32
    %while3A_129 = arith.addi %while3A_123, %while3A_128 : i32
    %while3A_130 = arith.constant 1 : i32
    scf.for %while3A_132 = %while3A_123 to %while3A_129 step %while3A_130  : i32 {
      %mul3A = arith.constant 16 : i32
      %mul3A_133 = arith.muli %while3A_132, %mul3A : i32
      %add3A_134 = arith.addi %arg1, %mul3A_133 : i32
      %mul3A_135 = arith.constant 128 : i32
      %mul3A_136 = arith.muli %add3A_134, %mul3A_135 : i32
      %eq3A_137 = arith.constant 0 : i32
      %eq3A_138 = arith.cmpi eq, %arg0, %eq3A_137 : i32
      %convert_element_type3A_139 = arith.extui %eq3A_138 : i1 to i32
      %cond3A_140 = arith.constant 0 : i32
      %cond3A_141 = arith.cmpi ne, %convert_element_type3A_139, %cond3A_140 : i32
      scf.if %cond3A_141 {
        "tpu.region"() ({
          %run_scoped3A = tpu.sem_alloc : memref<!tpu.dma_semaphore, #tpu.memory_space<semaphore_mem>>
          %dma_start3A = arith.constant 0 : i32
          %dma_start3A_147 = tpu.memref_slice %arg7[%mul3A_136, %dma_start3A] : memref<16512x64xf32, #tpu.memory_space<hbm>> -> memref<128x64xf32, #tpu.memory_space<hbm>>
          %dma_start3A_148 = arith.constant 0 : i32
          %dma_start3A_149 = tpu.memref_slice %arg17[%mul3A_136, %dma_start3A_148] : memref<16512x64xf32, #tpu.memory_space<vmem_shared>> -> memref<128x64xf32, #tpu.memory_space<vmem_shared>>
          tpu.enqueue_dma source(%dma_start3A_149 : memref<128x64xf32, #tpu.memory_space<vmem_shared>>) target(%dma_start3A_147 : memref<128x64xf32, #tpu.memory_space<hbm>>) target_semaphore(%run_scoped3A : memref<!tpu.dma_semaphore, #tpu.memory_space<semaphore_mem>>)
          %dma_wait3A = arith.constant 0 : i32
          %dma_wait3A_150 = tpu.memref_slice %arg7[%mul3A_136, %dma_wait3A] : memref<16512x64xf32, #tpu.memory_space<hbm>> -> memref<128x64xf32, #tpu.memory_space<hbm>>
          %dma_wait3A_151 = arith.constant 0 : i32
          %dma_wait3A_152 = tpu.memref_slice %arg17[%mul3A_136, %dma_wait3A_151] : memref<16512x64xf32, #tpu.memory_space<vmem_shared>> -> memref<128x64xf32, #tpu.memory_space<vmem_shared>>
          tpu.wait_dma2 semaphore(%run_scoped3A : memref<!tpu.dma_semaphore, #tpu.memory_space<semaphore_mem>>) src(%dma_wait3A_152 : memref<128x64xf32, #tpu.memory_space<vmem_shared>>) dst(%dma_wait3A_150 : memref<128x64xf32, #tpu.memory_space<hbm>>)
          tpu.yield
        }) : () -> ()
        "tpu.region"() ({
          %run_scoped3A = tpu.sem_alloc : memref<!tpu.dma_semaphore, #tpu.memory_space<semaphore_mem>>
          %dma_start3A = arith.constant 0 : i32
          %dma_start3A_147 = tpu.memref_slice %arg9[%mul3A_136, %dma_start3A] : memref<16512x16xf32, #tpu.memory_space<hbm>> -> memref<128x16xf32, #tpu.memory_space<hbm>>
          %dma_start3A_148 = arith.constant 0 : i32
          %dma_start3A_149 = tpu.memref_slice %arg18[%mul3A_136, %dma_start3A_148] : memref<16512x16xf32, #tpu.memory_space<vmem_shared>> -> memref<128x16xf32, #tpu.memory_space<vmem_shared>>
          tpu.enqueue_dma source(%dma_start3A_149 : memref<128x16xf32, #tpu.memory_space<vmem_shared>>) target(%dma_start3A_147 : memref<128x16xf32, #tpu.memory_space<hbm>>) target_semaphore(%run_scoped3A : memref<!tpu.dma_semaphore, #tpu.memory_space<semaphore_mem>>)
          %dma_wait3A = arith.constant 0 : i32
          %dma_wait3A_150 = tpu.memref_slice %arg9[%mul3A_136, %dma_wait3A] : memref<16512x16xf32, #tpu.memory_space<hbm>> -> memref<128x16xf32, #tpu.memory_space<hbm>>
          %dma_wait3A_151 = arith.constant 0 : i32
          %dma_wait3A_152 = tpu.memref_slice %arg18[%mul3A_136, %dma_wait3A_151] : memref<16512x16xf32, #tpu.memory_space<vmem_shared>> -> memref<128x16xf32, #tpu.memory_space<vmem_shared>>
          tpu.wait_dma2 semaphore(%run_scoped3A : memref<!tpu.dma_semaphore, #tpu.memory_space<semaphore_mem>>) src(%dma_wait3A_152 : memref<128x16xf32, #tpu.memory_space<vmem_shared>>) dst(%dma_wait3A_150 : memref<128x16xf32, #tpu.memory_space<hbm>>)
          tpu.yield
        }) : () -> ()
      } else {
      }
      %eq3A_142 = arith.constant 1 : i32
      %eq3A_143 = arith.cmpi eq, %arg0, %eq3A_142 : i32
      %convert_element_type3A_144 = arith.extui %eq3A_143 : i1 to i32
      %cond3A_145 = arith.constant 0 : i32
      %cond3A_146 = arith.cmpi ne, %convert_element_type3A_144, %cond3A_145 : i32
      scf.if %cond3A_146 {
        "tpu.region"() ({
          %run_scoped3A = tpu.sem_alloc : memref<!tpu.dma_semaphore, #tpu.memory_space<semaphore_mem>>
          %dma_start3A = arith.constant 0 : i32
          %dma_start3A_147 = tpu.memref_slice %arg8[%mul3A_136, %dma_start3A] : memref<16512x64xf32, #tpu.memory_space<hbm>> -> memref<128x64xf32, #tpu.memory_space<hbm>>
          %dma_start3A_148 = arith.constant 0 : i32
          %dma_start3A_149 = tpu.memref_slice %arg17[%mul3A_136, %dma_start3A_148] : memref<16512x64xf32, #tpu.memory_space<vmem_shared>> -> memref<128x64xf32, #tpu.memory_space<vmem_shared>>
          tpu.enqueue_dma source(%dma_start3A_149 : memref<128x64xf32, #tpu.memory_space<vmem_shared>>) target(%dma_start3A_147 : memref<128x64xf32, #tpu.memory_space<hbm>>) target_semaphore(%run_scoped3A : memref<!tpu.dma_semaphore, #tpu.memory_space<semaphore_mem>>)
          %dma_wait3A = arith.constant 0 : i32
          %dma_wait3A_150 = tpu.memref_slice %arg8[%mul3A_136, %dma_wait3A] : memref<16512x64xf32, #tpu.memory_space<hbm>> -> memref<128x64xf32, #tpu.memory_space<hbm>>
          %dma_wait3A_151 = arith.constant 0 : i32
          %dma_wait3A_152 = tpu.memref_slice %arg17[%mul3A_136, %dma_wait3A_151] : memref<16512x64xf32, #tpu.memory_space<vmem_shared>> -> memref<128x64xf32, #tpu.memory_space<vmem_shared>>
          tpu.wait_dma2 semaphore(%run_scoped3A : memref<!tpu.dma_semaphore, #tpu.memory_space<semaphore_mem>>) src(%dma_wait3A_152 : memref<128x64xf32, #tpu.memory_space<vmem_shared>>) dst(%dma_wait3A_150 : memref<128x64xf32, #tpu.memory_space<hbm>>)
          tpu.yield
        }) : () -> ()
        "tpu.region"() ({
          %run_scoped3A = tpu.sem_alloc : memref<!tpu.dma_semaphore, #tpu.memory_space<semaphore_mem>>
          %dma_start3A = arith.constant 0 : i32
          %dma_start3A_147 = tpu.memref_slice %arg10[%mul3A_136, %dma_start3A] : memref<16512x16xf32, #tpu.memory_space<hbm>> -> memref<128x16xf32, #tpu.memory_space<hbm>>
          %dma_start3A_148 = arith.constant 0 : i32
          %dma_start3A_149 = tpu.memref_slice %arg18[%mul3A_136, %dma_start3A_148] : memref<16512x16xf32, #tpu.memory_space<vmem_shared>> -> memref<128x16xf32, #tpu.memory_space<vmem_shared>>
          tpu.enqueue_dma source(%dma_start3A_149 : memref<128x16xf32, #tpu.memory_space<vmem_shared>>) target(%dma_start3A_147 : memref<128x16xf32, #tpu.memory_space<hbm>>) target_semaphore(%run_scoped3A : memref<!tpu.dma_semaphore, #tpu.memory_space<semaphore_mem>>)
          %dma_wait3A = arith.constant 0 : i32
          %dma_wait3A_150 = tpu.memref_slice %arg10[%mul3A_136, %dma_wait3A] : memref<16512x16xf32, #tpu.memory_space<hbm>> -> memref<128x16xf32, #tpu.memory_space<hbm>>
          %dma_wait3A_151 = arith.constant 0 : i32
          %dma_wait3A_152 = tpu.memref_slice %arg18[%mul3A_136, %dma_wait3A_151] : memref<16512x16xf32, #tpu.memory_space<vmem_shared>> -> memref<128x16xf32, #tpu.memory_space<vmem_shared>>
          tpu.wait_dma2 semaphore(%run_scoped3A : memref<!tpu.dma_semaphore, #tpu.memory_space<semaphore_mem>>) src(%dma_wait3A_152 : memref<128x16xf32, #tpu.memory_space<vmem_shared>>) dst(%dma_wait3A_150 : memref<128x16xf32, #tpu.memory_space<hbm>>)
          tpu.yield
        }) : () -> ()
      } else {
      }
    }
    %while3A_131 = arith.constant 1 : i32
    scf.for %while3A_132 = %while3A_129 to %while3A_125 step %while3A_131  : i32 {
      %mul3A = arith.constant 16 : i32
      %mul3A_133 = arith.muli %while3A_132, %mul3A : i32
      %add3A_134 = arith.addi %arg1, %mul3A_133 : i32
      %mul3A_135 = arith.constant 128 : i32
      %mul3A_136 = arith.muli %add3A_134, %mul3A_135 : i32
      %eq3A_137 = arith.constant 0 : i32
      %eq3A_138 = arith.cmpi eq, %arg0, %eq3A_137 : i32
      %convert_element_type3A_139 = arith.extui %eq3A_138 : i1 to i32
      %cond3A_140 = arith.constant 0 : i32
      %cond3A_141 = arith.cmpi ne, %convert_element_type3A_139, %cond3A_140 : i32
      scf.if %cond3A_141 {
        "tpu.region"() ({
          %run_scoped3A = tpu.sem_alloc : memref<!tpu.dma_semaphore, #tpu.memory_space<semaphore_mem>>
          %dma_start3A = arith.constant 0 : i32
          %dma_start3A_147 = tpu.memref_slice %arg7[%mul3A_136, %dma_start3A] : memref<16512x64xf32, #tpu.memory_space<hbm>> -> memref<128x64xf32, #tpu.memory_space<hbm>>
          %dma_start3A_148 = arith.constant 0 : i32
          %dma_start3A_149 = tpu.memref_slice %arg17[%mul3A_136, %dma_start3A_148] : memref<16512x64xf32, #tpu.memory_space<vmem_shared>> -> memref<128x64xf32, #tpu.memory_space<vmem_shared>>
          tpu.enqueue_dma source(%dma_start3A_149 : memref<128x64xf32, #tpu.memory_space<vmem_shared>>) target(%dma_start3A_147 : memref<128x64xf32, #tpu.memory_space<hbm>>) target_semaphore(%run_scoped3A : memref<!tpu.dma_semaphore, #tpu.memory_space<semaphore_mem>>)
          %dma_wait3A = arith.constant 0 : i32
          %dma_wait3A_150 = tpu.memref_slice %arg7[%mul3A_136, %dma_wait3A] : memref<16512x64xf32, #tpu.memory_space<hbm>> -> memref<128x64xf32, #tpu.memory_space<hbm>>
          %dma_wait3A_151 = arith.constant 0 : i32
          %dma_wait3A_152 = tpu.memref_slice %arg17[%mul3A_136, %dma_wait3A_151] : memref<16512x64xf32, #tpu.memory_space<vmem_shared>> -> memref<128x64xf32, #tpu.memory_space<vmem_shared>>
          tpu.wait_dma2 semaphore(%run_scoped3A : memref<!tpu.dma_semaphore, #tpu.memory_space<semaphore_mem>>) src(%dma_wait3A_152 : memref<128x64xf32, #tpu.memory_space<vmem_shared>>) dst(%dma_wait3A_150 : memref<128x64xf32, #tpu.memory_space<hbm>>)
          tpu.yield
        }) : () -> ()
        "tpu.region"() ({
          %run_scoped3A = tpu.sem_alloc : memref<!tpu.dma_semaphore, #tpu.memory_space<semaphore_mem>>
          %dma_start3A = arith.constant 0 : i32
          %dma_start3A_147 = tpu.memref_slice %arg9[%mul3A_136, %dma_start3A] : memref<16512x16xf32, #tpu.memory_space<hbm>> -> memref<128x16xf32, #tpu.memory_space<hbm>>
          %dma_start3A_148 = arith.constant 0 : i32
          %dma_start3A_149 = tpu.memref_slice %arg18[%mul3A_136, %dma_start3A_148] : memref<16512x16xf32, #tpu.memory_space<vmem_shared>> -> memref<128x16xf32, #tpu.memory_space<vmem_shared>>
          tpu.enqueue_dma source(%dma_start3A_149 : memref<128x16xf32, #tpu.memory_space<vmem_shared>>) target(%dma_start3A_147 : memref<128x16xf32, #tpu.memory_space<hbm>>) target_semaphore(%run_scoped3A : memref<!tpu.dma_semaphore, #tpu.memory_space<semaphore_mem>>)
          %dma_wait3A = arith.constant 0 : i32
          %dma_wait3A_150 = tpu.memref_slice %arg9[%mul3A_136, %dma_wait3A] : memref<16512x16xf32, #tpu.memory_space<hbm>> -> memref<128x16xf32, #tpu.memory_space<hbm>>
          %dma_wait3A_151 = arith.constant 0 : i32
          %dma_wait3A_152 = tpu.memref_slice %arg18[%mul3A_136, %dma_wait3A_151] : memref<16512x16xf32, #tpu.memory_space<vmem_shared>> -> memref<128x16xf32, #tpu.memory_space<vmem_shared>>
          tpu.wait_dma2 semaphore(%run_scoped3A : memref<!tpu.dma_semaphore, #tpu.memory_space<semaphore_mem>>) src(%dma_wait3A_152 : memref<128x16xf32, #tpu.memory_space<vmem_shared>>) dst(%dma_wait3A_150 : memref<128x16xf32, #tpu.memory_space<hbm>>)
          tpu.yield
        }) : () -> ()
      } else {
      }
      %eq3A_142 = arith.constant 1 : i32
      %eq3A_143 = arith.cmpi eq, %arg0, %eq3A_142 : i32
      %convert_element_type3A_144 = arith.extui %eq3A_143 : i1 to i32
      %cond3A_145 = arith.constant 0 : i32
      %cond3A_146 = arith.cmpi ne, %convert_element_type3A_144, %cond3A_145 : i32
      scf.if %cond3A_146 {
        "tpu.region"() ({
          %run_scoped3A = tpu.sem_alloc : memref<!tpu.dma_semaphore, #tpu.memory_space<semaphore_mem>>
          %dma_start3A = arith.constant 0 : i32
          %dma_start3A_147 = tpu.memref_slice %arg8[%mul3A_136, %dma_start3A] : memref<16512x64xf32, #tpu.memory_space<hbm>> -> memref<128x64xf32, #tpu.memory_space<hbm>>
          %dma_start3A_148 = arith.constant 0 : i32
          %dma_start3A_149 = tpu.memref_slice %arg17[%mul3A_136, %dma_start3A_148] : memref<16512x64xf32, #tpu.memory_space<vmem_shared>> -> memref<128x64xf32, #tpu.memory_space<vmem_shared>>
          tpu.enqueue_dma source(%dma_start3A_149 : memref<128x64xf32, #tpu.memory_space<vmem_shared>>) target(%dma_start3A_147 : memref<128x64xf32, #tpu.memory_space<hbm>>) target_semaphore(%run_scoped3A : memref<!tpu.dma_semaphore, #tpu.memory_space<semaphore_mem>>)
          %dma_wait3A = arith.constant 0 : i32
          %dma_wait3A_150 = tpu.memref_slice %arg8[%mul3A_136, %dma_wait3A] : memref<16512x64xf32, #tpu.memory_space<hbm>> -> memref<128x64xf32, #tpu.memory_space<hbm>>
          %dma_wait3A_151 = arith.constant 0 : i32
          %dma_wait3A_152 = tpu.memref_slice %arg17[%mul3A_136, %dma_wait3A_151] : memref<16512x64xf32, #tpu.memory_space<vmem_shared>> -> memref<128x64xf32, #tpu.memory_space<vmem_shared>>
          tpu.wait_dma2 semaphore(%run_scoped3A : memref<!tpu.dma_semaphore, #tpu.memory_space<semaphore_mem>>) src(%dma_wait3A_152 : memref<128x64xf32, #tpu.memory_space<vmem_shared>>) dst(%dma_wait3A_150 : memref<128x64xf32, #tpu.memory_space<hbm>>)
          tpu.yield
        }) : () -> ()
        "tpu.region"() ({
          %run_scoped3A = tpu.sem_alloc : memref<!tpu.dma_semaphore, #tpu.memory_space<semaphore_mem>>
          %dma_start3A = arith.constant 0 : i32
          %dma_start3A_147 = tpu.memref_slice %arg10[%mul3A_136, %dma_start3A] : memref<16512x16xf32, #tpu.memory_space<hbm>> -> memref<128x16xf32, #tpu.memory_space<hbm>>
          %dma_start3A_148 = arith.constant 0 : i32
          %dma_start3A_149 = tpu.memref_slice %arg18[%mul3A_136, %dma_start3A_148] : memref<16512x16xf32, #tpu.memory_space<vmem_shared>> -> memref<128x16xf32, #tpu.memory_space<vmem_shared>>
          tpu.enqueue_dma source(%dma_start3A_149 : memref<128x16xf32, #tpu.memory_space<vmem_shared>>) target(%dma_start3A_147 : memref<128x16xf32, #tpu.memory_space<hbm>>) target_semaphore(%run_scoped3A : memref<!tpu.dma_semaphore, #tpu.memory_space<semaphore_mem>>)
          %dma_wait3A = arith.constant 0 : i32
          %dma_wait3A_150 = tpu.memref_slice %arg10[%mul3A_136, %dma_wait3A] : memref<16512x16xf32, #tpu.memory_space<hbm>> -> memref<128x16xf32, #tpu.memory_space<hbm>>
          %dma_wait3A_151 = arith.constant 0 : i32
          %dma_wait3A_152 = tpu.memref_slice %arg18[%mul3A_136, %dma_wait3A_151] : memref<16512x16xf32, #tpu.memory_space<vmem_shared>> -> memref<128x16xf32, #tpu.memory_space<vmem_shared>>
          tpu.wait_dma2 semaphore(%run_scoped3A : memref<!tpu.dma_semaphore, #tpu.memory_space<semaphore_mem>>) src(%dma_wait3A_152 : memref<128x16xf32, #tpu.memory_space<vmem_shared>>) dst(%dma_wait3A_150 : memref<128x16xf32, #tpu.memory_space<hbm>>)
          tpu.yield
        }) : () -> ()
      } else {
      }
    }
    return
  }
}

#map = affine_map<(d0, d1) -> (0)>
module attributes {stable_mosaic.version = 14 : i64} {
  func.func @_slot_kernel(%arg0: i32, %arg1: i32, %arg2: memref<32768xi32, #tpu.memory_space<hbm>>, %arg3: memref<25008xi32, #tpu.memory_space<hbm>>, %arg4: memref<25008xi32, #tpu.memory_space<hbm>>, %arg5: memref<16384xi32, #tpu.memory_space<hbm>>, %arg6: memref<16384xi32, #tpu.memory_space<hbm>>, %arg7: memref<32768xi32, #tpu.memory_space<vmem>>, %arg8: memref<50016xi32, #tpu.memory_space<vmem>>, %arg9: memref<16384xi32, #tpu.memory_space<vmem>>, %arg10: memref<16384xi32, #tpu.memory_space<vmem>>) attributes {dimension_semantics = [#tpu.dimension_semantics<core_parallel>, #tpu.dimension_semantics<subcore_parallel>], iteration_bounds = array<i64: 2, 16>, scalar_prefetch = 0 : i64, scratch_operands = 4 : i64, tpu.core_type = #tpu.core_type<sc_vector_subcore>, window_params = [{transform_indices = #map}, {transform_indices = #map}, {transform_indices = #map}, {transform_indices = #map}, {transform_indices = #map}]} {
    %eq3A = arith.constant 0 : i32
    %eq3A_0 = arith.cmpi eq, %arg1, %eq3A : i32
    %convert_element_type3A = arith.extui %eq3A_0 : i1 to i32
    %cond3A = arith.constant 0 : i32
    %cond3A_1 = arith.cmpi ne, %convert_element_type3A, %cond3A : i32
    scf.if %cond3A_1 {
      "tpu.region"() ({
        %run_scoped3A = tpu.sem_alloc : memref<!tpu.dma_semaphore, #tpu.memory_space<semaphore_mem>>
        tpu.enqueue_dma source(%arg2 : memref<32768xi32, #tpu.memory_space<hbm>>) target(%arg7 : memref<32768xi32, #tpu.memory_space<vmem>>) target_semaphore(%run_scoped3A : memref<!tpu.dma_semaphore, #tpu.memory_space<semaphore_mem>>)
        tpu.wait_dma2 semaphore(%run_scoped3A : memref<!tpu.dma_semaphore, #tpu.memory_space<semaphore_mem>>) src(%arg2 : memref<32768xi32, #tpu.memory_space<hbm>>) dst(%arg7 : memref<32768xi32, #tpu.memory_space<vmem>>)
        tpu.yield
      }) : () -> ()
      %scan3A = arith.constant 0 : i32
      %scan3A_2 = arith.constant 0 : i32
      %scan3A_3 = arith.constant 3126 : i32
      %scan3A_4 = arith.addi %scan3A_2, %scan3A_3 : i32
      %scan3A_5 = arith.constant 1 : i32
      scf.for %scan3A_35 = %scan3A_2 to %scan3A_4 step %scan3A_5  : i32 {
        %broadcast_in_dim3A = arith.constant 16384 : i32
        %broadcast_in_dim3A_36 = vector.broadcast %broadcast_in_dim3A : i32 to vector<16xi32>
        %mul3A = arith.constant 16 : i32
        %mul3A_37 = arith.muli %scan3A_35, %mul3A : i32
        %swap3A = arith.index_cast %mul3A_37 : i32 to index
        %swap3A_38 = tpu.vector_load %arg8[%swap3A] {strides = array<i32>} : memref<50016xi32, #tpu.memory_space<vmem>>, vector<16xi32>,
        tpu.vector_store %arg8[%swap3A], %broadcast_in_dim3A_36 {strides = array<i32>} : memref<50016xi32, #tpu.memory_space<vmem>>, vector<16xi32>,
      }
      %scan3A_6 = arith.constant 3126 : i32
      %scan3A_7 = arith.constant 0 : i32
      %scan3A_8 = arith.constant 0 : i32
      %scan3A_9 = arith.constant 1024 : i32
      %scan3A_10 = arith.addi %scan3A_8, %scan3A_9 : i32
      %scan3A_11 = arith.constant 1 : i32
      scf.for %scan3A_35 = %scan3A_8 to %scan3A_10 step %scan3A_11  : i32 {
        %mul3A = arith.constant 16 : i32
        %mul3A_36 = arith.muli %scan3A_35, %mul3A : i32
        %iota3A = tpu.iota {dimensions = array<i32: 0>} : vector<16xi32>
        %add3A = vector.broadcast %mul3A_36 : i32 to vector<16xi32>
        %add3A_37 = arith.addi %add3A, %iota3A : vector<16xi32>
        %mul3A_38 = arith.constant 2 : i32
        %mul3A_39 = vector.broadcast %mul3A_38 : i32 to vector<16xi32>
        %mul3A_40 = arith.muli %add3A_37, %mul3A_39 : vector<16xi32>
        %add3A_41 = vector.broadcast %arg0 : i32 to vector<16xi32>
        %add3A_42 = arith.addi %mul3A_40, %add3A_41 : vector<16xi32>
        %gather3A = tpu.vector_load_idx %arg7[%add3A_42] : memref<32768xi32, #tpu.memory_space<vmem>>[vector<16xi32>], vector<16xi32>,
        %mul3A_43 = arith.constant 16 : i32
        %mul3A_44 = arith.muli %scan3A_35, %mul3A_43 : i32
        %swap3A = arith.index_cast %mul3A_44 : i32 to index
        %swap3A_45 = tpu.vector_load %arg9[%swap3A] {strides = array<i32>} : memref<16384xi32, #tpu.memory_space<vmem>>, vector<16xi32>,
        tpu.vector_store %arg9[%swap3A], %gather3A {strides = array<i32>} : memref<16384xi32, #tpu.memory_space<vmem>>, vector<16xi32>,
        tpu.vector_store_idx %arg8[%gather3A], %add3A_37 : memref<50016xi32, #tpu.memory_space<vmem>>[vector<16xi32>], vector<16xi32>,
      }
      %scan3A_12 = arith.constant 1024 : i32
      %scan3A_13 = arith.constant 0 : i32
      %scan3A_14 = arith.constant 0 : i32
      %scan3A_15 = arith.constant 1024 : i32
      %scan3A_16 = arith.addi %scan3A_14, %scan3A_15 : i32
      %scan3A_17 = arith.constant 1 : i32
      scf.for %scan3A_35 = %scan3A_14 to %scan3A_16 step %scan3A_17  : i32 {
        %mul3A = arith.constant 16 : i32
        %mul3A_36 = arith.muli %scan3A_35, %mul3A : i32
        %get3A = arith.index_cast %mul3A_36 : i32 to index
        %get3A_37 = tpu.vector_load %arg9[%get3A] {strides = array<i32>} : memref<16384xi32, #tpu.memory_space<vmem>>, vector<16xi32>,
        %gather3A = tpu.vector_load_idx %arg8[%get3A_37] : memref<50016xi32, #tpu.memory_space<vmem>>[vector<16xi32>], vector<16xi32>,
        %mul3A_38 = arith.constant 16 : i32
        %mul3A_39 = arith.muli %scan3A_35, %mul3A_38 : i32
        %swap3A = arith.index_cast %mul3A_39 : i32 to index
        %swap3A_40 = tpu.vector_load %arg10[%swap3A] {strides = array<i32>} : memref<16384xi32, #tpu.memory_space<vmem>>, vector<16xi32>,
        tpu.vector_store %arg10[%swap3A], %gather3A {strides = array<i32>} : memref<16384xi32, #tpu.memory_space<vmem>>, vector<16xi32>,
      }
      %scan3A_18 = arith.constant 1024 : i32
      %scan3A_19 = arith.constant 0 : i32
      %scan3A_20 = arith.constant 0 : i32
      %scan3A_21 = arith.constant 1563 : i32
      %scan3A_22 = arith.addi %scan3A_20, %scan3A_21 : i32
      %scan3A_23 = arith.constant 1 : i32
      scf.for %scan3A_35 = %scan3A_20 to %scan3A_22 step %scan3A_23  : i32 {
        %mul3A = arith.constant 16 : i32
        %mul3A_36 = arith.muli %scan3A_35, %mul3A : i32
        %iota3A = tpu.iota {dimensions = array<i32: 0>} : vector<16xi32>
        %add3A = vector.broadcast %mul3A_36 : i32 to vector<16xi32>
        %add3A_37 = arith.addi %add3A, %iota3A : vector<16xi32>
        %mul3A_38 = arith.constant 2 : i32
        %mul3A_39 = vector.broadcast %mul3A_38 : i32 to vector<16xi32>
        %mul3A_40 = arith.muli %add3A_37, %mul3A_39 : vector<16xi32>
        %gather3A = tpu.vector_load_idx %arg8[%mul3A_40] : memref<50016xi32, #tpu.memory_space<vmem>>[vector<16xi32>], vector<16xi32>,
        %mul3A_41 = arith.constant 2 : i32
        %mul3A_42 = vector.broadcast %mul3A_41 : i32 to vector<16xi32>
        %mul3A_43 = arith.muli %add3A_37, %mul3A_42 : vector<16xi32>
        %add3A_44 = arith.constant 1 : i32
        %add3A_45 = vector.broadcast %add3A_44 : i32 to vector<16xi32>
        %add3A_46 = arith.addi %mul3A_43, %add3A_45 : vector<16xi32>
        %gather3A_47 = tpu.vector_load_idx %arg8[%add3A_46] : memref<50016xi32, #tpu.memory_space<vmem>>[vector<16xi32>], vector<16xi32>,
        %shift_left3A = arith.constant 16 : i32
        %shift_left3A_48 = vector.broadcast %shift_left3A : i32 to vector<16xi32>
        %shift_left3A_49 = arith.shli %gather3A_47, %shift_left3A_48 : vector<16xi32>
        %or3A = arith.ori %gather3A, %shift_left3A_49 : vector<16xi32>
        %mul3A_50 = arith.constant 16 : i32
        %mul3A_51 = arith.muli %scan3A_35, %mul3A_50 : i32
        %swap3A = arith.index_cast %mul3A_51 : i32 to index
        %swap3A_52 = tpu.vector_load %arg7[%swap3A] {strides = array<i32>} : memref<32768xi32, #tpu.memory_space<vmem>>, vector<16xi32>,
        tpu.vector_store %arg7[%swap3A], %or3A {strides = array<i32>} : memref<32768xi32, #tpu.memory_space<vmem>>, vector<16xi32>,
      }
      %scan3A_24 = arith.constant 1563 : i32
      %eq3A_25 = arith.constant 0 : i32
      %eq3A_26 = arith.cmpi eq, %arg0, %eq3A_25 : i32
      %convert_element_type3A_27 = arith.extui %eq3A_26 : i1 to i32
      %cond3A_28 = arith.constant 0 : i32
      %cond3A_29 = arith.cmpi ne, %convert_element_type3A_27, %cond3A_28 : i32
      scf.if %cond3A_29 {
        "tpu.region"() ({
          %run_scoped3A = tpu.sem_alloc : memref<!tpu.dma_semaphore, #tpu.memory_space<semaphore_mem>>
          %dma_start3A = arith.constant 0 : i32
          %dma_start3A_35 = tpu.memref_slice %arg7[%dma_start3A] : memref<32768xi32, #tpu.memory_space<vmem>> -> memref<25008xi32, #tpu.memory_space<vmem>>
          %dma_start3A_36 = arith.constant 0 : i32
          %dma_start3A_37 = tpu.memref_slice %arg7[%dma_start3A_36] : memref<32768xi32, #tpu.memory_space<vmem>> -> memref<25008xi32, #tpu.memory_space<vmem>>
          tpu.enqueue_dma source(%dma_start3A_37 : memref<25008xi32, #tpu.memory_space<vmem>>) target(%arg3 : memref<25008xi32, #tpu.memory_space<hbm>>) target_semaphore(%run_scoped3A : memref<!tpu.dma_semaphore, #tpu.memory_space<semaphore_mem>>)
          %dma_wait3A = arith.constant 0 : i32
          %dma_wait3A_38 = tpu.memref_slice %arg7[%dma_wait3A] : memref<32768xi32, #tpu.memory_space<vmem>> -> memref<25008xi32, #tpu.memory_space<vmem>>
          %dma_wait3A_39 = arith.constant 0 : i32
          %dma_wait3A_40 = tpu.memref_slice %arg7[%dma_wait3A_39] : memref<32768xi32, #tpu.memory_space<vmem>> -> memref<25008xi32, #tpu.memory_space<vmem>>
          tpu.wait_dma2 semaphore(%run_scoped3A : memref<!tpu.dma_semaphore, #tpu.memory_space<semaphore_mem>>) src(%dma_wait3A_40 : memref<25008xi32, #tpu.memory_space<vmem>>) dst(%arg3 : memref<25008xi32, #tpu.memory_space<hbm>>)
          tpu.yield
        }) : () -> ()
        "tpu.region"() ({
          %run_scoped3A = tpu.sem_alloc : memref<!tpu.dma_semaphore, #tpu.memory_space<semaphore_mem>>
          tpu.enqueue_dma source(%arg10 : memref<16384xi32, #tpu.memory_space<vmem>>) target(%arg5 : memref<16384xi32, #tpu.memory_space<hbm>>) target_semaphore(%run_scoped3A : memref<!tpu.dma_semaphore, #tpu.memory_space<semaphore_mem>>)
          tpu.wait_dma2 semaphore(%run_scoped3A : memref<!tpu.dma_semaphore, #tpu.memory_space<semaphore_mem>>) src(%arg10 : memref<16384xi32, #tpu.memory_space<vmem>>) dst(%arg5 : memref<16384xi32, #tpu.memory_space<hbm>>)
          tpu.yield
        }) : () -> ()
      } else {
      }
      %eq3A_30 = arith.constant 1 : i32
      %eq3A_31 = arith.cmpi eq, %arg0, %eq3A_30 : i32
      %convert_element_type3A_32 = arith.extui %eq3A_31 : i1 to i32
      %cond3A_33 = arith.constant 0 : i32
      %cond3A_34 = arith.cmpi ne, %convert_element_type3A_32, %cond3A_33 : i32
      scf.if %cond3A_34 {
        "tpu.region"() ({
          %run_scoped3A = tpu.sem_alloc : memref<!tpu.dma_semaphore, #tpu.memory_space<semaphore_mem>>
          %dma_start3A = arith.constant 0 : i32
          %dma_start3A_35 = tpu.memref_slice %arg7[%dma_start3A] : memref<32768xi32, #tpu.memory_space<vmem>> -> memref<25008xi32, #tpu.memory_space<vmem>>
          %dma_start3A_36 = arith.constant 0 : i32
          %dma_start3A_37 = tpu.memref_slice %arg7[%dma_start3A_36] : memref<32768xi32, #tpu.memory_space<vmem>> -> memref<25008xi32, #tpu.memory_space<vmem>>
          tpu.enqueue_dma source(%dma_start3A_37 : memref<25008xi32, #tpu.memory_space<vmem>>) target(%arg4 : memref<25008xi32, #tpu.memory_space<hbm>>) target_semaphore(%run_scoped3A : memref<!tpu.dma_semaphore, #tpu.memory_space<semaphore_mem>>)
          %dma_wait3A = arith.constant 0 : i32
          %dma_wait3A_38 = tpu.memref_slice %arg7[%dma_wait3A] : memref<32768xi32, #tpu.memory_space<vmem>> -> memref<25008xi32, #tpu.memory_space<vmem>>
          %dma_wait3A_39 = arith.constant 0 : i32
          %dma_wait3A_40 = tpu.memref_slice %arg7[%dma_wait3A_39] : memref<32768xi32, #tpu.memory_space<vmem>> -> memref<25008xi32, #tpu.memory_space<vmem>>
          tpu.wait_dma2 semaphore(%run_scoped3A : memref<!tpu.dma_semaphore, #tpu.memory_space<semaphore_mem>>) src(%dma_wait3A_40 : memref<25008xi32, #tpu.memory_space<vmem>>) dst(%arg4 : memref<25008xi32, #tpu.memory_space<hbm>>)
          tpu.yield
        }) : () -> ()
        "tpu.region"() ({
          %run_scoped3A = tpu.sem_alloc : memref<!tpu.dma_semaphore, #tpu.memory_space<semaphore_mem>>
          tpu.enqueue_dma source(%arg10 : memref<16384xi32, #tpu.memory_space<vmem>>) target(%arg6 : memref<16384xi32, #tpu.memory_space<hbm>>) target_semaphore(%run_scoped3A : memref<!tpu.dma_semaphore, #tpu.memory_space<semaphore_mem>>)
          tpu.wait_dma2 semaphore(%run_scoped3A : memref<!tpu.dma_semaphore, #tpu.memory_space<semaphore_mem>>) src(%arg10 : memref<16384xi32, #tpu.memory_space<vmem>>) dst(%arg6 : memref<16384xi32, #tpu.memory_space<hbm>>)
          tpu.yield
        }) : () -> ()
      } else {
      }
    } else {
    }
    return
  }
}

module attributes {stable_mosaic.version = 14 : i64} {
  func.func @_dense_body(%arg0: i32, %arg1: memref<2048x64xf32, #tpu.memory_space<vmem>>, %arg2: memref<2048x64xf32, #tpu.memory_space<vmem>>, %arg3: memref<2048x64xf32, #tpu.memory_space<vmem>>, %arg4: memref<2048x64xf32, #tpu.memory_space<vmem>>, %arg5: memref<2048xf32, #tpu.memory_space<vmem>>, %arg6: memref<64x64xf32, #tpu.memory_space<vmem>>, %arg7: memref<1x64xf32, #tpu.memory_space<vmem>>, %arg8: memref<64x64xf32, #tpu.memory_space<vmem>>, %arg9: memref<1x64xf32, #tpu.memory_space<vmem>>, %arg10: memref<128x256xf32, #tpu.memory_space<vmem>>, %arg11: memref<1x128xf32, #tpu.memory_space<vmem>>, %arg12: memref<64x128xf32, #tpu.memory_space<vmem>>, %arg13: memref<1x64xf32, #tpu.memory_space<vmem>>, %arg14: memref<1x64xf32, #tpu.memory_space<vmem>>, %arg15: memref<1x1xf32, #tpu.memory_space<vmem>>, %arg16: memref<2048xf32, #tpu.memory_space<vmem>>) attributes {dimension_semantics = [#tpu.dimension_semantics<arbitrary>], iteration_bounds = array<i64: 8>, scalar_prefetch = 0 : i64, scratch_operands = 0 : i64, tpu.core_type = #tpu.core_type<tc>, window_params = [{transform_indices = @transform_0, window_bounds = array<i64: 2048, 64>}, {transform_indices = @transform_1, window_bounds = array<i64: 2048, 64>}, {transform_indices = @transform_2, window_bounds = array<i64: 2048, 64>}, {transform_indices = @transform_3, window_bounds = array<i64: 2048, 64>}, {transform_indices = @transform_4, window_bounds = array<i64: 2048>}, {pipeline_mode = #tpu.pipeline_mode<synchronous>, transform_indices = @transform_5, window_bounds = array<i64: 64, 64>}, {pipeline_mode = #tpu.pipeline_mode<synchronous>, transform_indices = @transform_6, window_bounds = array<i64: 1, 64>}, {pipeline_mode = #tpu.pipeline_mode<synchronous>, transform_indices = @transform_7, window_bounds = array<i64: 64, 64>}, {pipeline_mode = #tpu.pipeline_mode<synchronous>, transform_indices = @transform_8, window_bounds = array<i64: 1, 64>}, {pipeline_mode = #tpu.pipeline_mode<synchronous>, transform_indices = @transform_9, window_bounds = array<i64: 128, 256>}, {pipeline_mode = #tpu.pipeline_mode<synchronous>, transform_indices = @transform_10, window_bounds = array<i64: 1, 128>}, {pipeline_mode = #tpu.pipeline_mode<synchronous>, transform_indices = @transform_11, window_bounds = array<i64: 64, 128>}, {pipeline_mode = #tpu.pipeline_mode<synchronous>, transform_indices = @transform_12, window_bounds = array<i64: 1, 64>}, {pipeline_mode = #tpu.pipeline_mode<synchronous>, transform_indices = @transform_13, window_bounds = array<i64: 1, 64>}, {pipeline_mode = #tpu.pipeline_mode<synchronous>, transform_indices = @transform_14, window_bounds = array<i64: 1, 1>}, {transform_indices = @transform_15, window_bounds = array<i64: 2048>}]} {
    %get3A = arith.constant 0 : index
    %get3A_0 = arith.constant 0 : index
    %get3A_1 = vector.load %arg1[%get3A, %get3A_0] : memref<2048x64xf32, #tpu.memory_space<vmem>>, vector<2048x64xf32>
    %get3A_2 = arith.constant 0 : index
    %get3A_3 = arith.constant 0 : index
    %get3A_4 = vector.load %arg2[%get3A_2, %get3A_3] : memref<2048x64xf32, #tpu.memory_space<vmem>>, vector<2048x64xf32>
    %get3A_5 = arith.constant 0 : index
    %get3A_6 = arith.constant 0 : index
    %get3A_7 = vector.load %arg4[%get3A_5, %get3A_6] : memref<2048x64xf32, #tpu.memory_space<vmem>>, vector<2048x64xf32>
    %get3A_8 = arith.constant 0 : index
    %get3A_9 = arith.constant 0 : index
    %get3A_10 = vector.load %arg6[%get3A_8, %get3A_9] : memref<64x64xf32, #tpu.memory_space<vmem>>, vector<64x64xf32>
    %dot_general3A = arith.constant dense<0.000000e+00> : vector<2048x64xf32>
    %dot_general3A_11 = tpu.matmul %get3A_7, %get3A_10, %dot_general3A {dimension_numbers = #tpu.dot_dimension_numbers<[1], [1], [0], [0], [0, 0, 1, 0], [], []>, transpose_lhs_hint = false} : vector<2048x64xf32>, vector<64x64xf32>, vector<2048x64xf32> -> vector<2048x64xf32>
    %get3A_12 = arith.constant 0 : index
    %get3A_13 = arith.constant 0 : index
    %get3A_14 = vector.load %arg7[%get3A_12, %get3A_13] : memref<1x64xf32, #tpu.memory_space<vmem>>, vector<1x64xf32>
    %add3A = vector.broadcast %get3A_14 : vector<1x64xf32> to vector<2048x64xf32>
    %add3A_15 = arith.addf %dot_general3A_11, %add3A : vector<2048x64xf32>
    %max3A = arith.constant 0.000000e+00 : f32
    %max3A_16 = vector.broadcast %max3A : f32 to vector<2048x64xf32>
    %max3A_17 = arith.maximumf %add3A_15, %max3A_16 : vector<2048x64xf32>
    %get3A_18 = arith.constant 0 : index
    %get3A_19 = arith.constant 0 : index
    %get3A_20 = vector.load %arg3[%get3A_18, %get3A_19] : memref<2048x64xf32, #tpu.memory_space<vmem>>, vector<2048x64xf32>
    %get3A_21 = arith.constant 0 : index
    %get3A_22 = arith.constant 0 : index
    %get3A_23 = vector.load %arg8[%get3A_21, %get3A_22] : memref<64x64xf32, #tpu.memory_space<vmem>>, vector<64x64xf32>
    %dot_general3A_24 = arith.constant dense<0.000000e+00> : vector<2048x64xf32>
    %dot_general3A_25 = tpu.matmul %get3A_20, %get3A_23, %dot_general3A_24 {dimension_numbers = #tpu.dot_dimension_numbers<[1], [1], [0], [0], [0, 0, 1, 0], [], []>, transpose_lhs_hint = false} : vector<2048x64xf32>, vector<64x64xf32>, vector<2048x64xf32> -> vector<2048x64xf32>
    %get3A_26 = arith.constant 0 : index
    %get3A_27 = arith.constant 0 : index
    %get3A_28 = vector.load %arg9[%get3A_26, %get3A_27] : memref<1x64xf32, #tpu.memory_space<vmem>>, vector<1x64xf32>
    %add3A_29 = vector.broadcast %get3A_28 : vector<1x64xf32> to vector<2048x64xf32>
    %add3A_30 = arith.addf %dot_general3A_25, %add3A_29 : vector<2048x64xf32>
    %max3A_31 = arith.constant 0.000000e+00 : f32
    %max3A_32 = vector.broadcast %max3A_31 : f32 to vector<2048x64xf32>
    %max3A_33 = arith.maximumf %add3A_30, %max3A_32 : vector<2048x64xf32>
    %mul3A = arith.mulf %get3A_1, %get3A_4 : vector<2048x64xf32>
    %mul3A_34 = arith.mulf %get3A_1, %max3A_33 : vector<2048x64xf32>
    %mul3A_35 = arith.mulf %max3A_17, %get3A_4 : vector<2048x64xf32>
    %mul3A_36 = arith.mulf %max3A_17, %max3A_33 : vector<2048x64xf32>
    %concatenate3A = tpu.concatenate %mul3A, %mul3A_34, %mul3A_35, %mul3A_36 in 1 : vector<2048x64xf32>, vector<2048x64xf32>, vector<2048x64xf32>, vector<2048x64xf32> -> vector<2048x256xf32>
    %get3A_37 = arith.constant 0 : index
    %get3A_38 = arith.constant 0 : index
    %get3A_39 = vector.load %arg10[%get3A_37, %get3A_38] : memref<128x256xf32, #tpu.memory_space<vmem>>, vector<128x256xf32>
    %dot_general3A_40 = arith.constant dense<0.000000e+00> : vector<2048x128xf32>
    %dot_general3A_41 = tpu.matmul %concatenate3A, %get3A_39, %dot_general3A_40 {dimension_numbers = #tpu.dot_dimension_numbers<[1], [1], [0], [0], [0, 0, 1, 0], [], []>, transpose_lhs_hint = false} : vector<2048x256xf32>, vector<128x256xf32>, vector<2048x128xf32> -> vector<2048x128xf32>
    %get3A_42 = arith.constant 0 : index
    %get3A_43 = arith.constant 0 : index
    %get3A_44 = vector.load %arg11[%get3A_42, %get3A_43] : memref<1x128xf32, #tpu.memory_space<vmem>>, vector<1x128xf32>
    %add3A_45 = vector.broadcast %get3A_44 : vector<1x128xf32> to vector<2048x128xf32>
    %add3A_46 = arith.addf %dot_general3A_41, %add3A_45 : vector<2048x128xf32>
    %tanh3A = math.tanh %add3A_46 : vector<2048x128xf32>
    %get3A_47 = arith.constant 0 : index
    %get3A_48 = arith.constant 0 : index
    %get3A_49 = vector.load %arg12[%get3A_47, %get3A_48] : memref<64x128xf32, #tpu.memory_space<vmem>>, vector<64x128xf32>
    %dot_general3A_50 = arith.constant dense<0.000000e+00> : vector<2048x64xf32>
    %dot_general3A_51 = tpu.matmul %tanh3A, %get3A_49, %dot_general3A_50 {dimension_numbers = #tpu.dot_dimension_numbers<[1], [1], [0], [0], [0, 0, 1, 0], [], []>, transpose_lhs_hint = false} : vector<2048x128xf32>, vector<64x128xf32>, vector<2048x64xf32> -> vector<2048x64xf32>
    %get3A_52 = arith.constant 0 : index
    %get3A_53 = arith.constant 0 : index
    %get3A_54 = vector.load %arg13[%get3A_52, %get3A_53] : memref<1x64xf32, #tpu.memory_space<vmem>>, vector<1x64xf32>
    %add3A_55 = vector.broadcast %get3A_54 : vector<1x64xf32> to vector<2048x64xf32>
    %add3A_56 = arith.addf %dot_general3A_51, %add3A_55 : vector<2048x64xf32>
    %tanh3A_57 = math.tanh %add3A_56 : vector<2048x64xf32>
    %get3A_58 = arith.constant 0 : index
    %get3A_59 = arith.constant 0 : index
    %get3A_60 = vector.load %arg14[%get3A_58, %get3A_59] : memref<1x64xf32, #tpu.memory_space<vmem>>, vector<1x64xf32>
    %mul3A_61 = vector.broadcast %get3A_60 : vector<1x64xf32> to vector<2048x64xf32>
    %mul3A_62 = arith.mulf %tanh3A_57, %mul3A_61 : vector<2048x64xf32>
    %reduce_sum3A = arith.constant dense<0.000000e+00> : vector<2048xf32>
    %reduce_sum3A_63 = vector.multi_reduction <add>, %mul3A_62, %reduce_sum3A [1] : vector<2048x64xf32> to vector<2048xf32>
    %get3A_64 = arith.constant 0 : index
    %get3A_65 = arith.constant 0 : index
    %get3A_66 = vector.load %arg15[%get3A_64, %get3A_65] : memref<1x1xf32, #tpu.memory_space<vmem>>, vector<1x1xf32>
    %get3A_67 = vector.extract %get3A_66[0, 0] : f32 from vector<1x1xf32>
    %add3A_68 = vector.broadcast %get3A_67 : f32 to vector<2048xf32>
    %add3A_69 = arith.addf %reduce_sum3A_63, %add3A_68 : vector<2048xf32>
    %get3A_70 = arith.constant 0 : index
    %get3A_71 = vector.load %arg5[%get3A_70] : memref<2048xf32, #tpu.memory_space<vmem>>, vector<2048xf32>
    %add3A_72 = arith.addf %add3A_69, %get3A_71 : vector<2048xf32>
    %swap3A = arith.constant 0 : index
    %swap3A_73 = vector.load %arg16[%swap3A] : memref<2048xf32, #tpu.memory_space<vmem>>, vector<2048xf32>
    tpu.vector_store %arg16[%swap3A], %add3A_72 {strides = array<i32>} : memref<2048xf32, #tpu.memory_space<vmem>>, vector<2048xf32>,
    return
  }
  func.func @transform_0(%arg0: i32) -> (i32, i32) {
    %c0_i32 = arith.constant 0 : i32
    %c0_i32_0 = arith.constant 0 : i32
    return %arg0, %c0_i32 : i32, i32
  }
  func.func @transform_1(%arg0: i32) -> (i32, i32) {
    %c0_i32 = arith.constant 0 : i32
    %c0_i32_0 = arith.constant 0 : i32
    return %arg0, %c0_i32 : i32, i32
  }
  func.func @transform_2(%arg0: i32) -> (i32, i32) {
    %c0_i32 = arith.constant 0 : i32
    %c0_i32_0 = arith.constant 0 : i32
    return %arg0, %c0_i32 : i32, i32
  }
  func.func @transform_3(%arg0: i32) -> (i32, i32) {
    %c0_i32 = arith.constant 0 : i32
    %c0_i32_0 = arith.constant 0 : i32
    return %arg0, %c0_i32 : i32, i32
  }
  func.func @transform_4(%arg0: i32) -> i32 {
    %c0_i32 = arith.constant 0 : i32
    return %arg0 : i32
  }
  func.func @transform_5(%arg0: i32) -> (i32, i32) {
    %c0_i32 = arith.constant 0 : i32
    %c0_i32_0 = arith.constant 0 : i32
    %c0_i32_1 = arith.constant 0 : i32
    return %c0_i32, %c0_i32_0 : i32, i32
  }
  func.func @transform_6(%arg0: i32) -> (i32, i32) {
    %c0_i32 = arith.constant 0 : i32
    %c0_i32_0 = arith.constant 0 : i32
    %c0_i32_1 = arith.constant 0 : i32
    return %c0_i32, %c0_i32_0 : i32, i32
  }
  func.func @transform_7(%arg0: i32) -> (i32, i32) {
    %c0_i32 = arith.constant 0 : i32
    %c0_i32_0 = arith.constant 0 : i32
    %c0_i32_1 = arith.constant 0 : i32
    return %c0_i32, %c0_i32_0 : i32, i32
  }
  func.func @transform_8(%arg0: i32) -> (i32, i32) {
    %c0_i32 = arith.constant 0 : i32
    %c0_i32_0 = arith.constant 0 : i32
    %c0_i32_1 = arith.constant 0 : i32
    return %c0_i32, %c0_i32_0 : i32, i32
  }
  func.func @transform_9(%arg0: i32) -> (i32, i32) {
    %c0_i32 = arith.constant 0 : i32
    %c0_i32_0 = arith.constant 0 : i32
    %c0_i32_1 = arith.constant 0 : i32
    return %c0_i32, %c0_i32_0 : i32, i32
  }
  func.func @transform_10(%arg0: i32) -> (i32, i32) {
    %c0_i32 = arith.constant 0 : i32
    %c0_i32_0 = arith.constant 0 : i32
    %c0_i32_1 = arith.constant 0 : i32
    return %c0_i32, %c0_i32_0 : i32, i32
  }
  func.func @transform_11(%arg0: i32) -> (i32, i32) {
    %c0_i32 = arith.constant 0 : i32
    %c0_i32_0 = arith.constant 0 : i32
    %c0_i32_1 = arith.constant 0 : i32
    return %c0_i32, %c0_i32_0 : i32, i32
  }
  func.func @transform_12(%arg0: i32) -> (i32, i32) {
    %c0_i32 = arith.constant 0 : i32
    %c0_i32_0 = arith.constant 0 : i32
    %c0_i32_1 = arith.constant 0 : i32
    return %c0_i32, %c0_i32_0 : i32, i32
  }
  func.func @transform_13(%arg0: i32) -> (i32, i32) {
    %c0_i32 = arith.constant 0 : i32
    %c0_i32_0 = arith.constant 0 : i32
    %c0_i32_1 = arith.constant 0 : i32
    return %c0_i32, %c0_i32_0 : i32, i32
  }
  func.func @transform_14(%arg0: i32) -> (i32, i32) {
    %c0_i32 = arith.constant 0 : i32
    %c0_i32_0 = arith.constant 0 : i32
    %c0_i32_1 = arith.constant 0 : i32
    return %c0_i32, %c0_i32_0 : i32, i32
  }
  func.func @transform_15(%arg0: i32) -> i32 {
    %c0_i32 = arith.constant 0 : i32
    return %arg0 : i32
  }
}

</mosaic_0001>

<sc_bundles>
// kernel: kernel.12.cloned.1.call-start
scs
__scs_entry_jumppad:
0x0: {  	(pc) =	sbr.rel $0x88, $3  }
0x1: {  	(tag) =	ssettag $0x0;
	lr =	simm.s32 $0x1  }
0x2: {  	[smem:$0x3F91] =	sst lr;
	_ =	strace $0xD0000000  }
0x3: {  	_ = 	snop  }
0x4: {  	_ = 	snop  }
0x5: {  	_ = 	snop  }
0x6: {  	_ = 	snop  }
0x7: {  	_ = 	snop  }
__scs_overlays_trampoline_lowered:
0x8: {  	[smem:$0x3FA0] =	sst s0  }
0x9: {  	[smem:$0x3FA1] =	sst s1  }
0xa: {  	[smem:$0x3FA2] =	sst s2  }
0xb: {  	[smem:$0x3FA3] =	sst s3  }
0xc: {  	[smem:$0x3FA4] =	sst s4  }
0xd: {  	[smem:$0x3FA5] =	sst s5  }
0xe: {  	[smem:$0x3FA6] =	sst s6  }
0xf: {  	[smem:$0x3FA7] =	sst s7  }
0x10: {  	[smem:$0x3FA8] =	sst s8  }
0x11: {  	[smem:$0x3FA9] =	sst s9;
	s0 =	simm.s32 @!p0 $0x0  }
0x12: {  	s1 =	sld [smem:$0x3F8F];
	s0 =	simm.s32 @p0 $0x1  }
0x13: {  	[smem:$0x3FAA] =	sst s0;
	s0 =	simm.s32 @!p1 $0x0  }
0x14: {  	s2 =	sld [smem:$0x3F8E];
	s0 =	simm.s32 @p1 $0x1  }
0x15: {  	[smem:$0x3FAB] =	sst s0;
	s0 =	simm.s32 @!p2 $0x0  }
0x16: {  	s3 =	sld [smem:$0x3FDB];
	s0 =	simm.s32 @p2 $0x1  }
0x17: {  	s4 =	simm.s32 $0x1BF5;
	[smem:$0x3FAD] =	sst s0  }
0x18: {  	s0 =	sld [smem:$0x3F90];
	_ =	swait.ge [sflag:s4], $0x0  }
0x19: {  	s7 =	sld [smem:$0x3F91]  }
0x1a: {  	s8 =	sadd.s32 $0xFFFFE003, lr  }
0x1b: {  	s9 =	sadd.s32 $0xFFFFFEF7, lr;
	s5 =	simm.s32 $0xFFFFFFFF;
	p2 =	slt.u32 s8, $0xFFFFF086  }
0x1c: {  	p1 =	slt.u32 s9, $0xF7A;
	s5 =	simm.s32 @!p2 $0x0  }
0x1d: {  	s5 =	simm.s32 @p1 $0x1;
	p0 =	seq.s32 s7, s2  }
0x1e: {  	s7 =	smul.u32 @!p0 $0xF7A, s2;
	p2 =	seq.s32 @!p0 s5, $0x0  }
0x1f: {  	s9 =	smul.u32 $0xF7A, s1;
	s8 =	simm.s32 @!p0 $0x1BF5;
	p2 =	por !p2, p0  }
0x20: {  	[sflag:s8] =	ssyncset.s32 @!p0 $0xFFFFF086;
	s6 =	sadd.s32 @!p0 s3, s7;
	s7 =	simm.s32 @!p0 $0x108  }
0x21: {  	s3 =	sadd.s32 s3, s9;
	s6 =	sadd.s32 @!p0 $0x88, s6;
	s7 =	simm.s32 @p2 $0x1082  }
0x22: {  	[simem:s7], [sflag:s8] =	dma.local @!p0 [hbm:s6], $0xF7A  }
0x23: {  	s9 =	sor.u32 $0xD0000000, s2;
	s6 =	simm.s32 $0x108;
	_ =	swait.ge @!p0 [sflag:s8], $0x0  }
0x24: {  	s3 =	sadd.s32 $0x88, s3;
	s6 =	simm.s32 @!p1 $0x1082;
	[sflag:s4] =	ssyncset.s32 $0xFFFFF086  }
0x25: {  	[simem:s6], [sflag:s4] =	dma.local [hbm:s3], $0xF7A  }
0x26: {  	[smem:$0x3F91] =	sst s1;
	(tag) =	ssettag s2;
	_ =	strace s9  }
0x27: {  	s1 =	sld [smem:$0x3FA1]  }
0x28: {  	s2 =	sld [smem:$0x3FA2]  }
0x29: {  	s4 =	sld [smem:$0x3FA4]  }
0x2a: {  	p0 =	seq.s32 s5, $0x0;
	s5 =	sld [smem:$0x3FA5]  }
0x2b: {  	s6 =	sld [smem:$0x3FA6]  }
0x2c: {  	s7 =	sld [smem:$0x3FA7]  }
0x2d: {  	s3 =	simm.s32 $0x108;
	s8 =	sld [smem:$0x3FA8]  }
0x2e: {  	s3 =	simm.s32 @!p0 $0x1082;
	s9 =	sld [smem:$0x3FA9]  }
0x2f: {  	lr =	sadd.s32 s0, s3;
	s0 =	sld [smem:$0x3FA0]  }
0x30: {  	s3 =	sld [smem:$0x3FA3]  }
0x31: {  	[smem:$0x3FAC] =	sst s10  }
0x32: {  	s10 =	sld [smem:$0x3FAA];
	_ =	sdelay $0x3  }
0x33: {  	p0 =	seq.s32 s10, $0x1;
	s10 =	sld [smem:$0x3FAC];
	_ =	sdelay $0x3  }
0x34: {  	[smem:$0x3FAC] =	sst s10  }
0x35: {  	s10 =	sld [smem:$0x3FAB];
	_ =	sdelay $0x3  }
0x36: {  	p1 =	seq.s32 s10, $0x1;
	s10 =	sld [smem:$0x3FAC];
	_ =	sdelay $0x3  }
0x37: {  	[smem:$0x3FAC] =	sst s10  }
0x38: {  	s10 =	sld [smem:$0x3FAD]  }
0x39: {  	_ = 	snop;
	(pc) =	sbr.ind lr, $3  }
0x3a: {  	_ = 	snop  }
0x3b: {  	_ = 	snop  }
0x3c: {  	p2 =	seq.s32 s10, $0x1;
	s10 =	sld [smem:$0x3FAC]  }
0x3d: {  	_ =	shalt  }
0x3e: {  	_ =	shalt  }
0x3f: {  	_ =	shalt  }
0x40: {  	_ =	shalt  }
0x41: {  	_ =	shalt  }
0x42: {  	_ =	shalt  }
0x43: {  	_ =	shalt  }
0x44: {  	_ =	shalt  }
0x45: {  	_ =	shalt  }
0x46: {  	_ =	shalt  }
0x47: {  	_ =	shalt  }
0x48: {  	_ =	shalt  }
0x49: {  	_ =	shalt  }
0x4a: {  	_ =	shalt  }
0x4b: {  	_ =	shalt  }
0x4c: {  	_ =	shalt  }
0x4d: {  	_ =	shalt  }
0x4e: {  	_ =	shalt  }
0x4f: {  	_ =	shalt  }
0x50: {  	_ =	shalt  }
0x51: {  	_ =	shalt  }
0x52: {  	_ =	shalt  }
0x53: {  	_ =	shalt  }
0x54: {  	_ =	shalt  }
0x55: {  	_ =	shalt  }
0x56: {  	_ =	shalt  }
0x57: {  	_ =	shalt  }
0x58: {  	_ =	shalt  }
0x59: {  	_ =	shalt  }
0x5a: {  	_ =	shalt  }
0x5b: {  	_ =	shalt  }
0x5c: {  	_ =	shalt  }
0x5d: {  	_ =	shalt  }
0x5e: {  	_ =	shalt  }
0x5f: {  	_ =	shalt  }
0x60: {  	_ =	shalt  }
0x61: {  	_ =	shalt  }
0x62: {  	_ =	shalt  }
0x63: {  	_ =	shalt  }
0x64: {  	_ =	shalt  }
0x65: {  	_ =	shalt  }
0x66: {  	_ =	shalt  }
0x67: {  	_ =	shalt  }
0x68: {  	_ =	shalt  }
0x69: {  	_ =	shalt  }
0x6a: {  	_ =	shalt  }
0x6b: {  	_ =	shalt  }
0x6c: {  	_ =	shalt  }
0x6d: {  	_ =	shalt  }
0x6e: {  	_ =	shalt  }
0x6f: {  	_ =	shalt  }
0x70: {  	_ =	shalt  }
0x71: {  	_ =	shalt  }
0x72: {  	_ =	shalt  }
0x73: {  	_ =	shalt  }
0x74: {  	_ =	shalt  }
0x75: {  	_ =	shalt  }
0x76: {  	_ =	shalt  }
0x77: {  	_ =	shalt  }
0x78: {  	_ =	shalt  }
0x79: {  	_ =	shalt  }
0x7a: {  	_ =	shalt  }
0x7b: {  	_ =	shalt  }
0x7c: {  	_ =	shalt  }
0x7d: {  	_ =	shalt  }
0x7e: {  	_ =	shalt  }
0x7f: {  	_ =	shalt  }
0x80: {  	_ =	shalt  }
0x81: {  	_ =	shalt  }
0x82: {  	_ =	shalt  }
0x83: {  	_ =	shalt  }
0x84: {  	_ =	shalt  }
0x85: {  	_ =	shalt  }
0x86: {  	_ =	shalt  }
0x87: {  	_ =	shalt  }
.Lfunc_end0:
.L_simem_size_0:
called_computation.2_lowered:
.L_overlay_start_0:
0x88: {  	s2 =	sld [smem:$0x3FD9]  }
0x89: {  	s3 =	sld [smem:$0x3FFE];
	_ =	sdelay $0x1  }
0x8a: {  	s1 =	srdreg.scid  }
0x8b: {  	s0 =	sand.u32 $0x1, s1  }
0x8c: {  	s17 =	sshll.u32 s0, $0xA;
	s2 =	sadd.s32 s3, s2  }
0x8d: {  	s2 =	sadd.s32 s2, s17  }
0x8e: {  	[smem:$0x3FB8] =	sst s2  }
0x8f: {  	_ = 	snop  }
0x90: {  	s2 =	sld [smem:$0x3FD0];
	(tm) =	ssettm $0x1  }
0x91: {  	s18 =	sld [smem:$0x3FFB];
	_ =	sdelay $0x3  }
0x92: {  	_ =	strace s18  }
0x93: {  	s3 =	sld [smem:$0x3FFC];
	_ =	sdelay $0x3  }
0x94: {  	_ =	strace s3  }
0x95: {  	s3 =	sld [smem:$0x3FFD];
	_ =	sdelay $0x3  }
0x96: {  	_ =	strace s3  }
0x97: {  	_ =	strace $0x8FFFFFFF  }
0x98: {  	s19 =	sld [smem:$0x3FDB];
	_ =	sdelay $0x1  }
0x99: {  	s4 =	simm.s32 $_scs_section_size  }
0x9a: {  	s5 =	simm.s32 $_size__tile_overlayer_lowered;
	s6 =	simm.s32 $_tile_overlayer_lowered  }
0x9b: {  	s22 =	simm.s32 $0x1BFF;
	s21 =	sshll.u32 s6, $0x1;
	s3 =	sadd.s32 s4, s19  }
0x9c: {  	s7 =	simm.s32 $0x0;
	s20 =	sshll.u32 s5, $0x1;
	s5 =	sadd.s32 s21, s3  }
0x9d: {  	[timem:s7], [sflag:s22] =	dma.local [hbm:s5], s20  }
0x9e: {  	_ =	swait.ge [sflag:s22], s20  }
0x9f: {  	s4 =	ssub.s32 $0x0, s20;
	[sflag:s22] =	ssyncset.done $0x0  }
0xa0: {  	[sflag:s22] =	ssyncadd.s32 s4;
	_ =	sdelay $0x1  }
0xa1: {  	s23 =	simm.s32 $0x1B8B  }
0xa2: {  	_ =	swait.ge [sflag:s23], $0x1  }
0xa3: {  	[sflag:s23] =	ssyncset.done $0x0  }
0xa4: {  	s25 =	simm.s32 $0x1B8E;
	s24 =	sld [smem:$0x3FFE];
	[sflag:s23] =	ssyncadd.s32 $0xFFFFFFFF  }
0xa5: {  	s26 =	simm.s32 $execute0_lowered;
	[smem:$0x3FD2] =	sst s25  }
0xa6: {  	s5 =	sshll.u32 s26, $0x1;
	_ =	strace $0x8000004C;
	[dreg:$0x1] =	wrdreg $0xFFFFFFFF  }
0xa7: {  	s28 =	simm.s32 $_size_execute0_lowered;
	s3 =	sadd.s32 s3, s5;
	[dreg:$0x0] =	wrdreg $0x0  }
0xa8: {  	s5 =	sshll.u32 s28, $0x1;
	[dreg:$0x2] =	wrdreg s3  }
0xa9: {  	[dreg:$0x3] =	wrdreg s5  }
0xaa: {  	[dreg:$0x4] =	wrdreg $0xC0  }
0xab: {  	_ =	task [dreg:s7], $0x5FFFF  }
0xac: {  	[dreg:$0x1] =	wrdreg $0xFFFFFFFF  }
0xad: {  	[dreg:$0x0] =	wrdreg $0x60  }
0xae: {  	[dreg:$0x2] =	wrdreg s24  }
0xaf: {  	[dreg:$0x3] =	wrdreg s2  }
0xb0: {  	[dreg:$0x4] =	wrdreg $0x9  }
0xb1: {  	_ =	task.clear_ibuf [dreg:s7], $0x5FFFF;
	_ =	strace $0x9000004C  }
0xb2: {  	s29 =	simm.s32 $0x9;
	_ =	strace $0x8000004E  }
0xb3: {  	_ =	swait.ge [sflag:s29], $0x1  }
0xb4: {  	[sflag:s29] =	ssyncadd.s32 $0xFFFFFFFF  }
0xb5: {  	_ =	strace $0x9000004E  }
0xb6: {  	_ =	sfence  }
0xb7: {  	s30 =	sld [smem:$0x0];
	_ =	sdelay $0x2  }
0xb8: {  	s31 =	sshll.u32 s1, $0xD;
	s1 =	sshrl.u32 s1, $0x2  }
0xb9: {  	s3 =	sand.u32 $0x4000, s31;
	s1 =	sadd.s32 s1, s30  }
0xba: {  	s0 =	sor.u32 s3, s0;
	s1 =	sshll.u32 s1, $0x11  }
0xbb: {  	s0 =	sor.u32 s1, s0  }
0xbc: {  	s0 =	sadd.s32 $0x8F2B, s0  }
0xbd: {  	[sflag:s0] =	ssyncadd.remote.s32 $0x1  }
0xbe: {  	_ =	sfence.sel $0xFFFF  }
0xbf: {  	[dreg:$0x0] =	wrdreg $0xFFFFFFFF;
	(pc) =	sbr.abs _section_cstart, $3  }
0xc0: {  	[dreg:$0x1] =	wrdreg $0xFFFFFFFF  }
0xc1: {  	_ =	task.clear_ibuf [dreg:s7], $0x2FFFF;
	_ =	strace $0x9FFFFFFF  }
0xc2: {  	(tm) =	ssettm $0x7FFFFFFF  }
0xc3: {  	_ =	shalt  }
tec
execute0_lowered:
.L_overlay_start_1:
0x0: {  	(tag) =	ssettag $0x1  }
0x1: {  	s0 =	rddreg [dreg:$0x0]  }
0x2: {  	s1 =	rddreg [dreg:$0x1]  }
0x3: {  	s3 =	srdreg.scid;
	s13 =	stileid.u32;
	s2 =	simm.s32 $0x0  }
0x4: {  	s21 =	simm.s32 $0x2;
	s28 =	simm.s32 $0x1;
	s29 =	simm.s32 $0x8800  }
0x5: {  	s30 =	simm.s32 $0x10800;
	s31 =	simm.s32 $0x1EB50;
	s3 =	sand.u32 $0x1, s3  }
0x6: {  	s4 =	sshll.u32 s13, $0x1;
	[smem:$0x7FF] =	sst s2;
	s22 =	sadd.s32 $0x68E00, s0  }
0x7: {  	s14 =	sshll.u32 s13, $0x7;
	s6 =	sadd.s32 $0x11BC00, s0;
	s7 =	sadd.s32 $0x144200, s0  }
0x8: {  	s23 =	sadd.s32 $0x7200, s0;
	s8 =	sadd.s32 $0x14DE00, s0;
	s9 =	sadd.s32 $0x13C000, s0  }
0x9: {  	s10 =	sadd.s32 $0x14C400, s0;
	_ =	strace $0x8000004D;
	[dreg:$0x3] =	wrdreg s22  }
0xa: {  	s13 =	sshll.u32 s13, $0xD;
	s4 =	sor.u32 s3, s4;
	[dreg:$0x4] =	wrdreg s23  }
0xb: {  	s12 =	sadd.s32 s14, s0;
	s15 =	sadd.s32 s13, s0;
	s16 =	ssub.s32 $0x2, s3  }
0xc: {  	p0 =	seq.s32 s3, $0x1;
	s14 =	sadd.s32 s1, s14;
	s22 =	simm.s32 $0x600  }
0xd: {  	s23 =	simm.s32 $0x12800;
	s5 =	sshll.u32 s4, $0x7;
	s24 =	sshll.u32 s4, $0xC  }
0xe: {  	s4 =	sshll.u32 s4, $0x6;
	s25 =	sshrl.u32 s16, $0x1;
	s12 =	sadd.s32 $0x6200, s12  }
0xf: {  	s13 =	sadd.s32 $0x18F800, s15;
	s15 =	sadd.s32 $0x14F800, s15;
	s11 =	sadd.s32 s5, s0  }
.Ltmp0:
0x10: {  	s5 =	sadd.s32 $0xFB800, s0;
	s19 =	sadd.s32 s24, s0;
	(pc) =	sbr.rel .LBB2_1-.Ltmp0, $4  }
0x11: {  	s0 =	sadd.s32 s4, s0;
	s26 =	ssub.s32 s16, s25;
	s24 =	simm.s32 $0x200  }
0x12: {  	s25 =	simm.s32 $0x400;
	s11 =	sadd.s32 $0x3600, s11;
	s16 =	sadd.s32 $0x6A00, s0  }
0x13: {  	v0 =	vlaneseq.u32;
	s17 =	sadd.s32 $0x16F800, s19;
	s18 =	sadd.s32 $0x4600, s0;
	s19 =	sadd.s32 $0xCAA00, s19  }
0x14: {  	v0 =	vmul.u32 $0x2, v0;
	s20 =	smax.u32 s26, $0x1;
	s26 =	simm.s32 $0x800;
	s0 =	simm.s32 $0x0  }
.LBB2_15:
0x15: {  	v1 =	vld [tilespmem:s4+$0x10800];
	_ =	sdelay $0x4  }
0x16: {  	v1 =	vadd.f32 $1.000000000e+00, v1;
	_ =	sdelay $0x1  }
0x17: {  	(erf) = vrcp.f32 v1;
	_ =	sdelay $0x3  }
0x18: {  	s1 =	sadd.s32 $0x40, s1  }
0x19: {  	v1 =	vld [tilespmem:s1+$0xFFFFFFE0]  }
0x1a: {  	v2 =	vld [tilespmem:s1+$0xFFFFFFF0]  }
0x1b: {  	v3 =	vld [tilespmem:s1+$0x0]  }
0x1c: {  	v4 =	vld [tilespmem:s1+$0x10]  }
0x1d: {  	v5 =	vpop (erf)  }
0x1e: {  	v1 =	vmul.f32 v5, v1  }
0x1f: {  	v2 =	vmul.f32 v2, v5  }
0x20: {  	v3 =	vmul.f32 v3, v5;
	[tilespmem:s1+$0xFFFFFFE0] =	vst v1  }
0x21: {  	v1 =	vmul.f32 v4, v5;
	[tilespmem:s1+$0xFFFFFFF0] =	vst v2  }
0x22: {  	[tilespmem:s1+$0x0] =	vst v3  }
0x23: {  	[tilespmem:s1+$0x10] =	vst v1;
	s1 =	smov.u32 s19  }
.LBB2_16:
0x24: {  	s0 =	sadd.s32 $0x1, s0  }
0x25: {  	p1 =	sne.s32 s0, s20  }
.Ltmp1:
0x26: {  	_ = 	snop;
	(pc) =	sbr.rel @!p1 .LBB2_17-.Ltmp1, $4  }
0x27: {  	[hbm4b:s1+s2] =	stream.linear.scatter [tilespmem:s29], [sflag:$0x2], $0x8000, $0x38;
	[tilespmem:$0x1ED50] =	vst v63  }
0x28: {  	_ =	swait.ge [sflag:s21], $0x8000  }
0x29: {  	[sflag:s21] =	ssyncset.done $0x0  }
0x2a: {  	[sflag:s21] =	ssyncadd.s32 $0xFFFF8000  }
.LBB2_1:
.Ltmp2:
0x2b: {  	(pc) =	sbr.rel @!p0 .LBB2_2-.Ltmp2, $4  }
0x2c: {  	[tilespmem:s2], [sflag:$0x2] =	stream.linear.gather [hbm4b:s11+s2], $0x400, $0x38;
	[tilespmem:$0x1ED50] =	vst v63  }
0x2d: {  	_ =	swait.ge [sflag:s21], $0x400  }
0x2e: {  	[sflag:s21] =	ssyncset.done $0x0  }
0x2f: {  	s1 =	simm.s32 $0x0;
	[sflag:s21] =	ssyncadd.s32 $0xFFFFFC00  }
0x30: {  	[tilespmem:s22], [sflag:$0x2] =	stream.linear.gather [hbm4b:s16+s1], $0x200, $0x38;
	v1 =	vmov s1;
	[tilespmem:$0x1ED50] =	vst v63  }
0x31: {  	_ =	swait.ge [sflag:s21], $0x200;
	v1 =	vshll.u32 v1, $0x1  }
0x32: {  	[sflag:s21] =	ssyncset.done $0x0;
	v1 =	vor.u32 v0, v1  }
0x33: {  	[sflag:s21] =	ssyncadd.s32 $0xFFFFFE00;
	v1 =	vor.u32 $0x1, v1  }
0x34: {  	[tilespmem:s23], [sflag:$0x2] =	stream.linear.gather [hbm4b:s10+s1], $0xC350, $0x38;
	[tilespmem:$0x1ED50] =	vst v63  }
0x35: {  	_ =	swait.ge [sflag:s21], $0xC350  }
0x36: {  	[sflag:s21] =	ssyncset.done $0x0  }
0x37: {  	s4 =	simm.s32 $0x10;
	[sflag:s21] =	ssyncadd.s32 $0xFFFF3CB0  }
0x38: {  	v3 =	vld.idx.msk [tilespmem:v1+s2+$0x0], $0xffff;
	v1 =	vmov s4  }
0x39: {  	v1 =	vshll.u32 v1, $0x1  }
0x3a: {  	v1 =	vor.u32 v0, v1  }
0x3b: {  	v1 =	vor.u32 $0x1, v1;
	_ =	sdelay $0x2  }
0x3c: {  	s3 =	simm.s32 $0x20;
	s1 =	simm.s32 $0x400  }
0x3d: {  	v2 =	vmov s3;
	s3 =	simm.s32 $0x30;
	[tilespmem:s1+$0x0] =	vst v3  }
.LBB2_10:
0x3e: {  	p1 =	sne.s32 s3, $0x1F0;
	v2 =	vshll.u32 v2, $0x1;
	v3 =	vld.idx.msk [tilespmem:v1+s2+$0x0], $0xffff  }
0x3f: {  	v1 =	vor.u32 v0, v2  }
.Ltmp3:
0x40: {  	v1 =	vor.u32 $0x1, v1;
	(pc) =	sbr.rel @p1 .LBB2_10-.Ltmp3, $3  }
0x41: {  	_ =	sdelay $0x1  }
0x42: {  	s1 =	sadd.s32 $0x10, s1  }
0x43: {  	v2 =	vmov s3;
	s3 =	sadd.s32 $0x10, s3;
	[tilespmem:s1+$0x0] =	vst v3  }
0x44: {  	_ =	sdelay $0x2  }
0x45: {  	v2 =	vshll.u32 v2, $0x1  }
0x46: {  	v1 =	vld.idx.msk [tilespmem:v1+s2+$0x0], $0xffff;
	v2 =	vor.u32 v0, v2  }
0x47: {  	v2 =	vor.u32 $0x1, v2;
	_ =	sdelay $0x2  }
0x48: {  	s1 =	sadd.s32 $0x10, s1  }
0x49: {  	[tilespmem:s1+$0x0] =	vst v1  }
0x4a: {  	v1 =	vld.idx.msk [tilespmem:v2+s2+$0x0], $0xffff;
	_ =	sdelay $0x3  }
0x4b: {  	s1 =	sadd.s32 $0x10, s1  }
0x4c: {  	s3 =	rddreg [dreg:$0x4];
	[tilespmem:s1+$0x0] =	vst v1  }
0x4d: {  	[tilespmem:s26], [sflag:$0x1] =	stream.indirect.gather [hbm4b:s3+s24], $0x40, s25, s24, $0xb8;
	[tilespmem:$0x1ED50] =	vst v63  }
0x4e: {  	_ =	swait.ge [sflag:s28], $0x8000  }
0x4f: {  	[sflag:s28] =	ssyncset.done $0x0  }
0x50: {  	s4 =	simm.s32 $0x0;
	[sflag:s28] =	ssyncadd.s32 $0xFFFF8000  }
0x51: {  	[hbm4b:s17+s4] =	stream.linear.scatter [tilespmem:s26], [sflag:$0x2], $0x8000, $0x38;
	[tilespmem:$0x1ED50] =	vst v63  }
0x52: {  	_ =	swait.ge [sflag:s21], $0x8000  }
0x53: {  	[sflag:s21] =	ssyncset.done $0x0  }
0x54: {  	[sflag:s21] =	ssyncadd.s32 $0xFFFF8000  }
0x55: {  	[tilespmem:s29], [sflag:$0x1] =	stream.indirect.gather [hbm4b:s6+s24], $0x40, s22, s24, $0xb8;
	[tilespmem:$0x1ED50] =	vst v63  }
0x56: {  	_ =	swait.ge [sflag:s28], $0x8000  }
0x57: {  	[sflag:s28] =	ssyncset.done $0x0  }
0x58: {  	[sflag:s28] =	ssyncadd.s32 $0xFFFF8000  }
0x59: {  	[tilespmem:s30], [sflag:$0x1] =	stream.indirect.gather [hbm4b:s7+s24], $0x10, s22, s24, $0xb8;
	[tilespmem:$0x1ED50] =	vst v63  }
0x5a: {  	_ =	swait.ge [sflag:s28], $0x2000  }
0x5b: {  	[sflag:s28] =	ssyncset.done $0x0  }
0x5c: {  	s1 =	simm.s32 $0x0;
	[sflag:s28] =	ssyncadd.s32 $0xFFFFE000  }
0x5d: {  	v1 =	vld [tilespmem:s1+$0x400];
	_ =	sdelay $0x7  }
0x5e: {  	s3 =	simm.s32 $0x10;
	s4 =	simm.s32 $0x80;
	v1 =	vld.idx.msk [tilespmem:v1+s23+$0x0], $0xffff  }
.LBB2_12:
0x5f: {  	p1 =	sne.s32 s4, $0x7C0;
	v2 =	vld [tilespmem:s3+$0x400];
	_ =	sdelay $0x3  }
.Ltmp4:
0x60: {  	(pc) =	sbr.rel @p1 .LBB2_12-.Ltmp4, $2  }
0x61: {  	[tilespmem:s1+$0x1EB50] =	vst v1;
	s1 =	smov.u32 s3;
	_ =	sdelay $0x2  }
0x62: {  	s3 =	sshra.s32 s4, $0x2;
	s4 =	sadd.s32 $0x40, s4;
	v1 =	vld.idx.msk [tilespmem:v2+s23+$0x0], $0xffff  }
0x63: {  	v2 =	vld [tilespmem:s3+$0x400];
	_ =	sdelay $0x6  }
0x64: {  	[tilespmem:s1+$0x1EB50] =	vst v1  }
0x65: {  	v1 =	vld.idx.msk [tilespmem:v2+s23+$0x0], $0xffff;
	_ =	sdelay $0x4  }
0x66: {  	[tilespmem:s3+$0x1EB50] =	vst v1;
	s3 =	simm.s32 $0x0  }
0x67: {  	[hbm4b:s18+s3] =	stream.linear.scatter [tilespmem:s31], [sflag:$0x2], $0x200, $0x38;
	[tilespmem:$0x1ED50] =	vst v63  }
0x68: {  	_ =	swait.ge [sflag:s21], $0x200  }
0x69: {  	[sflag:s21] =	ssyncset.done $0x0  }
0x6a: {  	s4 =	simm.s32 $0x0;
	[sflag:s21] =	ssyncadd.s32 $0xFFFFFE00  }
0x6b: {  	v1 =	vld [tilespmem:s4+$0x10800];
	_ =	sdelay $0x4  }
0x6c: {  	v1 =	vadd.f32 $1.000000000e+00, v1;
	_ =	sdelay $0x1  }
0x6d: {  	(erf) = vrcp.f32 v1;
	_ =	sdelay $0x3  }
0x6e: {  	s1 =	simm.s32 $0x8820  }
0x6f: {  	v1 =	vld [tilespmem:s1+$0xFFFFFFE0]  }
0x70: {  	v2 =	vld [tilespmem:s1+$0xFFFFFFF0]  }
0x71: {  	v3 =	vld [tilespmem:s1+$0x0]  }
0x72: {  	v4 =	vld [tilespmem:s1+$0x10]  }
0x73: {  	v5 =	vpop (erf)  }
0x74: {  	v1 =	vmul.f32 v5, v1  }
0x75: {  	v2 =	vmul.f32 v2, v5  }
0x76: {  	v3 =	vmul.f32 v3, v5;
	[tilespmem:s1+$0xFFFFFFE0] =	vst v1  }
0x77: {  	v1 =	vmul.f32 v4, v5;
	[tilespmem:s1+$0xFFFFFFF0] =	vst v2  }
0x78: {  	[tilespmem:s1+$0x0] =	vst v3  }
0x79: {  	s3 =	simm.s32 $0x80;
	s4 =	simm.s32 $0x10;
	[tilespmem:s1+$0x10] =	vst v1  }
.LBB2_14:
0x7a: {  	p1 =	sne.s32 s3, $0x7FC0;
	v1 =	vld [tilespmem:s4+$0x10800];
	_ =	sdelay $0x4  }
0x7b: {  	v1 =	vadd.f32 $1.000000000e+00, v1;
	_ =	sdelay $0x1  }
0x7c: {  	(erf) = vrcp.f32 v1;
	_ =	sdelay $0x1  }
0x7d: {  	s1 =	sadd.s32 $0x40, s1  }
0x7e: {  	v1 =	vld [tilespmem:s1+$0xFFFFFFF0]  }
0x7f: {  	v2 =	vld [tilespmem:s1+$0x10]  }
0x80: {  	v3 =	vld [tilespmem:s1+$0xFFFFFFE0]  }
0x81: {  	v4 =	vld [tilespmem:s1+$0x0];
	_ =	sdelay $0x2  }
0x82: {  	v5 =	vpop (erf)  }
0x83: {  	v3 =	vmul.f32 v5, v3;
	v1 =	vmul.f32 v1, v5  }
.Ltmp5:
0x84: {  	v2 =	vmul.f32 v2, v5;
	v4 =	vmul.f32 v4, v5;
	(pc) =	sbr.rel @p1 .LBB2_14-.Ltmp5, $4  }
0x85: {  	[tilespmem:s1+$0xFFFFFFE0] =	vst v3  }
0x86: {  	[tilespmem:s1+$0xFFFFFFF0] =	vst v1  }
0x87: {  	[tilespmem:s1+$0x0] =	vst v4  }
0x88: {  	s4 =	sshra.s32 s3, $0x2;
	s3 =	sadd.s32 $0x40, s3;
	[tilespmem:s1+$0x10] =	vst v2  }
.Ltmp6:
0x89: {  	_ = 	snop;
	(pc) =	sbr.rel .LBB2_15-.Ltmp6, $1  }
0x8a: {  	_ =	sdelay $0x3  }
.LBB2_2:
0x8b: {  	[tilespmem:s22], [sflag:$0x2] =	stream.linear.gather [hbm4b:s12+s1], $0x200, $0x38;
	[tilespmem:$0x1ED50] =	vst v63  }
0x8c: {  	v1 =	vmov s1;
	_ =	swait.ge [sflag:s21], $0x200  }
0x8d: {  	v1 =	vshll.u32 v1, $0x1;
	[sflag:s21] =	ssyncset.done $0x0  }
0x8e: {  	v1 =	vor.u32 v0, v1;
	[sflag:s21] =	ssyncadd.s32 $0xFFFFFE00  }
0x8f: {  	[tilespmem:s23], [sflag:$0x2] =	stream.linear.gather [hbm4b:s8+s1], $0xC350, $0x38;
	[tilespmem:$0x1ED50] =	vst v63  }
0x90: {  	_ =	swait.ge [sflag:s21], $0xC350  }
0x91: {  	s4 =	simm.s32 $0x10;
	[sflag:s21] =	ssyncset.done $0x0  }
0x92: {  	v2 =	vmov s4;
	[sflag:s21] =	ssyncadd.s32 $0xFFFF3CB0  }
0x93: {  	v2 =	vshll.u32 v2, $0x1;
	v1 =	vld.idx.msk [tilespmem:v1+s2+$0x0], $0xffff  }
0x94: {  	v3 =	vor.u32 v0, v2;
	_ =	sdelay $0x2  }
0x95: {  	s1 =	simm.s32 $0x400  }
0x96: {  	s3 =	simm.s32 $0x20;
	[tilespmem:s1+$0x0] =	vst v1  }
0x97: {  	v2 =	vmov s3;
	s3 =	simm.s32 $0x30;
	v1 =	vld.idx.msk [tilespmem:v3+s2+$0x0], $0xffff  }
.LBB2_3:
0x98: {  	p1 =	sne.s32 s3, $0x1F0;
	v2 =	vshll.u32 v2, $0x1  }
0x99: {  	v3 =	vor.u32 v0, v2  }
.Ltmp7:
0x9a: {  	(pc) =	sbr.rel @p1 .LBB2_3-.Ltmp7, $4  }
0x9b: {  	_ = 	snop  }
0x9c: {  	s1 =	sadd.s32 $0x10, s1  }
0x9d: {  	[tilespmem:s1+$0x0] =	vst v1  }
0x9e: {  	v2 =	vmov s3;
	s3 =	sadd.s32 $0x10, s3;
	v1 =	vld.idx.msk [tilespmem:v3+s2+$0x0], $0xffff  }
0x9f: {  	v2 =	vshll.u32 v2, $0x1  }
0xa0: {  	v2 =	vor.u32 v0, v2;
	_ =	sdelay $0x2  }
0xa1: {  	s1 =	sadd.s32 $0x10, s1  }
0xa2: {  	[tilespmem:s1+$0x0] =	vst v1  }
0xa3: {  	v1 =	vld.idx.msk [tilespmem:v2+s2+$0x0], $0xffff;
	_ =	sdelay $0x3  }
0xa4: {  	s1 =	sadd.s32 $0x10, s1  }
0xa5: {  	s3 =	rddreg [dreg:$0x3];
	[tilespmem:s1+$0x0] =	vst v1  }
0xa6: {  	[tilespmem:s26], [sflag:$0x1] =	stream.indirect.gather [hbm4b:s3+s24], $0x40, s25, s24, $0xb8;
	[tilespmem:$0x1ED50] =	vst v63  }
0xa7: {  	_ =	swait.ge [sflag:s28], $0x8000  }
0xa8: {  	[sflag:s28] =	ssyncset.done $0x0  }
0xa9: {  	s4 =	simm.s32 $0x0;
	[sflag:s28] =	ssyncadd.s32 $0xFFFF8000  }
0xaa: {  	[hbm4b:s13+s4] =	stream.linear.scatter [tilespmem:s26], [sflag:$0x2], $0x8000, $0x38;
	[tilespmem:$0x1ED50] =	vst v63  }
0xab: {  	_ =	swait.ge [sflag:s21], $0x8000  }
0xac: {  	[sflag:s21] =	ssyncset.done $0x0  }
0xad: {  	[sflag:s21] =	ssyncadd.s32 $0xFFFF8000  }
0xae: {  	[tilespmem:s29], [sflag:$0x1] =	stream.indirect.gather [hbm4b:s5+s24], $0x40, s22, s24, $0xb8;
	[tilespmem:$0x1ED50] =	vst v63  }
0xaf: {  	_ =	swait.ge [sflag:s28], $0x8000  }
0xb0: {  	[sflag:s28] =	ssyncset.done $0x0  }
0xb1: {  	[sflag:s28] =	ssyncadd.s32 $0xFFFF8000  }
0xb2: {  	[tilespmem:s30], [sflag:$0x1] =	stream.indirect.gather [hbm4b:s9+s24], $0x10, s22, s24, $0xb8;
	[tilespmem:$0x1ED50] =	vst v63  }
0xb3: {  	_ =	swait.ge [sflag:s28], $0x2000  }
0xb4: {  	[sflag:s28] =	ssyncset.done $0x0  }
0xb5: {  	s1 =	simm.s32 $0x0;
	[sflag:s28] =	ssyncadd.s32 $0xFFFFE000  }
0xb6: {  	v1 =	vld [tilespmem:s1+$0x400];
	_ =	sdelay $0x7  }
0xb7: {  	s3 =	simm.s32 $0x10;
	s4 =	simm.s32 $0x80;
	v1 =	vld.idx.msk [tilespmem:v1+s23+$0x0], $0xffff  }
.LBB2_5:
0xb8: {  	p1 =	sne.s32 s4, $0x7C0;
	v2 =	vld [tilespmem:s3+$0x400];
	_ =	sdelay $0x3  }
.Ltmp8:
0xb9: {  	(pc) =	sbr.rel @p1 .LBB2_5-.Ltmp8, $2  }
0xba: {  	[tilespmem:s1+$0x1EB50] =	vst v1;
	s1 =	smov.u32 s3;
	_ =	sdelay $0x2  }
0xbb: {  	s3 =	sshra.s32 s4, $0x2;
	s4 =	sadd.s32 $0x40, s4;
	v1 =	vld.idx.msk [tilespmem:v2+s23+$0x0], $0xffff  }
0xbc: {  	v2 =	vld [tilespmem:s3+$0x400];
	_ =	sdelay $0x6  }
0xbd: {  	[tilespmem:s1+$0x1EB50] =	vst v1  }
0xbe: {  	v1 =	vld.idx.msk [tilespmem:v2+s23+$0x0], $0xffff;
	_ =	sdelay $0x4  }
0xbf: {  	[tilespmem:s3+$0x1EB50] =	vst v1;
	s3 =	simm.s32 $0x0  }
0xc0: {  	[hbm4b:s14+s3] =	stream.linear.scatter [tilespmem:s31], [sflag:$0x2], $0x200, $0x38;
	[tilespmem:$0x1ED50] =	vst v63  }
0xc1: {  	_ =	swait.ge [sflag:s21], $0x200  }
0xc2: {  	[sflag:s21] =	ssyncset.done $0x0  }
0xc3: {  	s4 =	simm.s32 $0x0;
	[sflag:s21] =	ssyncadd.s32 $0xFFFFFE00  }
0xc4: {  	v1 =	vld [tilespmem:s4+$0x10800];
	_ =	sdelay $0x4  }
0xc5: {  	v1 =	vadd.f32 $1.000000000e+00, v1;
	_ =	sdelay $0x1  }
0xc6: {  	(erf) = vrcp.f32 v1;
	_ =	sdelay $0x3  }
0xc7: {  	s1 =	simm.s32 $0x8820  }
0xc8: {  	v1 =	vld [tilespmem:s1+$0xFFFFFFE0]  }
0xc9: {  	v2 =	vld [tilespmem:s1+$0xFFFFFFF0]  }
0xca: {  	v3 =	vld [tilespmem:s1+$0x0]  }
0xcb: {  	v4 =	vld [tilespmem:s1+$0x10]  }
0xcc: {  	v5 =	vpop (erf)  }
0xcd: {  	v1 =	vmul.f32 v5, v1  }
0xce: {  	v2 =	vmul.f32 v2, v5  }
0xcf: {  	v3 =	vmul.f32 v3, v5;
	[tilespmem:s1+$0xFFFFFFE0] =	vst v1  }
0xd0: {  	v1 =	vmul.f32 v4, v5;
	[tilespmem:s1+$0xFFFFFFF0] =	vst v2  }
0xd1: {  	[tilespmem:s1+$0x0] =	vst v3  }
0xd2: {  	s3 =	simm.s32 $0x80;
	s4 =	simm.s32 $0x10;
	[tilespmem:s1+$0x10] =	vst v1  }
.LBB2_7:
0xd3: {  	p1 =	seq.s32 s3, $0x7FC0;
	v1 =	vld [tilespmem:s4+$0x10800];
	_ =	sdelay $0x4  }
0xd4: {  	v1 =	vadd.f32 $1.000000000e+00, v1;
	_ =	sdelay $0x1  }
0xd5: {  	(erf) = vrcp.f32 v1;
	_ =	sdelay $0x1  }
0xd6: {  	s1 =	sadd.s32 $0x40, s1  }
0xd7: {  	v1 =	vld [tilespmem:s1+$0xFFFFFFF0]  }
0xd8: {  	v2 =	vld [tilespmem:s1+$0x10]  }
0xd9: {  	v3 =	vld [tilespmem:s1+$0xFFFFFFE0]  }
0xda: {  	v4 =	vld [tilespmem:s1+$0x0];
	_ =	sdelay $0x2  }
0xdb: {  	v5 =	vpop (erf)  }
0xdc: {  	v3 =	vmul.f32 v5, v3;
	v1 =	vmul.f32 v1, v5  }
.Ltmp9:
0xdd: {  	v2 =	vmul.f32 v2, v5;
	v4 =	vmul.f32 v4, v5;
	(pc) =	sbr.rel @!p1 .LBB2_7-.Ltmp9, $4  }
0xde: {  	[tilespmem:s1+$0xFFFFFFE0] =	vst v3  }
0xdf: {  	[tilespmem:s1+$0xFFFFFFF0] =	vst v1  }
0xe0: {  	[tilespmem:s1+$0x0] =	vst v4  }
0xe1: {  	s4 =	sshra.s32 s3, $0x2;
	s3 =	sadd.s32 $0x40, s3;
	[tilespmem:s1+$0x10] =	vst v2  }
0xe2: {  	v1 =	vld [tilespmem:s4+$0x10800];
	_ =	sdelay $0x4  }
0xe3: {  	v1 =	vadd.f32 $1.000000000e+00, v1;
	_ =	sdelay $0x1  }
0xe4: {  	(erf) = vrcp.f32 v1;
	_ =	sdelay $0x3  }
0xe5: {  	s1 =	sadd.s32 $0x40, s1  }
0xe6: {  	v1 =	vld [tilespmem:s1+$0xFFFFFFE0]  }
0xe7: {  	v2 =	vld [tilespmem:s1+$0xFFFFFFF0]  }
0xe8: {  	v3 =	vld [tilespmem:s1+$0x0]  }
0xe9: {  	v4 =	vld [tilespmem:s1+$0x10]  }
0xea: {  	v5 =	vpop (erf)  }
0xeb: {  	v1 =	vmul.f32 v5, v1  }
.Ltmp10:
0xec: {  	v2 =	vmul.f32 v2, v5;
	(pc) =	sbr.rel .LBB2_16-.Ltmp10, $4  }
0xed: {  	v3 =	vmul.f32 v3, v5;
	[tilespmem:s1+$0xFFFFFFE0] =	vst v1  }
0xee: {  	v1 =	vmul.f32 v4, v5;
	[tilespmem:s1+$0xFFFFFFF0] =	vst v2  }
0xef: {  	[tilespmem:s1+$0x0] =	vst v3  }
0xf0: {  	[tilespmem:s1+$0x10] =	vst v1;
	s1 =	smov.u32 s15  }
.LBB2_17:
0xf1: {  	_ =	sfence.sel $0x180000  }
0xf2: {  	[bflag:$0x0] =	sbarrier.arrive $0xFFFF  }
0xf3: {  	_ =	strace $0x9000004D  }
0xf4: {  	s0 =	stileid.u32;
	[bflag:$0x2] =	sbarrier.arrive $0xFFFF  }
0xf5: {  	p0 =	sne.s32 s0, $0x0;
	s0 =	rddreg [dreg:$0x2]  }
0xf6: {  	s0 =	sadd.s32 @!p0 $0x100000, s0  }
0xf7: {  	[sflag:s0] =	ssyncadd.tile.s32 @!p0 $0x1;
	_ =	shalt  }
.Lfunc_end2:
_tile_overlayer_lowered:
.L_overlay_start_2:
0xf8: {  	(tag) =	ssettag $0x2  }
0xf9: {  	s0 =	rddreg [dreg:$0x0];
	s2 =	stileid.u32  }
0xfa: {  	s1 =	rddreg [dreg:$0x1];
	p0 =	sne.s32 s2, $0x0  }
0xfb: {  	s3 =	rddreg [dreg:$0x2];
	[bflag:$0x3] =	sbarrier.arrive $0xFFFF;
	s2 =	simm.s32 @!p0 $0x1C02  }
0xfc: {  	[timem:s3], [sflag:s2] =	dma.local @!p0 [hbm:s0], s1  }
0xfd: {  	s0 =	simm.s32 @!p0 $0x2  }
0xfe: {  	_ =	swait.ge @!p0 [sflag:s0], s1  }
0xff: {  	s1 =	ssub.s32 @!p0 $0x0, s1;
	[sflag:s0] =	ssyncset.done @!p0 $0x0  }
0x100: {  	[sflag:s0] =	ssyncadd.s32 @!p0 s1  }
0x101: {  	[bflag:$0x3] =	sbarrier.arrive $0xFFFF  }
0x102: {  	_ =	shalt  }

// kernel: kernel.6.cloned.1.call-start
scs
__scs_entry_jumppad:
0x0: {  	(pc) =	sbr.rel $0x88, $3  }
0x1: {  	(tag) =	ssettag $0x0;
	lr =	simm.s32 $0x1  }
0x2: {  	[smem:$0x3F91] =	sst lr;
	_ =	strace $0xD0000000  }
0x3: {  	_ = 	snop  }
0x4: {  	_ = 	snop  }
0x5: {  	_ = 	snop  }
0x6: {  	_ = 	snop  }
0x7: {  	_ = 	snop  }
__scs_overlays_trampoline_lowered:
0x8: {  	[smem:$0x3FA0] =	sst s0  }
0x9: {  	[smem:$0x3FA1] =	sst s1  }
0xa: {  	[smem:$0x3FA2] =	sst s2  }
0xb: {  	[smem:$0x3FA3] =	sst s3  }
0xc: {  	[smem:$0x3FA4] =	sst s4  }
0xd: {  	[smem:$0x3FA5] =	sst s5  }
0xe: {  	[smem:$0x3FA6] =	sst s6  }
0xf: {  	[smem:$0x3FA7] =	sst s7  }
0x10: {  	[smem:$0x3FA8] =	sst s8  }
0x11: {  	[smem:$0x3FA9] =	sst s9;
	s0 =	simm.s32 @!p0 $0x0  }
0x12: {  	s1 =	sld [smem:$0x3F8F];
	s0 =	simm.s32 @p0 $0x1  }
0x13: {  	[smem:$0x3FAA] =	sst s0;
	s0 =	simm.s32 @!p1 $0x0  }
0x14: {  	s2 =	sld [smem:$0x3F8E];
	s0 =	simm.s32 @p1 $0x1  }
0x15: {  	[smem:$0x3FAB] =	sst s0;
	s0 =	simm.s32 @!p2 $0x0  }
0x16: {  	s3 =	sld [smem:$0x3FDB];
	s0 =	simm.s32 @p2 $0x1  }
0x17: {  	s4 =	simm.s32 $0x1BF5;
	[smem:$0x3FAD] =	sst s0  }
0x18: {  	s0 =	sld [smem:$0x3F90];
	_ =	swait.ge [sflag:s4], $0x0  }
0x19: {  	s7 =	sld [smem:$0x3F91]  }
0x1a: {  	s8 =	sadd.s32 $0xFFFFE003, lr  }
0x1b: {  	s9 =	sadd.s32 $0xFFFFFEF7, lr;
	s5 =	simm.s32 $0xFFFFFFFF;
	p2 =	slt.u32 s8, $0xFFFFF086  }
0x1c: {  	p1 =	slt.u32 s9, $0xF7A;
	s5 =	simm.s32 @!p2 $0x0  }
0x1d: {  	s5 =	simm.s32 @p1 $0x1;
	p0 =	seq.s32 s7, s2  }
0x1e: {  	s7 =	smul.u32 @!p0 $0xF7A, s2;
	p2 =	seq.s32 @!p0 s5, $0x0  }
0x1f: {  	s9 =	smul.u32 $0xF7A, s1;
	s8 =	simm.s32 @!p0 $0x1BF5;
	p2 =	por !p2, p0  }
0x20: {  	[sflag:s8] =	ssyncset.s32 @!p0 $0xFFFFF086;
	s6 =	sadd.s32 @!p0 s3, s7;
	s7 =	simm.s32 @!p0 $0x108  }
0x21: {  	s3 =	sadd.s32 s3, s9;
	s6 =	sadd.s32 @!p0 $0x88, s6;
	s7 =	simm.s32 @p2 $0x1082  }
0x22: {  	[simem:s7], [sflag:s8] =	dma.local @!p0 [hbm:s6], $0xF7A  }
0x23: {  	s9 =	sor.u32 $0xD0000000, s2;
	s6 =	simm.s32 $0x108;
	_ =	swait.ge @!p0 [sflag:s8], $0x0  }
0x24: {  	s3 =	sadd.s32 $0x88, s3;
	s6 =	simm.s32 @!p1 $0x1082;
	[sflag:s4] =	ssyncset.s32 $0xFFFFF086  }
0x25: {  	[simem:s6], [sflag:s4] =	dma.local [hbm:s3], $0xF7A  }
0x26: {  	[smem:$0x3F91] =	sst s1;
	(tag) =	ssettag s2;
	_ =	strace s9  }
0x27: {  	s1 =	sld [smem:$0x3FA1]  }
0x28: {  	s2 =	sld [smem:$0x3FA2]  }
0x29: {  	s4 =	sld [smem:$0x3FA4]  }
0x2a: {  	p0 =	seq.s32 s5, $0x0;
	s5 =	sld [smem:$0x3FA5]  }
0x2b: {  	s6 =	sld [smem:$0x3FA6]  }
0x2c: {  	s7 =	sld [smem:$0x3FA7]  }
0x2d: {  	s3 =	simm.s32 $0x108;
	s8 =	sld [smem:$0x3FA8]  }
0x2e: {  	s3 =	simm.s32 @!p0 $0x1082;
	s9 =	sld [smem:$0x3FA9]  }
0x2f: {  	lr =	sadd.s32 s0, s3;
	s0 =	sld [smem:$0x3FA0]  }
0x30: {  	s3 =	sld [smem:$0x3FA3]  }
0x31: {  	[smem:$0x3FAC] =	sst s10  }
0x32: {  	s10 =	sld [smem:$0x3FAA];
	_ =	sdelay $0x3  }
0x33: {  	p0 =	seq.s32 s10, $0x1;
	s10 =	sld [smem:$0x3FAC];
	_ =	sdelay $0x3  }
0x34: {  	[smem:$0x3FAC] =	sst s10  }
0x35: {  	s10 =	sld [smem:$0x3FAB];
	_ =	sdelay $0x3  }
0x36: {  	p1 =	seq.s32 s10, $0x1;
	s10 =	sld [smem:$0x3FAC];
	_ =	sdelay $0x3  }
0x37: {  	[smem:$0x3FAC] =	sst s10  }
0x38: {  	s10 =	sld [smem:$0x3FAD]  }
0x39: {  	_ = 	snop;
	(pc) =	sbr.ind lr, $3  }
0x3a: {  	_ = 	snop  }
0x3b: {  	_ = 	snop  }
0x3c: {  	p2 =	seq.s32 s10, $0x1;
	s10 =	sld [smem:$0x3FAC]  }
0x3d: {  	_ =	shalt  }
0x3e: {  	_ =	shalt  }
0x3f: {  	_ =	shalt  }
0x40: {  	_ =	shalt  }
0x41: {  	_ =	shalt  }
0x42: {  	_ =	shalt  }
0x43: {  	_ =	shalt  }
0x44: {  	_ =	shalt  }
0x45: {  	_ =	shalt  }
0x46: {  	_ =	shalt  }
0x47: {  	_ =	shalt  }
0x48: {  	_ =	shalt  }
0x49: {  	_ =	shalt  }
0x4a: {  	_ =	shalt  }
0x4b: {  	_ =	shalt  }
0x4c: {  	_ =	shalt  }
0x4d: {  	_ =	shalt  }
0x4e: {  	_ =	shalt  }
0x4f: {  	_ =	shalt  }
0x50: {  	_ =	shalt  }
0x51: {  	_ =	shalt  }
0x52: {  	_ =	shalt  }
0x53: {  	_ =	shalt  }
0x54: {  	_ =	shalt  }
0x55: {  	_ =	shalt  }
0x56: {  	_ =	shalt  }
0x57: {  	_ =	shalt  }
0x58: {  	_ =	shalt  }
0x59: {  	_ =	shalt  }
0x5a: {  	_ =	shalt  }
0x5b: {  	_ =	shalt  }
0x5c: {  	_ =	shalt  }
0x5d: {  	_ =	shalt  }
0x5e: {  	_ =	shalt  }
0x5f: {  	_ =	shalt  }
0x60: {  	_ =	shalt  }
0x61: {  	_ =	shalt  }
0x62: {  	_ =	shalt  }
0x63: {  	_ =	shalt  }
0x64: {  	_ =	shalt  }
0x65: {  	_ =	shalt  }
0x66: {  	_ =	shalt  }
0x67: {  	_ =	shalt  }
0x68: {  	_ =	shalt  }
0x69: {  	_ =	shalt  }
0x6a: {  	_ =	shalt  }
0x6b: {  	_ =	shalt  }
0x6c: {  	_ =	shalt  }
0x6d: {  	_ =	shalt  }
0x6e: {  	_ =	shalt  }
0x6f: {  	_ =	shalt  }
0x70: {  	_ =	shalt  }
0x71: {  	_ =	shalt  }
0x72: {  	_ =	shalt  }
0x73: {  	_ =	shalt  }
0x74: {  	_ =	shalt  }
0x75: {  	_ =	shalt  }
0x76: {  	_ =	shalt  }
0x77: {  	_ =	shalt  }
0x78: {  	_ =	shalt  }
0x79: {  	_ =	shalt  }
0x7a: {  	_ =	shalt  }
0x7b: {  	_ =	shalt  }
0x7c: {  	_ =	shalt  }
0x7d: {  	_ =	shalt  }
0x7e: {  	_ =	shalt  }
0x7f: {  	_ =	shalt  }
0x80: {  	_ =	shalt  }
0x81: {  	_ =	shalt  }
0x82: {  	_ =	shalt  }
0x83: {  	_ =	shalt  }
0x84: {  	_ =	shalt  }
0x85: {  	_ =	shalt  }
0x86: {  	_ =	shalt  }
0x87: {  	_ =	shalt  }
.Lfunc_end0:
.L_simem_size_0:
called_computation_lowered:
.L_overlay_start_0:
0x88: {  	s2 =	sld [smem:$0x3FD9]  }
0x89: {  	s3 =	sld [smem:$0x3FFE];
	_ =	sdelay $0x1  }
0x8a: {  	s1 =	srdreg.scid  }
0x8b: {  	s0 =	sand.u32 $0x1, s1  }
0x8c: {  	s16 =	sshll.u32 s0, $0xA;
	s2 =	sadd.s32 s3, s2  }
0x8d: {  	s2 =	sadd.s32 s2, s16  }
0x8e: {  	[smem:$0x3FB8] =	sst s2  }
0x8f: {  	_ = 	snop  }
0x90: {  	(tm) =	ssettm $0x1  }
0x91: {  	s17 =	sld [smem:$0x3FFB];
	_ =	sdelay $0x3  }
0x92: {  	_ =	strace s17  }
0x93: {  	s2 =	sld [smem:$0x3FFC];
	_ =	sdelay $0x3  }
0x94: {  	_ =	strace s2  }
0x95: {  	s2 =	sld [smem:$0x3FFD];
	_ =	sdelay $0x3  }
0x96: {  	_ =	strace s2  }
0x97: {  	_ =	strace $0x8FFFFFFF  }
0x98: {  	s18 =	sld [smem:$0x3FDB];
	_ =	sdelay $0x1  }
0x99: {  	s19 =	simm.s32 $_scs_section_size  }
0x9a: {  	s4 =	simm.s32 $_size__tile_overlayer_lowered;
	s5 =	simm.s32 $_tile_overlayer_lowered  }
0x9b: {  	s22 =	simm.s32 $0x1BFF;
	s21 =	sshll.u32 s5, $0x1;
	s2 =	sadd.s32 s19, s18  }
0x9c: {  	s6 =	simm.s32 $0x0;
	s20 =	sshll.u32 s4, $0x1;
	s4 =	sadd.s32 s21, s2  }
0x9d: {  	[timem:s6], [sflag:s22] =	dma.local [hbm:s4], s20  }
0x9e: {  	_ =	swait.ge [sflag:s22], s20  }
0x9f: {  	s3 =	ssub.s32 $0x0, s20;
	[sflag:s22] =	ssyncset.done $0x0  }
0xa0: {  	[sflag:s22] =	ssyncadd.s32 s3;
	_ =	sdelay $0x1  }
0xa1: {  	s23 =	simm.s32 $0x1B8B  }
0xa2: {  	_ =	swait.ge [sflag:s23], $0x1  }
0xa3: {  	[sflag:s23] =	ssyncset.done $0x0  }
0xa4: {  	s25 =	simm.s32 $0x1B8E;
	s24 =	sld [smem:$0x3FFE];
	[sflag:s23] =	ssyncadd.s32 $0xFFFFFFFF  }
0xa5: {  	s26 =	simm.s32 $execute0_lowered;
	[smem:$0x3FD2] =	sst s25  }
0xa6: {  	s4 =	sshll.u32 s26, $0x1;
	_ =	strace $0x80000046;
	[dreg:$0x1] =	wrdreg $0xFFFFFFFF  }
0xa7: {  	s28 =	simm.s32 $_size_execute0_lowered;
	s2 =	sadd.s32 s2, s4;
	[dreg:$0x0] =	wrdreg $0x0  }
0xa8: {  	s4 =	sshll.u32 s28, $0x1;
	[dreg:$0x2] =	wrdreg s2  }
0xa9: {  	[dreg:$0x3] =	wrdreg s4  }
0xaa: {  	[dreg:$0x4] =	wrdreg $0xC0  }
0xab: {  	_ =	task [dreg:s6], $0x5FFFF  }
0xac: {  	[dreg:$0x1] =	wrdreg $0xFFFFFFFF  }
0xad: {  	[dreg:$0x0] =	wrdreg $0x60  }
0xae: {  	[dreg:$0x2] =	wrdreg s24  }
0xaf: {  	[dreg:$0x3] =	wrdreg $0x9  }
0xb0: {  	_ =	task.clear_ibuf [dreg:s6], $0x4FFFF;
	_ =	strace $0x90000046  }
0xb1: {  	s29 =	simm.s32 $0x9;
	_ =	strace $0x80000048  }
0xb2: {  	_ =	swait.ge [sflag:s29], $0x1  }
0xb3: {  	[sflag:s29] =	ssyncadd.s32 $0xFFFFFFFF  }
0xb4: {  	_ =	strace $0x90000048  }
0xb5: {  	_ =	sfence  }
0xb6: {  	s30 =	sld [smem:$0x0];
	_ =	sdelay $0x2  }
0xb7: {  	s31 =	sshll.u32 s1, $0xD;
	s1 =	sshrl.u32 s1, $0x2  }
0xb8: {  	s3 =	sand.u32 $0x4000, s31;
	s1 =	sadd.s32 s1, s30  }
0xb9: {  	s0 =	sor.u32 s3, s0;
	s1 =	sshll.u32 s1, $0x11  }
0xba: {  	s0 =	sor.u32 s1, s0  }
0xbb: {  	s0 =	sadd.s32 $0x8F2B, s0  }
0xbc: {  	[sflag:s0] =	ssyncadd.remote.s32 $0x1  }
0xbd: {  	_ =	sfence.sel $0xFFFF  }
0xbe: {  	[dreg:$0x0] =	wrdreg $0xFFFFFFFF;
	(pc) =	sbr.abs _section_cstart, $3  }
0xbf: {  	[dreg:$0x1] =	wrdreg $0xFFFFFFFF  }
0xc0: {  	_ =	task.clear_ibuf [dreg:s6], $0x2FFFF;
	_ =	strace $0x9FFFFFFF  }
0xc1: {  	(tm) =	ssettm $0x7FFFFFFF  }
tec
execute0_lowered:
.L_overlay_start_1:
0x0: {  	(tag) =	ssettag $0x1  }
0x1: {  	s1 =	stileid.u32  }
0x2: {  	p0 =	sne.s32 s1, $0x0  }
.Ltmp0:
0x3: {  	_ = 	snop;
	(pc) =	sbr.rel @p0 .LBB2_11-.Ltmp0, $3  }
0x4: {  	_ =	sdelay $0x1  }
0x5: {  	s4 =	rddreg [dreg:$0x0]  }
0x6: {  	s0 =	rddreg [dreg:$0x1];
	_ =	strace $0x80000047  }
0x7: {  	s1 =	srdreg.scid  }
0x8: {  	s2 =	sadd.s32 $0x4600, s4;
	s6 =	sadd.s32 $0x5400, s4;
	s7 =	sand.u32 $0x1, s1  }
0x9: {  	s3 =	sadd.s32 $0x6200, s4;
	s9 =	simm.s32 $0x0;
	s5 =	ssub.s32 $0x2, s7  }
0xa: {  	s1 =	sadd.s32 $0x3600, s4;
	p1 =	seq.s32 s7, $0x1;
	s8 =	sshrl.u32 s5, $0x1  }
0xb: {  	v1 =	vmov s7;
	s7 =	simm.s32 $0x8000;
	s2 =	smov.u32 @p1 s6;
	s5 =	ssub.s32 s5, s8  }
0xc: {  	v0 =	vlaneseq.u32;
	s6 =	simm.s32 $0x1;
	s8 =	sadd.s32 $0x6A00, s4;
	s4 =	smax.u32 s5, $0x1  }
0xd: {  	v2 =	vimm.s32 $0x4000;
	v3 =	vmul.u32 $0x2, v0;
	s3 =	smov.u32 @p1 s8;
	s5 =	simm.s32 $0x0;
	s8 =	simm.s32 $0x18360  }
.LBB2_2:
0xe: {  	[tilespmem:s5], [sflag:$0x1] =	stream.linear.gather [hbm4b:s1+s5], $0x8000, $0x38;
	[tilespmem:$0x1C360] =	vst v63  }
0xf: {  	_ =	swait.ge [sflag:s6], $0x8000  }
0x10: {  	[sflag:s6] =	ssyncset.done $0x0  }
0x11: {  	s10 =	simm.s32 $0x0;
	[sflag:s6] =	ssyncadd.s32 $0xFFFF8000  }
.LBB2_3:
0x12: {  	p1 =	sne.s32 s10, $0x30D40  }
.Ltmp1:
0x13: {  	_ = 	snop;
	(pc) =	sbr.rel @p1 .LBB2_3-.Ltmp1, $3  }
0x14: {  	_ =	sdelay $0x1  }
0x15: {  	s11 =	sshra.s32 s10, $0x2  }
0x16: {  	s10 =	sadd.s32 $0x40, s10;
	[tilespmem:s11+$0x8000] =	vst v2  }
0x17: {  	s10 =	simm.s32 $0x0  }
0x18: {  	v5 =	vor.u32 s10, v0  }
0x19: {  	v4 =	vshll.u32 v5, $0x1  }
0x1a: {  	v4 =	vor.u32 v1, v4;
	_ =	sdelay $0x4  }
0x1b: {  	v6 =	vld.idx.msk [tilespmem:v4+s10+$0x0], $0xffff  }
0x1c: {  	s11 =	simm.s32 $0x10  }
0x1d: {  	v4 =	vor.u32 s11, v0  }
0x1e: {  	v7 =	vshll.u32 v4, $0x1  }
0x1f: {  	v7 =	vor.u32 v1, v7;
	_ =	sdelay $0x1  }
0x20: {  	s11 =	simm.s32 $0x14360  }
0x21: {  	[tilespmem:s11+$0x0] =	vst v6  }
0x22: {  	s12 =	simm.s32 $0x20;
	[tilespmem:v6+s7+$0x0] =	vst.idx.msk $0xffff, v5  }
0x23: {  	v5 =	vor.u32 s12, v0;
	s12 =	simm.s32 $0x30;
	v6 =	vld.idx.msk [tilespmem:v7+s10+$0x0], $0xffff  }
.LBB2_5:
0x24: {  	p1 =	sne.s32 s12, $0x3FF0;
	v7 =	vshll.u32 v5, $0x1  }
0x25: {  	v7 =	vor.u32 v1, v7;
	_ =	sdelay $0x1  }
0x26: {  	s11 =	sadd.s32 $0x10, s11  }
.Ltmp2:
0x27: {  	[tilespmem:s11+$0x0] =	vst v6;
	(pc) =	sbr.rel @p1 .LBB2_5-.Ltmp2, $3  }
0x28: {  	[tilespmem:v6+s7+$0x0] =	vst.idx.msk $0xffff, v4;
	v4 =	vmov v5  }
0x29: {  	v6 =	vld.idx.msk [tilespmem:v7+s10+$0x0], $0xffff;
	_ =	sdelay $0x1  }
0x2a: {  	v5 =	vor.u32 s12, v0;
	s12 =	sadd.s32 $0x10, s12  }
0x2b: {  	_ = 	snop  }
0x2c: {  	v7 =	vshll.u32 v5, $0x1  }
0x2d: {  	v7 =	vor.u32 v1, v7;
	_ =	sdelay $0x1  }
0x2e: {  	s11 =	sadd.s32 $0x10, s11  }
0x2f: {  	[tilespmem:s11+$0x0] =	vst v6  }
0x30: {  	[tilespmem:v6+s7+$0x0] =	vst.idx.msk $0xffff, v4  }
0x31: {  	v4 =	vld.idx.msk [tilespmem:v7+s10+$0x0], $0xffff;
	_ =	sdelay $0x5  }
0x32: {  	s31 =	sadd.s32 $0x10, s11  }
0x33: {  	[tilespmem:s31+$0x0] =	vst v4  }
0x34: {  	s11 =	simm.s32 $0x0;
	[tilespmem:v4+s7+$0x0] =	vst.idx.msk $0xffff, v5  }
0x35: {  	v4 =	vld [tilespmem:s11+$0x14360];
	_ =	sdelay $0x7  }
0x36: {  	s12 =	simm.s32 $0x10;
	s10 =	simm.s32 $0x80;
	v4 =	vld.idx.msk [tilespmem:v4+s7+$0x0], $0xffff  }
.LBB2_7:
0x37: {  	p1 =	sne.s32 s10, $0xFFC0;
	v5 =	vld [tilespmem:s12+$0x14360];
	_ =	sdelay $0x3  }
.Ltmp3:
0x38: {  	(pc) =	sbr.rel @p1 .LBB2_7-.Ltmp3, $2  }
0x39: {  	[tilespmem:s11+$0x18360] =	vst v4;
	s11 =	smov.u32 s12;
	_ =	sdelay $0x2  }
0x3a: {  	s12 =	sshra.s32 s10, $0x2;
	s10 =	sadd.s32 $0x40, s10;
	v4 =	vld.idx.msk [tilespmem:v5+s7+$0x0], $0xffff  }
0x3b: {  	v5 =	vld [tilespmem:s12+$0x14360];
	_ =	sdelay $0x4  }
0x3c: {  	s10 =	simm.s32 $0x0  }
0x3d: {  	v6 =	vmov s10  }
0x3e: {  	[tilespmem:s11+$0x18360] =	vst v4;
	v4 =	vshll.u32 v6, $0x1  }
0x3f: {  	v4 =	vor.u32 v3, v4;
	v5 =	vld.idx.msk [tilespmem:v5+s7+$0x0], $0xffff  }
0x40: {  	v6 =	vor.u32 $0x1, v4;
	_ =	sdelay $0x3  }
0x41: {  	s30 =	simm.s32 $0x10;
	[tilespmem:s12+$0x18360] =	vst v5  }
0x42: {  	v5 =	vld.idx.msk [tilespmem:v6+s7+$0x0], $0xffff;
	v6 =	vmov s30  }
0x43: {  	v4 =	vld.idx.msk [tilespmem:v4+s7+$0x0], $0xffff;
	v6 =	vshll.u32 v6, $0x1  }
0x44: {  	v7 =	vor.u32 v3, v6  }
0x45: {  	v6 =	vor.u32 $0x1, v7;
	_ =	sdelay $0x1  }
0x46: {  	v5 =	vshll.u32 v5, $0x10  }
0x47: {  	v4 =	vor.u32 v4, v5  }
0x48: {  	[tilespmem:s10+$0x0] =	vst v4  }
0x49: {  	s31 =	simm.s32 $0x20;
	v4 =	vld.idx.msk [tilespmem:v6+s7+$0x0], $0xffff  }
0x4a: {  	s11 =	simm.s32 $0x30;
	v6 =	vmov s31;
	v5 =	vld.idx.msk [tilespmem:v7+s7+$0x0], $0xffff  }
.LBB2_9:
0x4b: {  	p1 =	sne.s32 s11, $0x61A0;
	v6 =	vshll.u32 v6, $0x1  }
0x4c: {  	v7 =	vor.u32 v3, v6  }
0x4d: {  	v6 =	vor.u32 $0x1, v7;
	_ =	sdelay $0x1  }
.Ltmp4:
0x4e: {  	v4 =	vshll.u32 v4, $0x10;
	(pc) =	sbr.rel @p1 .LBB2_9-.Ltmp4, $4  }
0x4f: {  	s10 =	sadd.s32 $0x10, s10;
	v4 =	vor.u32 v5, v4  }
0x50: {  	[tilespmem:s10+$0x0] =	vst v4  }
0x51: {  	v4 =	vld.idx.msk [tilespmem:v6+s7+$0x0], $0xffff  }
0x52: {  	v6 =	vmov s11;
	s11 =	sadd.s32 $0x10, s11;
	v5 =	vld.idx.msk [tilespmem:v7+s7+$0x0], $0xffff  }
0x53: {  	v6 =	vshll.u32 v6, $0x1  }
0x54: {  	v6 =	vor.u32 v3, v6  }
0x55: {  	v7 =	vor.u32 $0x1, v6;
	_ =	sdelay $0x1  }
0x56: {  	v4 =	vshll.u32 v4, $0x10  }
0x57: {  	s10 =	sadd.s32 $0x10, s10;
	v4 =	vor.u32 v5, v4  }
0x58: {  	[tilespmem:s10+$0x0] =	vst v4  }
0x59: {  	v4 =	vld.idx.msk [tilespmem:v7+s7+$0x0], $0xffff  }
0x5a: {  	v5 =	vld.idx.msk [tilespmem:v6+s7+$0x0], $0xffff;
	_ =	sdelay $0x3  }
0x5b: {  	v4 =	vshll.u32 v4, $0x10  }
0x5c: {  	s10 =	sadd.s32 $0x10, s10;
	v4 =	vor.u32 v5, v4  }
0x5d: {  	[tilespmem:s10+$0x0] =	vst v4  }
0x5e: {  	[hbm4b:s2+s5] =	stream.linear.scatter [tilespmem:s5], [sflag:$0x1], $0x61B0, $0x38;
	[tilespmem:$0x1C360] =	vst v63  }
0x5f: {  	s9 =	sadd.s32 $0x1, s9;
	_ =	swait.ge [sflag:s6], $0x61B0  }
0x60: {  	p1 =	sne.s32 s9, s4;
	[sflag:s6] =	ssyncset.done $0x0  }
.Ltmp5:
0x61: {  	[sflag:s6] =	ssyncadd.s32 $0xFFFF9E50;
	(pc) =	sbr.rel @p1 .LBB2_2-.Ltmp5, $4  }
0x62: {  	[hbm4b:s3+s5] =	stream.linear.scatter [tilespmem:s8], [sflag:$0x1], $0x4000, $0x38;
	[tilespmem:$0x1C360] =	vst v63  }
0x63: {  	_ =	swait.ge [sflag:s6], $0x4000  }
0x64: {  	[sflag:s6] =	ssyncset.done $0x0  }
0x65: {  	[sflag:s6] =	ssyncadd.s32 $0xFFFFC000  }
.LBB2_11:
0x66: {  	_ =	sfence.sel $0x180000  }
0x67: {  	[bflag:$0x0] =	sbarrier.arrive $0xFFFF  }
0x68: {  	_ =	strace $0x90000047  }
0x69: {  	s0 =	sadd.s32 @!p0 $0x100000, s0;
	[bflag:$0x2] =	sbarrier.arrive $0xFFFF  }
0x6a: {  	[sflag:s0] =	ssyncadd.tile.s32 @!p0 $0x1;
	_ =	shalt  }
.Lfunc_end2:
_tile_overlayer_lowered:
.L_overlay_start_2:
0x6b: {  	(tag) =	ssettag $0x2  }
0x6c: {  	s0 =	rddreg [dreg:$0x0];
	s2 =	stileid.u32  }
0x6d: {  	s1 =	rddreg [dreg:$0x1];
	p0 =	sne.s32 s2, $0x0  }
0x6e: {  	s3 =	rddreg [dreg:$0x2];
	[bflag:$0x3] =	sbarrier.arrive $0xFFFF;
	s2 =	simm.s32 @!p0 $0x1C01  }
0x6f: {  	[timem:s3], [sflag:s2] =	dma.local @!p0 [hbm:s0], s1  }
0x70: {  	s0 =	simm.s32 @!p0 $0x1  }
0x71: {  	_ =	swait.ge @!p0 [sflag:s0], s1  }
0x72: {  	s1 =	ssub.s32 @!p0 $0x0, s1;
	[sflag:s0] =	ssyncset.done @!p0 $0x0  }
0x73: {  	[sflag:s0] =	ssyncadd.s32 @!p0 s1  }
0x74: {  	[bflag:$0x3] =	sbarrier.arrive $0xFFFF  }
0x75: {  	_ =	shalt  }

// kernel: kernel.9.cloned.1.call-start
scs
__scs_entry_jumppad:
0x0: {  	(pc) =	sbr.rel $0x88, $3  }
0x1: {  	(tag) =	ssettag $0x0;
	lr =	simm.s32 $0x1  }
0x2: {  	[smem:$0x3F91] =	sst lr;
	_ =	strace $0xD0000000  }
0x3: {  	_ = 	snop  }
0x4: {  	_ = 	snop  }
0x5: {  	_ = 	snop  }
0x6: {  	_ = 	snop  }
0x7: {  	_ = 	snop  }
__scs_overlays_trampoline_lowered:
0x8: {  	[smem:$0x3FA0] =	sst s0  }
0x9: {  	[smem:$0x3FA1] =	sst s1  }
0xa: {  	[smem:$0x3FA2] =	sst s2  }
0xb: {  	[smem:$0x3FA3] =	sst s3  }
0xc: {  	[smem:$0x3FA4] =	sst s4  }
0xd: {  	[smem:$0x3FA5] =	sst s5  }
0xe: {  	[smem:$0x3FA6] =	sst s6  }
0xf: {  	[smem:$0x3FA7] =	sst s7  }
0x10: {  	[smem:$0x3FA8] =	sst s8  }
0x11: {  	[smem:$0x3FA9] =	sst s9;
	s0 =	simm.s32 @!p0 $0x0  }
0x12: {  	s1 =	sld [smem:$0x3F8F];
	s0 =	simm.s32 @p0 $0x1  }
0x13: {  	[smem:$0x3FAA] =	sst s0;
	s0 =	simm.s32 @!p1 $0x0  }
0x14: {  	s2 =	sld [smem:$0x3F8E];
	s0 =	simm.s32 @p1 $0x1  }
0x15: {  	[smem:$0x3FAB] =	sst s0;
	s0 =	simm.s32 @!p2 $0x0  }
0x16: {  	s3 =	sld [smem:$0x3FDB];
	s0 =	simm.s32 @p2 $0x1  }
0x17: {  	s4 =	simm.s32 $0x1BF5;
	[smem:$0x3FAD] =	sst s0  }
0x18: {  	s0 =	sld [smem:$0x3F90];
	_ =	swait.ge [sflag:s4], $0x0  }
0x19: {  	s7 =	sld [smem:$0x3F91]  }
0x1a: {  	s8 =	sadd.s32 $0xFFFFE003, lr  }
0x1b: {  	s9 =	sadd.s32 $0xFFFFFEF7, lr;
	s5 =	simm.s32 $0xFFFFFFFF;
	p2 =	slt.u32 s8, $0xFFFFF086  }
0x1c: {  	p1 =	slt.u32 s9, $0xF7A;
	s5 =	simm.s32 @!p2 $0x0  }
0x1d: {  	s5 =	simm.s32 @p1 $0x1;
	p0 =	seq.s32 s7, s2  }
0x1e: {  	s7 =	smul.u32 @!p0 $0xF7A, s2;
	p2 =	seq.s32 @!p0 s5, $0x0  }
0x1f: {  	s9 =	smul.u32 $0xF7A, s1;
	s8 =	simm.s32 @!p0 $0x1BF5;
	p2 =	por !p2, p0  }
0x20: {  	[sflag:s8] =	ssyncset.s32 @!p0 $0xFFFFF086;
	s6 =	sadd.s32 @!p0 s3, s7;
	s7 =	simm.s32 @!p0 $0x108  }
0x21: {  	s3 =	sadd.s32 s3, s9;
	s6 =	sadd.s32 @!p0 $0x88, s6;
	s7 =	simm.s32 @p2 $0x1082  }
0x22: {  	[simem:s7], [sflag:s8] =	dma.local @!p0 [hbm:s6], $0xF7A  }
0x23: {  	s9 =	sor.u32 $0xD0000000, s2;
	s6 =	simm.s32 $0x108;
	_ =	swait.ge @!p0 [sflag:s8], $0x0  }
0x24: {  	s3 =	sadd.s32 $0x88, s3;
	s6 =	simm.s32 @!p1 $0x1082;
	[sflag:s4] =	ssyncset.s32 $0xFFFFF086  }
0x25: {  	[simem:s6], [sflag:s4] =	dma.local [hbm:s3], $0xF7A  }
0x26: {  	[smem:$0x3F91] =	sst s1;
	(tag) =	ssettag s2;
	_ =	strace s9  }
0x27: {  	s1 =	sld [smem:$0x3FA1]  }
0x28: {  	s2 =	sld [smem:$0x3FA2]  }
0x29: {  	s4 =	sld [smem:$0x3FA4]  }
0x2a: {  	p0 =	seq.s32 s5, $0x0;
	s5 =	sld [smem:$0x3FA5]  }
0x2b: {  	s6 =	sld [smem:$0x3FA6]  }
0x2c: {  	s7 =	sld [smem:$0x3FA7]  }
0x2d: {  	s3 =	simm.s32 $0x108;
	s8 =	sld [smem:$0x3FA8]  }
0x2e: {  	s3 =	simm.s32 @!p0 $0x1082;
	s9 =	sld [smem:$0x3FA9]  }
0x2f: {  	lr =	sadd.s32 s0, s3;
	s0 =	sld [smem:$0x3FA0]  }
0x30: {  	s3 =	sld [smem:$0x3FA3]  }
0x31: {  	[smem:$0x3FAC] =	sst s10  }
0x32: {  	s10 =	sld [smem:$0x3FAA];
	_ =	sdelay $0x3  }
0x33: {  	p0 =	seq.s32 s10, $0x1;
	s10 =	sld [smem:$0x3FAC];
	_ =	sdelay $0x3  }
0x34: {  	[smem:$0x3FAC] =	sst s10  }
0x35: {  	s10 =	sld [smem:$0x3FAB];
	_ =	sdelay $0x3  }
0x36: {  	p1 =	seq.s32 s10, $0x1;
	s10 =	sld [smem:$0x3FAC];
	_ =	sdelay $0x3  }
0x37: {  	[smem:$0x3FAC] =	sst s10  }
0x38: {  	s10 =	sld [smem:$0x3FAD]  }
0x39: {  	_ = 	snop;
	(pc) =	sbr.ind lr, $3  }
0x3a: {  	_ = 	snop  }
0x3b: {  	_ = 	snop  }
0x3c: {  	p2 =	seq.s32 s10, $0x1;
	s10 =	sld [smem:$0x3FAC]  }
0x3d: {  	_ =	shalt  }
0x3e: {  	_ =	shalt  }
0x3f: {  	_ =	shalt  }
0x40: {  	_ =	shalt  }
0x41: {  	_ =	shalt  }
0x42: {  	_ =	shalt  }
0x43: {  	_ =	shalt  }
0x44: {  	_ =	shalt  }
0x45: {  	_ =	shalt  }
0x46: {  	_ =	shalt  }
0x47: {  	_ =	shalt  }
0x48: {  	_ =	shalt  }
0x49: {  	_ =	shalt  }
0x4a: {  	_ =	shalt  }
0x4b: {  	_ =	shalt  }
0x4c: {  	_ =	shalt  }
0x4d: {  	_ =	shalt  }
0x4e: {  	_ =	shalt  }
0x4f: {  	_ =	shalt  }
0x50: {  	_ =	shalt  }
0x51: {  	_ =	shalt  }
0x52: {  	_ =	shalt  }
0x53: {  	_ =	shalt  }
0x54: {  	_ =	shalt  }
0x55: {  	_ =	shalt  }
0x56: {  	_ =	shalt  }
0x57: {  	_ =	shalt  }
0x58: {  	_ =	shalt  }
0x59: {  	_ =	shalt  }
0x5a: {  	_ =	shalt  }
0x5b: {  	_ =	shalt  }
0x5c: {  	_ =	shalt  }
0x5d: {  	_ =	shalt  }
0x5e: {  	_ =	shalt  }
0x5f: {  	_ =	shalt  }
0x60: {  	_ =	shalt  }
0x61: {  	_ =	shalt  }
0x62: {  	_ =	shalt  }
0x63: {  	_ =	shalt  }
0x64: {  	_ =	shalt  }
0x65: {  	_ =	shalt  }
0x66: {  	_ =	shalt  }
0x67: {  	_ =	shalt  }
0x68: {  	_ =	shalt  }
0x69: {  	_ =	shalt  }
0x6a: {  	_ =	shalt  }
0x6b: {  	_ =	shalt  }
0x6c: {  	_ =	shalt  }
0x6d: {  	_ =	shalt  }
0x6e: {  	_ =	shalt  }
0x6f: {  	_ =	shalt  }
0x70: {  	_ =	shalt  }
0x71: {  	_ =	shalt  }
0x72: {  	_ =	shalt  }
0x73: {  	_ =	shalt  }
0x74: {  	_ =	shalt  }
0x75: {  	_ =	shalt  }
0x76: {  	_ =	shalt  }
0x77: {  	_ =	shalt  }
0x78: {  	_ =	shalt  }
0x79: {  	_ =	shalt  }
0x7a: {  	_ =	shalt  }
0x7b: {  	_ =	shalt  }
0x7c: {  	_ =	shalt  }
0x7d: {  	_ =	shalt  }
0x7e: {  	_ =	shalt  }
0x7f: {  	_ =	shalt  }
0x80: {  	_ =	shalt  }
0x81: {  	_ =	shalt  }
0x82: {  	_ =	shalt  }
0x83: {  	_ =	shalt  }
0x84: {  	_ =	shalt  }
0x85: {  	_ =	shalt  }
0x86: {  	_ =	shalt  }
0x87: {  	_ =	shalt  }
.Lfunc_end0:
.L_simem_size_0:
called_computation.1_lowered:
.L_overlay_start_0:
0x88: {  	s2 =	sld [smem:$0x3FD9]  }
0x89: {  	s3 =	sld [smem:$0x3FFE];
	_ =	sdelay $0x1  }
0x8a: {  	s1 =	srdreg.scid  }
0x8b: {  	s0 =	sand.u32 $0x1, s1  }
0x8c: {  	s16 =	sshll.u32 s0, $0xA;
	s2 =	sadd.s32 s3, s2  }
0x8d: {  	s2 =	sadd.s32 s2, s16  }
0x8e: {  	[smem:$0x3FB8] =	sst s2  }
0x8f: {  	_ = 	snop  }
0x90: {  	(tm) =	ssettm $0x1  }
0x91: {  	s17 =	sld [smem:$0x3FFB];
	_ =	sdelay $0x3  }
0x92: {  	_ =	strace s17  }
0x93: {  	s2 =	sld [smem:$0x3FFC];
	_ =	sdelay $0x3  }
0x94: {  	_ =	strace s2  }
0x95: {  	s2 =	sld [smem:$0x3FFD];
	_ =	sdelay $0x3  }
0x96: {  	_ =	strace s2  }
0x97: {  	_ =	strace $0x8FFFFFFF  }
0x98: {  	s18 =	sld [smem:$0x3FDB];
	_ =	sdelay $0x1  }
0x99: {  	s19 =	simm.s32 $_scs_section_size  }
0x9a: {  	s4 =	simm.s32 $_size__tile_overlayer_lowered;
	s5 =	simm.s32 $_tile_overlayer_lowered  }
0x9b: {  	s22 =	simm.s32 $0x1BFF;
	s21 =	sshll.u32 s5, $0x1;
	s2 =	sadd.s32 s19, s18  }
0x9c: {  	s6 =	simm.s32 $0x0;
	s20 =	sshll.u32 s4, $0x1;
	s4 =	sadd.s32 s21, s2  }
0x9d: {  	[timem:s6], [sflag:s22] =	dma.local [hbm:s4], s20  }
0x9e: {  	_ =	swait.ge [sflag:s22], s20  }
0x9f: {  	s3 =	ssub.s32 $0x0, s20;
	[sflag:s22] =	ssyncset.done $0x0  }
0xa0: {  	[sflag:s22] =	ssyncadd.s32 s3;
	_ =	sdelay $0x1  }
0xa1: {  	s23 =	simm.s32 $0x1B8B  }
0xa2: {  	_ =	swait.ge [sflag:s23], $0x1  }
0xa3: {  	[sflag:s23] =	ssyncset.done $0x0  }
0xa4: {  	s25 =	simm.s32 $0x1B8E;
	s24 =	sld [smem:$0x3FFE];
	[sflag:s23] =	ssyncadd.s32 $0xFFFFFFFF  }
0xa5: {  	s26 =	simm.s32 $execute0_lowered;
	[smem:$0x3FD2] =	sst s25  }
0xa6: {  	s4 =	sshll.u32 s26, $0x1;
	_ =	strace $0x80000049;
	[dreg:$0x1] =	wrdreg $0xFFFFFFFF  }
0xa7: {  	s28 =	simm.s32 $_size_execute0_lowered;
	s2 =	sadd.s32 s2, s4;
	[dreg:$0x0] =	wrdreg $0x0  }
0xa8: {  	s4 =	sshll.u32 s28, $0x1;
	[dreg:$0x2] =	wrdreg s2  }
0xa9: {  	[dreg:$0x3] =	wrdreg s4  }
0xaa: {  	[dreg:$0x4] =	wrdreg $0xC0  }
0xab: {  	_ =	task [dreg:s6], $0x5FFFF  }
0xac: {  	[dreg:$0x1] =	wrdreg $0xFFFFFFFF  }
0xad: {  	[dreg:$0x0] =	wrdreg $0x60  }
0xae: {  	[dreg:$0x2] =	wrdreg s24  }
0xaf: {  	[dreg:$0x3] =	wrdreg $0x8B300  }
0xb0: {  	[dreg:$0x4] =	wrdreg $0x18D300  }
0xb1: {  	[dreg:$0x5] =	wrdreg $0x9  }
0xb2: {  	_ =	task.clear_ibuf [dreg:s6], $0x6FFFF;
	_ =	strace $0x90000049  }
0xb3: {  	s29 =	simm.s32 $0x9;
	_ =	strace $0x8000004B  }
0xb4: {  	_ =	swait.ge [sflag:s29], $0x1  }
0xb5: {  	[sflag:s29] =	ssyncadd.s32 $0xFFFFFFFF  }
0xb6: {  	_ =	strace $0x9000004B  }
0xb7: {  	_ =	sfence  }
0xb8: {  	s30 =	sld [smem:$0x0];
	_ =	sdelay $0x2  }
0xb9: {  	s31 =	sshll.u32 s1, $0xD;
	s1 =	sshrl.u32 s1, $0x2  }
0xba: {  	s3 =	sand.u32 $0x4000, s31;
	s1 =	sadd.s32 s1, s30  }
0xbb: {  	s0 =	sor.u32 s3, s0;
	s1 =	sshll.u32 s1, $0x11  }
0xbc: {  	s0 =	sor.u32 s1, s0  }
0xbd: {  	s0 =	sadd.s32 $0x8F2B, s0  }
0xbe: {  	[sflag:s0] =	ssyncadd.remote.s32 $0x1  }
0xbf: {  	_ =	sfence.sel $0xFFFF  }
0xc0: {  	[dreg:$0x0] =	wrdreg $0xFFFFFFFF;
	(pc) =	sbr.abs _section_cstart, $3  }
0xc1: {  	[dreg:$0x1] =	wrdreg $0xFFFFFFFF  }
0xc2: {  	_ =	task.clear_ibuf [dreg:s6], $0x2FFFF;
	_ =	strace $0x9FFFFFFF  }
0xc3: {  	(tm) =	ssettm $0x7FFFFFFF  }
tec
execute0_lowered:
.L_overlay_start_1:
0x0: {  	(tag) =	ssettag $0x1  }
0x1: {  	s0 =	rddreg [dreg:$0x0]  }
0x2: {  	s1 =	rddreg [dreg:$0x1]  }
0x3: {  	s2 =	rddreg [dreg:$0x2]  }
0x4: {  	s3 =	simm.s32 $0x0;
	s4 =	srdreg.scid;
	s12 =	stileid.u32  }
0x5: {  	s18 =	simm.s32 $0x2;
	s19 =	simm.s32 $0x6330;
	s20 =	simm.s32 $0x8330  }
0x6: {  	[smem:$0x7FF] =	sst s3;
	s5 =	sadd.s32 $0xCAA00, s0;
	s6 =	sadd.s32 $0x68E00, s0  }
0x7: {  	s4 =	sand.u32 $0x1, s4;
	s7 =	sadd.s32 $0x7200, s0;
	s8 =	sshll.u32 s12, $0xA  }
0x8: {  	s21 =	sshll.u32 s12, $0x8;
	s22 =	ssub.s32 $0x90, s12;
	s23 =	ssub.s32 $0x1879, s12  }
0x9: {  	s24 =	sshll.u32 s12, $0xD;
	s25 =	sshll.u32 s12, $0xB;
	s26 =	sshll.u32 s12, $0x4  }
0xa: {  	_ =	strace $0x8000004A;
	s9 =	ssub.s32 $0x2, s4;
	s10 =	sadd.s32 s8, s0  }
0xb: {  	s14 =	sadd.s32 s21, s0;
	p0 =	seq.s32 s4, $0x0;
	s13 =	sshrl.u32 s22, $0x4  }
0xc: {  	s8 =	sshll.u32 s12, $0x7;
	s25 =	sadd.s32 s25, s2;
	[dreg:$0x5] =	wrdreg s13  }
0xd: {  	s17 =	sadd.s32 s24, s1;
	s28 =	sadd.s32 $0x11BC00, s10;
	[dreg:$0x9] =	wrdreg s25  }
0xe: {  	s21 =	simm.s32 $0x6230;
	s29 =	sadd.s32 $0xFB800, s10;
	[dreg:$0xa] =	wrdreg s28  }
0xf: {  	s11 =	sshrl.u32 s9, $0x1;
	s30 =	sadd.s32 $0x144200, s14;
	[dreg:$0xc] =	wrdreg s29  }
0x10: {  	s9 =	ssub.s32 s9, s11;
	s11 =	sshrl.u32 s23, $0x4;
	[dreg:$0xd] =	wrdreg s30  }
0x11: {  	s31 =	sadd.s32 $0x13C000, s14;
	[dreg:$0x6] =	wrdreg s11;
	s11 =	simm.s32 $0x4600  }
0x12: {  	[dreg:$0xe] =	wrdreg s31;
	s9 =	smax.u32 s9, $0x1;
	s11 =	simm.s32 @!p0 $0x5400  }
0x13: {  	[dreg:$0x7] =	wrdreg s9;
	p0 =	sne.s32 s4, $0x0;
	s0 =	sadd.s32 s11, s0  }
0x14: {  	s22 =	simm.s32 $0x80;
	s7 =	smov.u32 @p0 s6;
	[dreg:$0x8] =	wrdreg s0  }
0x15: {  	s24 =	simm.s32 $0x62B0;
	s0 =	sadd.s32 s26, s5;
	[dreg:$0x4] =	wrdreg s7  }
0x16: {  	v0 =	vimm.f32 $0.0e+00;
	v1 =	vimm.f32 $1.000000000e+00;
	s23 =	simm.s32 $0x1;
	s7 =	simm.s32 $0x0;
	[dreg:$0xb] =	wrdreg s0  }
.LBB2_1:
0x17: {  	s0 =	rddreg [dreg:$0x8]  }
0x18: {  	[tilespmem:s3], [sflag:$0x2] =	stream.linear.gather [hbm4b:s0+s3], $0x61B0, $0x38;
	[tilespmem:$0x1CDB0] =	vst v63  }
0x19: {  	_ =	swait.ge [sflag:s18], $0x61B0  }
0x1a: {  	[sflag:s18] =	ssyncset.done $0x0  }
0x1b: {  	s0 =	simm.s32 $0x6350;
	[sflag:s18] =	ssyncadd.s32 $0xFFFF9E50  }
0x1c: {  	[tilespmem:s0+$0x0] =	vst v0  }
0x1d: {  	[tilespmem:s0+$0xFFFFFFE0] =	vst v0  }
0x1e: {  	[tilespmem:s0+$0x10] =	vst v0  }
0x1f: {  	s4 =	simm.s32 $0x40;
	s6 =	simm.s32 $0x0;
	[tilespmem:s0+$0xFFFFFFF0] =	vst v0  }
.LBB2_2:
0x20: {  	p1 =	sne.s32 s4, $0x1FC0  }
0x21: {  	[tilespmem:s6+$0x8330] =	vst v0;
	s0 =	sadd.s32 $0x40, s0;
	s6 =	smov.u32 s4;
	s4 =	sadd.s32 $0x40, s4  }
.Ltmp0:
0x22: {  	[tilespmem:s0+$0x0] =	vst v0;
	(pc) =	sbr.rel @p1 .LBB2_2-.Ltmp0, $4  }
0x23: {  	_ = 	snop  }
0x24: {  	[tilespmem:s0+$0xFFFFFFE0] =	vst v0  }
0x25: {  	[tilespmem:s0+$0x10] =	vst v0  }
0x26: {  	s6 =	sshra.s32 s6, $0x2;
	[tilespmem:s0+$0xFFFFFFF0] =	vst v0  }
0x27: {  	[tilespmem:s6+$0x8330] =	vst v0  }
0x28: {  	[spmem:s17] =	stream.linear.scatter [tilespmem:s19], [sflag:$0x2], $0x2000, $0x38;
	[tilespmem:$0x1CDB0] =	vst v63  }
0x29: {  	p1 =	sne.s32 s13, $0x1;
	_ =	swait.ge [sflag:s18], $0x2000  }
.Ltmp1:
0x2a: {  	[sflag:s18] =	ssyncset.done $0x0;
	(pc) =	sbr.rel @!p1 .LBB2_5-.Ltmp1, $4  }
0x2b: {  	[sflag:s18] =	ssyncadd.s32 $0xFFFFE000  }
0x2c: {  	[spmem:s25] =	stream.linear.scatter [tilespmem:s20], [sflag:$0x2], $0x800, $0x38;
	[tilespmem:$0x1CDB0] =	vst v63  }
0x2d: {  	s0 =	sadd.s32 $0xFFFFFFFF, s13;
	_ =	swait.ge [sflag:s18], $0x800  }
0x2e: {  	s4 =	smov.u32 s17;
	s6 =	smov.u32 s25;
	[sflag:s18] =	ssyncset.done $0x0  }
.LBB2_4:
0x2f: {  	[sflag:s18] =	ssyncadd.s32 $0xFFFFF800;
	s4 =	sadd.s32 $0x20000, s4;
	s6 =	sadd.s32 $0x8000, s6  }
0x30: {  	[spmem:s4] =	stream.linear.scatter [tilespmem:s19], [sflag:$0x2], $0x2000, $0x38;
	[tilespmem:$0x1CDB0] =	vst v63  }
0x31: {  	p1 =	sne.s32 s0, $0x1;
	s0 =	sadd.s32 $0xFFFFFFFF, s0;
	_ =	swait.ge [sflag:s18], $0x2000  }
.Ltmp2:
0x32: {  	[sflag:s18] =	ssyncset.done $0x0;
	(pc) =	sbr.rel @p1 .LBB2_4-.Ltmp2, $4  }
0x33: {  	[sflag:s18] =	ssyncadd.s32 $0xFFFFE000  }
0x34: {  	[spmem:s6] =	stream.linear.scatter [tilespmem:s20], [sflag:$0x2], $0x800, $0x38;
	[tilespmem:$0x1CDB0] =	vst v63  }
0x35: {  	_ =	swait.ge [sflag:s18], $0x800  }
0x36: {  	[sflag:s18] =	ssyncset.done $0x0  }
.LBB2_5:
0x37: {  	[sflag:s18] =	ssyncadd.s32 $0xFFFFF800;
	s0 =	simm.s32 $0x40;
	s4 =	simm.s32 $0x0  }
.LBB2_6:
0x38: {  	p1 =	sne.s32 s0, $0x1FC0;
	[tilespmem:s4+$0x8330] =	vst v1;
	s4 =	smov.u32 s0;
	s0 =	sadd.s32 $0x40, s0  }
.Ltmp3:
0x39: {  	(pc) =	sbr.rel @p1 .LBB2_6-.Ltmp3, $2  }
0x3a: {  	_ =	sdelay $0x2  }
0x3b: {  	s4 =	sshra.s32 s4, $0x2  }
0x3c: {  	s0 =	rddreg [dreg:$0x6]  }
0x3d: {  	[tilespmem:s4+$0x8330] =	vst v1;
	s4 =	sadd.s32 $0xFFFFFFFF, s0  }
0x3e: {  	p2 =	sne.s32 s4, $0x0  }
.Ltmp4:
0x3f: {  	_ = 	snop;
	(pc) =	sbr.rel @!p2 .LBB2_8-.Ltmp4, $3  }
0x40: {  	_ =	sdelay $0x1  }
0x41: {  	s9 =	simm.s32 $0x0;
	s28 =	simm.s32 @p0 $0x0;
	[bflag:$0x0] =	sbarrier.arrive $0xFFFF  }
0x42: {  	s26 =	simm.s32 @p0 $0x2;
	p1 =	por $0x0, $0x0;
	[dreg:$0xf] =	wrdreg s7  }
0x43: {  	s10 =	rddreg [dreg:$0xb]  }
0x44: {  	s29 =	simm.s32 @p0 $0x61B0;
	s0 =	sadd.s32 @p0 $0x186A0, s10  }
0x45: {  	[tilespmem:s29], [sflag:$0x2] =	stream.linear.gather @p0 [hbm4b:s0+s28], $0x80, $0x38;
	[tilespmem:$0x1CDB0] =	vst v63  }
0x46: {  	s15 =	simm.s32 $0x0;
	s30 =	simm.s32 @!p0 $0x61B0;
	_ =	swait.ge @p0 [sflag:s26], $0x80  }
0x47: {  	s31 =	simm.s32 @!p0 $0x0;
	s6 =	sor.u32 s8, s15;
	[sflag:s26] =	ssyncset.done @p0 $0x0  }
0x48: {  	s0 =	simm.s32 @!p0 $0x2;
	s6 =	sadd.s32 @!p0 $0xC3500, s6;
	[sflag:s26] =	ssyncadd.s32 @p0 $0xFFFFFF80  }
0x49: {  	[tilespmem:s30], [sflag:$0x2] =	stream.linear.gather @!p0 [hbm4b:s10+s31], $0x80, $0x38;
	[tilespmem:$0x1CDB0] =	vst v63  }
0x4a: {  	s6 =	smov.u32 @p0 s8;
	_ =	swait.ge @!p0 [sflag:s0], $0x80  }
0x4b: {  	s6 =	sshrl.u32 s6, $0x3;
	[sflag:s0] =	ssyncset.done @!p0 $0x0  }
0x4c: {  	s6 =	sadd.s32 s5, s6;
	[sflag:s0] =	ssyncadd.s32 @!p0 $0xFFFFFF80  }
0x4d: {  	[tilespmem:s21], [sflag:$0x2] =	stream.linear.gather [hbm4b:s6+s3], $0x80, $0x38;
	[tilespmem:$0x1CDB0] =	vst v63  }
0x4e: {  	_ =	swait.ge [sflag:s18], $0x80  }
0x4f: {  	[sflag:s18] =	ssyncset.done $0x0  }
0x50: {  	[sflag:s18] =	ssyncadd.s32 $0xFFFFFF80  }
0x51: {  	v2 =	vld [tilespmem:$0x61B0];
	_ =	sdelay $0x4  }
0x52: {  	v3 =	vshrl.u32 v2, $0x1;
	_ =	sdelay $0x2  }
0x53: {  	v4 =	vld [tilespmem:$0x61C0];
	_ =	sdelay $0x1  }
0x54: {  	v3 =	vld.idx.msk [tilespmem:v3+s3+$0x0], $0xffff;
	_ =	sdelay $0x2  }
0x55: {  	v5 =	vshrl.u32 v4, $0x1  }
0x56: {  	v2 =	vand.u32 $0x1, v2  }
0x57: {  	vm0 =	veq.s32 v2, $0x0;
	v2 =	vshrl.u32 v3, $0x10;
	v3 =	vand.u32 $0xFFFF, v3  }
0x58: {  	v6 =	vld [tilespmem:$0x61D0];
	v2 =	vsel vm0, v3, v2  }
0x59: {  	[tilespmem:$0x62B0] =	vst v2  }
0x5a: {  	v2 =	vld.idx.msk [tilespmem:v5+s3+$0x0], $0xffff;
	_ =	sdelay $0x2  }
0x5b: {  	v3 =	vshrl.u32 v6, $0x1  }
0x5c: {  	v4 =	vand.u32 $0x1, v4  }
0x5d: {  	vm9 =	veq.s32 v4, $0x0;
	v48 =	vshrl.u32 v2, $0x10;
	v2 =	vand.u32 $0xFFFF, v2  }
0x5e: {  	v49 =	vld [tilespmem:$0x61E0];
	v2 =	vsel vm9, v2, v48  }
0x5f: {  	[tilespmem:$0x62C0] =	vst v2  }
0x60: {  	v2 =	vld.idx.msk [tilespmem:v3+s3+$0x0], $0xffff;
	_ =	sdelay $0x2  }
0x61: {  	v3 =	vshrl.u32 v49, $0x1  }
0x62: {  	v50 =	vand.u32 $0x1, v6  }
0x63: {  	vm10 =	veq.s32 v50, $0x0;
	v51 =	vshrl.u32 v2, $0x10;
	v2 =	vand.u32 $0xFFFF, v2  }
0x64: {  	v52 =	vld [tilespmem:$0x61F0];
	v2 =	vsel vm10, v2, v51  }
0x65: {  	[tilespmem:$0x62D0] =	vst v2  }
0x66: {  	v2 =	vld.idx.msk [tilespmem:v3+s3+$0x0], $0xffff;
	_ =	sdelay $0x2  }
0x67: {  	v3 =	vshrl.u32 v52, $0x1  }
0x68: {  	v53 =	vand.u32 $0x1, v49  }
0x69: {  	vm11 =	veq.s32 v53, $0x0;
	v54 =	vshrl.u32 v2, $0x10;
	v2 =	vand.u32 $0xFFFF, v2  }
0x6a: {  	v55 =	vld [tilespmem:$0x6200];
	v2 =	vsel vm11, v2, v54  }
0x6b: {  	[tilespmem:$0x62E0] =	vst v2  }
0x6c: {  	v2 =	vld.idx.msk [tilespmem:v3+s3+$0x0], $0xffff;
	_ =	sdelay $0x2  }
0x6d: {  	v3 =	vshrl.u32 v55, $0x1  }
0x6e: {  	v56 =	vand.u32 $0x1, v52  }
0x6f: {  	vm12 =	veq.s32 v56, $0x0;
	v57 =	vshrl.u32 v2, $0x10;
	v2 =	vand.u32 $0xFFFF, v2  }
0x70: {  	v58 =	vld [tilespmem:$0x6210];
	v2 =	vsel vm12, v2, v57  }
0x71: {  	[tilespmem:$0x62F0] =	vst v2  }
0x72: {  	v2 =	vld.idx.msk [tilespmem:v3+s3+$0x0], $0xffff;
	_ =	sdelay $0x2  }
0x73: {  	v3 =	vshrl.u32 v58, $0x1  }
0x74: {  	v59 =	vand.u32 $0x1, v55  }
0x75: {  	vm13 =	veq.s32 v59, $0x0;
	v60 =	vshrl.u32 v2, $0x10;
	v2 =	vand.u32 $0xFFFF, v2  }
0x76: {  	v61 =	vld [tilespmem:$0x6220];
	v2 =	vsel vm13, v2, v60  }
0x77: {  	[tilespmem:$0x6300] =	vst v2  }
0x78: {  	v2 =	vld.idx.msk [tilespmem:v3+s3+$0x0], $0xffff;
	_ =	sdelay $0x2  }
0x79: {  	v3 =	vshrl.u32 v61, $0x1  }
0x7a: {  	v62 =	vand.u32 $0x1, v58  }
0x7b: {  	vm14 =	veq.s32 v62, $0x0;
	v63 =	vshrl.u32 v2, $0x10;
	v2 =	vand.u32 $0xFFFF, v2  }
0x7c: {  	v2 =	vsel vm14, v2, v63  }
0x7d: {  	[tilespmem:$0x6310] =	vst v2  }
0x7e: {  	v2 =	vld.idx.msk [tilespmem:v3+s3+$0x0], $0xffff;
	_ =	sdelay $0x3  }
0x7f: {  	v3 =	vand.u32 $0x1, v61  }
0x80: {  	vm15 =	veq.s32 v3, $0x0;
	v3 =	vshrl.u32 v2, $0x10;
	v2 =	vand.u32 $0xFFFF, v2  }
0x81: {  	v2 =	vsel vm15, v2, v3  }
0x82: {  	s16 =	rddreg [dreg:$0x4];
	[tilespmem:$0x6320] =	vst v2  }
0x83: {  	[tilespmem:s19], [sflag:$0x1] =	stream.indirect.gather [hbm4b:s16+s22], $0x40, s21, s22, $0xb8;
	[tilespmem:$0x1CDB0] =	vst v63  }
0x84: {  	_ =	swait.ge [sflag:s23], $0x2000  }
0x85: {  	s4 =	sadd.s32 $0xFFFFFFFF, s4;
	[sflag:s23] =	ssyncset.done $0x0  }
0x86: {  	p3 =	sne.s32 s4, $0x0;
	[sflag:s23] =	ssyncadd.s32 $0xFFFFE000  }
0x87: {  	[spmem:s1] =	stream.indirect.scatter.add.f32 [tilespmem:s19], [sflag:$0x2], $0x40, s24, s22, $0xb8;
	[tilespmem:$0x1CDB0] =	vst v63  }
.Ltmp5:
0x88: {  	_ =	swait.ge [sflag:s18], $0x2000;
	(pc) =	sbr.rel @!p3 .LBB2_11-.Ltmp5, $4  }
0x89: {  	[sflag:s18] =	ssyncset.done $0x0  }
0x8a: {  	s9 =	simm.s32 $0x1;
	s7 =	sadd.s32 $0x800, s8;
	[sflag:s18] =	ssyncadd.s32 $0xFFFFE000  }
0x8b: {  	[spmem:s2] =	stream.indirect.scatter.add.f32 [tilespmem:s20], [sflag:$0x2], $0x10, s24, s22, $0xb8;
	[tilespmem:$0x1CDB0] =	vst v63  }
0x8c: {  	p2 =	por $0x1, $0x1;
	s14 =	sadd.s32 $0x100, s10;
	_ =	swait.ge [sflag:s18], $0x800  }
.LBB2_10:
0x8d: {  	[sflag:s18] =	ssyncset.done $0x0  }
0x8e: {  	s10 =	sadd.s32 @p0 $0x186A0, s14;
	[sflag:s18] =	ssyncadd.s32 $0xFFFFF800  }
0x8f: {  	[tilespmem:s29], [sflag:$0x2] =	stream.linear.gather @p0 [hbm4b:s10+s28], $0x80, $0x38;
	[tilespmem:$0x1CDB0] =	vst v63  }
0x90: {  	s12 =	sshll.u32 s9, $0xB;
	_ =	swait.ge @p0 [sflag:s26], $0x80  }
0x91: {  	s10 =	sor.u32 s8, s12;
	[sflag:s26] =	ssyncset.done @p0 $0x0  }
0x92: {  	s10 =	sadd.s32 @!p0 $0xC3500, s10;
	[sflag:s26] =	ssyncadd.s32 @p0 $0xFFFFFF80  }
0x93: {  	[tilespmem:s30], [sflag:$0x2] =	stream.linear.gather @!p0 [hbm4b:s14+s31], $0x80, $0x38;
	[tilespmem:$0x1CDB0] =	vst v63  }
0x94: {  	s10 =	smov.u32 @p0 s7;
	_ =	swait.ge @!p0 [sflag:s0], $0x80  }
0x95: {  	s10 =	sshrl.u32 s10, $0x3;
	[sflag:s0] =	ssyncset.done @!p0 $0x0  }
0x96: {  	s15 =	sadd.s32 s5, s10;
	[sflag:s0] =	ssyncadd.s32 @!p0 $0xFFFFFF80  }
0x97: {  	[tilespmem:s21], [sflag:$0x2] =	stream.linear.gather [hbm4b:s15+s3], $0x80, $0x38;
	[tilespmem:$0x1CDB0] =	vst v63  }
0x98: {  	_ =	swait.ge [sflag:s18], $0x80  }
0x99: {  	[sflag:s18] =	ssyncset.done $0x0  }
0x9a: {  	[sflag:s18] =	ssyncadd.s32 $0xFFFFFF80  }
0x9b: {  	v2 =	vld [tilespmem:$0x61B0];
	_ =	sdelay $0x4  }
0x9c: {  	v7 =	vshrl.u32 v2, $0x1;
	_ =	sdelay $0x2  }
0x9d: {  	v3 =	vld [tilespmem:$0x61C0];
	_ =	sdelay $0x1  }
0x9e: {  	v7 =	vld.idx.msk [tilespmem:v7+s3+$0x0], $0xffff;
	_ =	sdelay $0x2  }
0x9f: {  	v9 =	vand.u32 $0x1, v3;
	v3 =	vshrl.u32 v3, $0x1  }
0xa0: {  	v2 =	vand.u32 $0x1, v2  }
0xa1: {  	vm0 =	veq.s32 v2, $0x0;
	v2 =	vshrl.u32 v7, $0x10;
	v7 =	vand.u32 $0xFFFF, v7  }
0xa2: {  	v4 =	vld [tilespmem:$0x61D0];
	v2 =	vsel vm0, v7, v2  }
0xa3: {  	[tilespmem:$0x62B0] =	vst v2  }
0xa4: {  	v2 =	vld.idx.msk [tilespmem:v3+s3+$0x0], $0xffff;
	_ =	sdelay $0x2  }
0xa5: {  	v3 =	vshrl.u32 v4, $0x1;
	_ =	sdelay $0x1  }
0xa6: {  	vm9 =	veq.s32 v9, $0x0;
	v58 =	vshrl.u32 v2, $0x10;
	v2 =	vand.u32 $0xFFFF, v2  }
0xa7: {  	v5 =	vld [tilespmem:$0x61E0];
	v2 =	vsel vm9, v2, v58  }
0xa8: {  	[tilespmem:$0x62C0] =	vst v2  }
0xa9: {  	v2 =	vld.idx.msk [tilespmem:v3+s3+$0x0], $0xffff;
	_ =	sdelay $0x2  }
0xaa: {  	v3 =	vshrl.u32 v5, $0x1  }
0xab: {  	v11 =	vand.u32 $0x1, v4  }
0xac: {  	vm10 =	veq.s32 v11, $0x0;
	v59 =	vshrl.u32 v2, $0x10;
	v2 =	vand.u32 $0xFFFF, v2  }
0xad: {  	v6 =	vld [tilespmem:$0x61F0];
	v2 =	vsel vm10, v2, v59  }
0xae: {  	[tilespmem:$0x62D0] =	vst v2  }
0xaf: {  	v2 =	vld.idx.msk [tilespmem:v3+s3+$0x0], $0xffff;
	_ =	sdelay $0x2  }
0xb0: {  	v3 =	vshrl.u32 v6, $0x1  }
0xb1: {  	v13 =	vand.u32 $0x1, v5  }
0xb2: {  	vm11 =	veq.s32 v13, $0x0;
	v60 =	vshrl.u32 v2, $0x10;
	v2 =	vand.u32 $0xFFFF, v2  }
0xb3: {  	v8 =	vld [tilespmem:$0x6200];
	v2 =	vsel vm11, v2, v60  }
0xb4: {  	[tilespmem:$0x62E0] =	vst v2  }
0xb5: {  	v2 =	vld.idx.msk [tilespmem:v3+s3+$0x0], $0xffff;
	_ =	sdelay $0x2  }
0xb6: {  	v3 =	vshrl.u32 v8, $0x1  }
0xb7: {  	v14 =	vand.u32 $0x1, v6  }
0xb8: {  	vm12 =	veq.s32 v14, $0x0;
	v61 =	vshrl.u32 v2, $0x10;
	v2 =	vand.u32 $0xFFFF, v2  }
0xb9: {  	v10 =	vld [tilespmem:$0x6210];
	v2 =	vsel vm12, v2, v61  }
0xba: {  	[tilespmem:$0x62F0] =	vst v2  }
0xbb: {  	v2 =	vld.idx.msk [tilespmem:v3+s3+$0x0], $0xffff;
	_ =	sdelay $0x2  }
0xbc: {  	v3 =	vshrl.u32 v10, $0x1  }
0xbd: {  	v15 =	vand.u32 $0x1, v8  }
0xbe: {  	vm13 =	veq.s32 v15, $0x0;
	v62 =	vshrl.u32 v2, $0x10;
	v2 =	vand.u32 $0xFFFF, v2  }
0xbf: {  	v12 =	vld [tilespmem:$0x6220];
	v2 =	vsel vm13, v2, v62  }
0xc0: {  	[tilespmem:$0x6300] =	vst v2  }
0xc1: {  	v2 =	vld.idx.msk [tilespmem:v3+s3+$0x0], $0xffff;
	_ =	sdelay $0x2  }
0xc2: {  	v3 =	vshrl.u32 v12, $0x1  }
0xc3: {  	v16 =	vand.u32 $0x1, v10  }
0xc4: {  	vm14 =	veq.s32 v16, $0x0;
	v63 =	vshrl.u32 v2, $0x10;
	v2 =	vand.u32 $0xFFFF, v2  }
0xc5: {  	v2 =	vsel vm14, v2, v63  }
0xc6: {  	[tilespmem:$0x6310] =	vst v2  }
0xc7: {  	v2 =	vld.idx.msk [tilespmem:v3+s3+$0x0], $0xffff;
	_ =	sdelay $0x3  }
0xc8: {  	v17 =	vand.u32 $0x1, v12  }
0xc9: {  	vm15 =	veq.s32 v17, $0x0;
	v3 =	vshrl.u32 v2, $0x10;
	v2 =	vand.u32 $0xFFFF, v2  }
0xca: {  	v2 =	vsel vm15, v2, v3  }
0xcb: {  	s16 =	rddreg [dreg:$0x4];
	[tilespmem:$0x6320] =	vst v2  }
0xcc: {  	[tilespmem:s19], [sflag:$0x1] =	stream.indirect.gather [hbm4b:s16+s22], $0x40, s21, s22, $0xb8;
	[tilespmem:$0x1CDB0] =	vst v63  }
0xcd: {  	_ =	swait.ge [sflag:s23], $0x2000  }
0xce: {  	s4 =	sadd.s32 $0xFFFFFFFF, s4;
	[sflag:s23] =	ssyncset.done $0x0  }
0xcf: {  	p3 =	sne.s32 s4, $0x0;
	[sflag:s23] =	ssyncadd.s32 $0xFFFFE000  }
0xd0: {  	[spmem:s1] =	stream.indirect.scatter.add.f32 [tilespmem:s19], [sflag:$0x2], $0x40, s24, s22, $0xb8;
	[tilespmem:$0x1CDB0] =	vst v63  }
.Ltmp6:
0xd1: {  	_ =	swait.ge [sflag:s18], $0x2000;
	(pc) =	sbr.rel @p3 .LBB2_10-.Ltmp6, $4  }
0xd2: {  	s6 =	simm.s32 @p0 $0x0;
	[sflag:s18] =	ssyncset.done $0x0  }
0xd3: {  	s9 =	sadd.s32 $0x1, s9;
	s28 =	smov.u32 s6;
	[sflag:s18] =	ssyncadd.s32 $0xFFFFE000  }
0xd4: {  	[spmem:s2] =	stream.indirect.scatter.add.f32 [tilespmem:s20], [sflag:$0x2], $0x10, s24, s22, $0xb8;
	[tilespmem:$0x1CDB0] =	vst v63  }
0xd5: {  	s7 =	sadd.s32 $0x800, s7;
	s14 =	sadd.s32 $0x100, s14;
	_ =	swait.ge [sflag:s18], $0x800  }
.LBB2_11:
0xd6: {  	[sflag:s18] =	ssyncset.done @p2 $0x0  }
0xd7: {  	s0 =	sadd.s32 @p0 $0x186A0, s14;
	s4 =	simm.s32 @p0 $0x61B0;
	[sflag:s18] =	ssyncadd.s32 @p2 $0xFFFFF800  }
0xd8: {  	[tilespmem:s4], [sflag:$0x2] =	stream.linear.gather @p0 [hbm4b:s0+s28], $0x80, $0x38;
	[tilespmem:$0x1CDB0] =	vst v63  }
0xd9: {  	s16 =	sshll.u32 s9, $0xB;
	s6 =	simm.s32 @!p0 $0x0;
	_ =	swait.ge @p0 [sflag:s26], $0x80  }
0xda: {  	s9 =	simm.s32 @!p0 $0x2;
	s0 =	sor.u32 s8, s16;
	[sflag:s26] =	ssyncset.done @p0 $0x0  }
0xdb: {  	s4 =	simm.s32 @!p0 $0x61B0;
	s0 =	sadd.s32 @!p0 $0xC3500, s0;
	[sflag:s26] =	ssyncadd.s32 @p0 $0xFFFFFF80  }
0xdc: {  	[tilespmem:s4], [sflag:$0x2] =	stream.linear.gather @!p0 [hbm4b:s14+s6], $0x80, $0x38;
	[tilespmem:$0x1CDB0] =	vst v63  }
0xdd: {  	s0 =	smov.u32 @p0 s7;
	_ =	swait.ge @!p0 [sflag:s9], $0x80  }
0xde: {  	s0 =	sshrl.u32 s0, $0x3;
	[sflag:s9] =	ssyncset.done @!p0 $0x0  }
0xdf: {  	s0 =	sadd.s32 s5, s0;
	[sflag:s9] =	ssyncadd.s32 @!p0 $0xFFFFFF80  }
0xe0: {  	[tilespmem:s21], [sflag:$0x2] =	stream.linear.gather [hbm4b:s0+s3], $0x80, $0x38;
	[tilespmem:$0x1CDB0] =	vst v63  }
0xe1: {  	_ =	swait.ge [sflag:s18], $0x80  }
0xe2: {  	[sflag:s18] =	ssyncset.done $0x0  }
0xe3: {  	[sflag:s18] =	ssyncadd.s32 $0xFFFFFF80  }
0xe4: {  	v2 =	vld [tilespmem:$0x61B0];
	_ =	sdelay $0x4  }
0xe5: {  	v3 =	vshrl.u32 v2, $0x1;
	_ =	sdelay $0x2  }
0xe6: {  	v4 =	vld [tilespmem:$0x61C0];
	_ =	sdelay $0x1  }
0xe7: {  	v3 =	vld.idx.msk [tilespmem:v3+s3+$0x0], $0xffff;
	_ =	sdelay $0x2  }
0xe8: {  	v5 =	vshrl.u32 v4, $0x1  }
0xe9: {  	v2 =	vand.u32 $0x1, v2  }
0xea: {  	vm0 =	veq.s32 v2, $0x0;
	v2 =	vshrl.u32 v3, $0x10;
	v3 =	vand.u32 $0xFFFF, v3  }
0xeb: {  	v6 =	vld [tilespmem:$0x61D0];
	v2 =	vsel vm0, v3, v2  }
0xec: {  	[tilespmem:$0x62B0] =	vst v2  }
0xed: {  	v2 =	vld.idx.msk [tilespmem:v5+s3+$0x0], $0xffff;
	_ =	sdelay $0x2  }
0xee: {  	v3 =	vshrl.u32 v6, $0x1  }
0xef: {  	v4 =	vand.u32 $0x1, v4  }
0xf0: {  	vm9 =	veq.s32 v4, $0x0;
	v48 =	vshrl.u32 v2, $0x10;
	v2 =	vand.u32 $0xFFFF, v2  }
0xf1: {  	v49 =	vld [tilespmem:$0x61E0];
	v2 =	vsel vm9, v2, v48  }
0xf2: {  	[tilespmem:$0x62C0] =	vst v2  }
0xf3: {  	v2 =	vld.idx.msk [tilespmem:v3+s3+$0x0], $0xffff;
	_ =	sdelay $0x2  }
0xf4: {  	v3 =	vshrl.u32 v49, $0x1  }
0xf5: {  	v50 =	vand.u32 $0x1, v6  }
0xf6: {  	vm10 =	veq.s32 v50, $0x0;
	v51 =	vshrl.u32 v2, $0x10;
	v2 =	vand.u32 $0xFFFF, v2  }
0xf7: {  	v52 =	vld [tilespmem:$0x61F0];
	v2 =	vsel vm10, v2, v51  }
0xf8: {  	[tilespmem:$0x62D0] =	vst v2  }
0xf9: {  	v2 =	vld.idx.msk [tilespmem:v3+s3+$0x0], $0xffff;
	_ =	sdelay $0x2  }
0xfa: {  	v3 =	vshrl.u32 v52, $0x1  }
0xfb: {  	v53 =	vand.u32 $0x1, v49  }
0xfc: {  	vm11 =	veq.s32 v53, $0x0;
	v54 =	vshrl.u32 v2, $0x10;
	v2 =	vand.u32 $0xFFFF, v2  }
0xfd: {  	v55 =	vld [tilespmem:$0x6200];
	v2 =	vsel vm11, v2, v54  }
0xfe: {  	[tilespmem:$0x62E0] =	vst v2  }
0xff: {  	v2 =	vld.idx.msk [tilespmem:v3+s3+$0x0], $0xffff;
	_ =	sdelay $0x2  }
0x100: {  	v3 =	vshrl.u32 v55, $0x1  }
0x101: {  	v56 =	vand.u32 $0x1, v52  }
0x102: {  	vm12 =	veq.s32 v56, $0x0;
	v57 =	vshrl.u32 v2, $0x10;
	v2 =	vand.u32 $0xFFFF, v2  }
0x103: {  	v58 =	vld [tilespmem:$0x6210];
	v2 =	vsel vm12, v2, v57  }
0x104: {  	[tilespmem:$0x62F0] =	vst v2  }
0x105: {  	v2 =	vld.idx.msk [tilespmem:v3+s3+$0x0], $0xffff;
	_ =	sdelay $0x2  }
0x106: {  	v3 =	vshrl.u32 v58, $0x1  }
0x107: {  	v59 =	vand.u32 $0x1, v55  }
0x108: {  	vm13 =	veq.s32 v59, $0x0;
	v60 =	vshrl.u32 v2, $0x10;
	v2 =	vand.u32 $0xFFFF, v2  }
0x109: {  	v61 =	vld [tilespmem:$0x6220];
	v2 =	vsel vm13, v2, v60  }
0x10a: {  	[tilespmem:$0x6300] =	vst v2  }
0x10b: {  	v2 =	vld.idx.msk [tilespmem:v3+s3+$0x0], $0xffff;
	_ =	sdelay $0x2  }
0x10c: {  	v3 =	vshrl.u32 v61, $0x1  }
0x10d: {  	v62 =	vand.u32 $0x1, v58  }
0x10e: {  	vm14 =	veq.s32 v62, $0x0;
	v63 =	vshrl.u32 v2, $0x10;
	v2 =	vand.u32 $0xFFFF, v2  }
0x10f: {  	v2 =	vsel vm14, v2, v63  }
0x110: {  	[tilespmem:$0x6310] =	vst v2  }
0x111: {  	v2 =	vld.idx.msk [tilespmem:v3+s3+$0x0], $0xffff;
	_ =	sdelay $0x3  }
0x112: {  	v3 =	vand.u32 $0x1, v61  }
0x113: {  	vm15 =	veq.s32 v3, $0x0;
	v3 =	vshrl.u32 v2, $0x10;
	v2 =	vand.u32 $0xFFFF, v2  }
0x114: {  	v2 =	vsel vm15, v2, v3  }
0x115: {  	s29 =	rddreg [dreg:$0x4];
	[tilespmem:$0x6320] =	vst v2  }
0x116: {  	[tilespmem:s19], [sflag:$0x1] =	stream.indirect.gather [hbm4b:s29+s22], $0x40, s21, s22, $0xb8;
	[tilespmem:$0x1CDB0] =	vst v63  }
0x117: {  	_ =	swait.ge [sflag:s23], $0x2000  }
0x118: {  	[sflag:s23] =	ssyncset.done $0x0  }
0x119: {  	[sflag:s23] =	ssyncadd.s32 $0xFFFFE000  }
0x11a: {  	[spmem:s1] =	stream.indirect.scatter.add.f32 [tilespmem:s19], [sflag:$0x2], $0x40, s24, s22, $0xb8;
	[tilespmem:$0x1CDB0] =	vst v63  }
0x11b: {  	_ =	swait.ge [sflag:s18], $0x2000  }
0x11c: {  	[sflag:s18] =	ssyncset.done $0x0  }
0x11d: {  	[sflag:s18] =	ssyncadd.s32 $0xFFFFE000  }
0x11e: {  	[spmem:s2] =	stream.indirect.scatter.add.f32 [tilespmem:s20], [sflag:$0x2], $0x10, s24, s22, $0xb8;
	[tilespmem:$0x1CDB0] =	vst v63  }
0x11f: {  	_ =	swait.ge [sflag:s18], $0x800  }
0x120: {  	[sflag:s18] =	ssyncset.done $0x0  }
0x121: {  	s15 =	sadd.s32 $0xFFFFFFFF, s13;
	[sflag:s18] =	ssyncadd.s32 $0xFFFFF800  }
0x122: {  	p2 =	sne.s32 s15, $0x0;
	[bflag:$0x0] =	sbarrier.arrive $0xFFFF  }
.Ltmp7:
0x123: {  	s9 =	rddreg [dreg:$0xe];
	(pc) =	sbr.rel @!p2 .LBB2_16-.Ltmp7, $4  }
0x124: {  	s16 =	rddreg [dreg:$0xa]  }
0x125: {  	s11 =	smov.u32 s17;
	s30 =	rddreg [dreg:$0xd]  }
0x126: {  	s7 =	smov.u32 s25;
	s4 =	stileid.u32;
	s31 =	rddreg [dreg:$0xc]  }
0x127: {  	s0 =	sshll.u32 @p0 s4, $0x6;
	s4 =	sshll.u32 @!p0 s4, $0x6;
	s14 =	rddreg [dreg:$0xf]  }
0x128: {  	s14 =	sor.u32 @p0 $0x1C03, s0;
	s6 =	sshrl.u32 @p0 s17, $0x3  }
0x129: {  	s26 =	simm.s32 @p0 $0x3;
	s12 =	rddreg [dreg:$0xa];
	s7 =	sshrl.u32 @!p0 s17, $0x3  }
0x12a: {  	s29 =	simm.s32 @!p0 $0x3;
	s9 =	sshrl.u32 @p0 s25, $0x3;
	s10 =	sor.u32 @!p0 $0x1C03, s4  }
0x12b: {  	[hbm:s12], [sflag:s14] =	dma.local @p0 [spmem:s6], $0x400  }
0x12c: {  	s15 =	sadd.s32 $0xFFFFFFFF, s15;
	s28 =	simm.s32 @!p0 $0x3;
	_ =	swait.ge @p0 [sflag:s26], $0x400  }
0x12d: {  	s11 =	sadd.s32 $0x20000, s17;
	[dreg:$0x10] =	wrdreg s4;
	[sflag:s26] =	ssyncset.done @p0 $0x0  }
0x12e: {  	s6 =	sor.u32 @p0 $0x1C02, s0;
	s16 =	rddreg [dreg:$0xd];
	[sflag:s26] =	ssyncadd.s32 @p0 $0xFFFFFC00  }
0x12f: {  	[hbm:s16], [sflag:s6] =	dma.local @p0 [spmem:s9], $0x100  }
0x130: {  	p1 =	por $0x1, $0x1;
	p2 =	sne.s32 s15, $0x0;
	s13 =	rddreg [dreg:$0xc]  }
0x131: {  	[hbm:s13], [sflag:s10] =	dma.local @!p0 [spmem:s7], $0x400  }
0x132: {  	s28 =	simm.s32 @p0 $0x2;
	s30 =	sadd.s32 $0x1000, s16;
	_ =	swait.ge @!p0 [sflag:s29], $0x400  }
.Ltmp8:
0x133: {  	s16 =	sadd.s32 $0x4000, s12;
	[sflag:s29] =	ssyncset.done @!p0 $0x0;
	(pc) =	sbr.rel @!p2 .LBB2_13-.Ltmp8, $4  }
0x134: {  	s7 =	sshrl.u32 @!p0 s25, $0x3;
	s4 =	rddreg [dreg:$0xe];
	[sflag:s29] =	ssyncadd.s32 @!p0 $0xFFFFFC00  }
0x135: {  	[hbm:s4], [sflag:s10] =	dma.local @!p0 [spmem:s7], $0x100  }
0x136: {  	s31 =	sadd.s32 $0x4000, s13;
	s9 =	sadd.s32 $0x1000, s4;
	_ =	swait.ge [sflag:s28], $0x100  }
0x137: {  	s7 =	sadd.s32 $0x8000, s25;
	s4 =	smov.u32 s17;
	[sflag:s28] =	ssyncset.done $0x0  }
.LBB2_14:
0x138: {  	s15 =	sadd.s32 $0xFFFFFFFF, s15  }
0x139: {  	[sflag:s28] =	ssyncadd.s32 $0xFFFFFF00;
	s17 =	smov.u32 s7;
	s13 =	smov.u32 s9  }
0x13a: {  	s12 =	sshrl.u32 @p0 s11, $0x3  }
0x13b: {  	[hbm:s16], [sflag:s14] =	dma.local @p0 [spmem:s12], $0x400  }
0x13c: {  	s12 =	sshrl.u32 @!p0 s11, $0x3;
	_ =	swait.ge @p0 [sflag:s26], $0x400  }
0x13d: {  	s25 =	sshrl.u32 @p0 s7, $0x3;
	[sflag:s26] =	ssyncset.done @p0 $0x0  }
0x13e: {  	[sflag:s26] =	ssyncadd.s32 @p0 $0xFFFFFC00  }
0x13f: {  	[hbm:s30], [sflag:s6] =	dma.local @p0 [spmem:s25], $0x100  }
0x140: {  	[hbm:s31], [sflag:s10] =	dma.local @!p0 [spmem:s12], $0x400  }
0x141: {  	s7 =	sadd.s32 $0x8000, s7;
	p2 =	sne.s32 s15, $0x0;
	_ =	swait.ge @!p0 [sflag:s29], $0x400  }
.Ltmp9:
0x142: {  	s9 =	sadd.s32 $0x1000, s9;
	[sflag:s29] =	ssyncset.done @!p0 $0x0;
	(pc) =	sbr.rel @p2 .LBB2_14-.Ltmp9, $4  }
0x143: {  	s12 =	sshrl.u32 @!p0 s17, $0x3;
	[sflag:s29] =	ssyncadd.s32 @!p0 $0xFFFFFC00  }
0x144: {  	[hbm:s13], [sflag:s10] =	dma.local @!p0 [spmem:s12], $0x100  }
0x145: {  	s11 =	sadd.s32 $0x20000, s11;
	s30 =	sadd.s32 $0x1000, s30;
	_ =	swait.ge [sflag:s28], $0x100  }
0x146: {  	s16 =	sadd.s32 $0x4000, s16;
	s31 =	sadd.s32 $0x4000, s31;
	[sflag:s28] =	ssyncset.done $0x0  }
0x147: {  	s13 =	rddreg [dreg:$0x5]  }
0x148: {  	s25 =	rddreg [dreg:$0x9]  }
0x149: {  	s14 =	rddreg [dreg:$0xf]  }
0x14a: {  	s17 =	smov.u32 s4;
	s4 =	rddreg [dreg:$0x10]  }
.LBB2_16:
0x14b: {  	[sflag:s28] =	ssyncadd.s32 @p1 $0xFFFFFF00  }
0x14c: {  	s6 =	sor.u32 @p0 $0x1C03, s0;
	s10 =	sshrl.u32 @p0 s11, $0x3;
	s12 =	simm.s32 @p0 $0x3  }
0x14d: {  	[hbm:s16], [sflag:s6] =	dma.local @p0 [spmem:s10], $0x400  }
0x14e: {  	s0 =	sor.u32 @p0 $0x1C02, s0;
	_ =	swait.ge @p0 [sflag:s12], $0x400  }
0x14f: {  	s4 =	sor.u32 @!p0 $0x1C03, s4;
	s6 =	sshrl.u32 @!p0 s11, $0x3;
	[sflag:s12] =	ssyncset.done @p0 $0x0  }
0x150: {  	s10 =	simm.s32 @!p0 $0x3;
	s11 =	sshrl.u32 @p0 s7, $0x3;
	[sflag:s12] =	ssyncadd.s32 @p0 $0xFFFFFC00  }
0x151: {  	[hbm:s30], [sflag:s0] =	dma.local @p0 [spmem:s11], $0x100  }
0x152: {  	[hbm:s31], [sflag:s4] =	dma.local @!p0 [spmem:s6], $0x400  }
0x153: {  	_ =	swait.ge @!p0 [sflag:s10], $0x400  }
0x154: {  	[sflag:s10] =	ssyncset.done @!p0 $0x0  }
0x155: {  	s0 =	sshrl.u32 @!p0 s7, $0x3;
	[sflag:s10] =	ssyncadd.s32 @!p0 $0xFFFFFC00;
	s10 =	simm.s32 @p0 $0x2  }
0x156: {  	[hbm:s9], [sflag:s4] =	dma.local @!p0 [spmem:s0], $0x100  }
0x157: {  	_ =	swait.ge [sflag:s10], $0x100  }
0x158: {  	s7 =	sadd.s32 $0x1, s14;
	s31 =	rddreg [dreg:$0x7]  }
0x159: {  	p1 =	sne.s32 s7, s31  }
.Ltmp10:
0x15a: {  	_ = 	snop;
	(pc) =	sbr.rel @p1 .LBB2_1-.Ltmp10, $4  }
.Ltmp11:
0x15b: {  	_ = 	snop;
	(pc) =	sbr.rel @!p1 .LBB2_17-.Ltmp11, $4  }
0x15c: {  	_ = 	snop  }
0x15d: {  	[sflag:s10] =	ssyncset.done $0x0  }
0x15e: {  	[sflag:s10] =	ssyncadd.s32 $0xFFFFFF00  }
0x15f: {  	_ = 	snop  }
.LBB2_8:
.Ltmp12:
0x160: {  	(pc) =	sbr.rel .LBB2_11-.Ltmp12, $2  }
0x161: {  	_ =	sdelay $0x2  }
0x162: {  	s14 =	rddreg [dreg:$0xb];
	s7 =	smov.u32 s8;
	p2 =	por $0x0, $0x0  }
.LBB2_13:
.Ltmp13:
0x163: {  	(pc) =	sbr.rel .LBB2_16-.Ltmp13, $4  }
0x164: {  	s13 =	rddreg [dreg:$0x5]  }
0x165: {  	s25 =	rddreg [dreg:$0x9]  }
0x166: {  	s14 =	rddreg [dreg:$0xf]  }
0x167: {  	s17 =	smov.u32 s4;
	s4 =	rddreg [dreg:$0x10]  }
.LBB2_17:
0x168: {  	_ =	sfence.sel $0x180000  }
0x169: {  	[bflag:$0x0] =	sbarrier.arrive $0xFFFF  }
0x16a: {  	_ =	strace $0x9000004A  }
0x16b: {  	s0 =	stileid.u32;
	[bflag:$0x2] =	sbarrier.arrive $0xFFFF  }
0x16c: {  	p0 =	sne.s32 s0, $0x0;
	s0 =	rddreg [dreg:$0x3]  }
0x16d: {  	s0 =	sadd.s32 @!p0 $0x100000, s0  }
0x16e: {  	[sflag:s0] =	ssyncadd.tile.s32 @!p0 $0x1;
	_ =	shalt  }
.Lfunc_end2:
_tile_overlayer_lowered:
.L_overlay_start_2:
0x16f: {  	(tag) =	ssettag $0x2  }
0x170: {  	s0 =	rddreg [dreg:$0x0];
	s2 =	stileid.u32  }
0x171: {  	s1 =	rddreg [dreg:$0x1];
	p0 =	sne.s32 s2, $0x0  }
0x172: {  	s3 =	rddreg [dreg:$0x2];
	[bflag:$0x3] =	sbarrier.arrive $0xFFFF;
	s2 =	simm.s32 @!p0 $0x1C02  }
0x173: {  	[timem:s3], [sflag:s2] =	dma.local @!p0 [hbm:s0], s1  }
0x174: {  	s0 =	simm.s32 @!p0 $0x2  }
0x175: {  	_ =	swait.ge @!p0 [sflag:s0], s1  }
0x176: {  	s1 =	ssub.s32 @!p0 $0x0, s1;
	[sflag:s0] =	ssyncset.done @!p0 $0x0  }
0x177: {  	[sflag:s0] =	ssyncadd.s32 @!p0 s1  }
0x178: {  	[bflag:$0x3] =	sbarrier.arrive $0xFFFF  }
0x179: {  	_ =	shalt  }

</sc_bundles>
